<compile_context>
chip_gen: v7x
topology: tpu7x:2x2x1
jax: 0.10.2.dev20260603
libtpu: 0.0.44.dev20260713+nightly
codegen_flags: <defaults>
</compile_context>

<pallas_src>
import functools

import jax
import jax.numpy as jnp
from jax import lax
from jax.experimental import pallas as pl
from jax.experimental.pallas import tpu as pltpu
from jax.experimental.pallas import tpu_sc as plsc

_NC, _NS = 2, 16
_NW = _NC * _NS
_D = 64
_V = 1000000
_B = 4096
_S = 200
_RB = 256
_NBLK = _V // _RB
_TAIL = _V - _NBLK * _RB
_LAPS = 124


def _iota16():
    return lax.iota(jnp.int32, 16)


@functools.lru_cache(maxsize=None)
def _build_gather():
    b_per_w = _B // _NW
    mesh = plsc.VectorSubcoreMesh(
        core_axis_name="c", subcore_axis_name="s",
        num_cores=_NC, num_subcores=_NS)

    @functools.partial(
        pl.kernel,
        out_type=jax.ShapeDtypeStruct((_S, 8, _NW, 8, 128), jnp.float32),
        mesh=mesh,
        compiler_params=pltpu.CompilerParams(
            use_tc_tiling_on_sc=False, needs_layout_passes=False),
        scratch_types=[
            pltpu.VMEM((b_per_w, _S), jnp.int32),
            pltpu.VMEM((_S, b_per_w), jnp.int32),
            pltpu.VMEM((2, b_per_w, 128), jnp.float32),
            pltpu.VMEM((2, 8, 8, b_per_w + 8), jnp.float32),
            pltpu.SemaphoreType.DMA,
            pltpu.SemaphoreType.DMA,
            pltpu.SemaphoreType.DMA,
            pltpu.SemaphoreType.DMA,
        ],
    )
    def gkern(ids_hbm, tab_hbm, out_hbm, idx_v, idxT_v, rows_v, rT_v,
              gs0, gs1, ps0, ps1):
        wid = lax.axis_index("s") * _NC + lax.axis_index("c")
        b0 = wid * b_per_w
        gsems = (gs0, gs1)
        psems = (ps0, ps1)
        it = _iota16()

        pltpu.sync_copy(ids_hbm.at[pl.ds(b0, b_per_w)], idx_v)

        @plsc.parallel_loop(0, _S, 1, unroll=4)
        def _(s):
            sv = jnp.full((16,), s, jnp.int32)
            for bg in range(b_per_w // 16):
                v = plsc.load_gather(idx_v, [bg * 16 + it, sv])
                idxT_v[s, pl.ds(bg * 16, 16)] = v

        def g_start(s, buf):
            pltpu.async_copy(
                tab_hbm.at[idxT_v.at[s]], rows_v.at[buf], gsems[buf])

        def g_wait(buf):
            pltpu.make_async_copy(
                tab_hbm.at[pl.ds(0, b_per_w)], rows_v.at[buf], gsems[buf]
            ).wait()

        def put(s, buf):
            pltpu.async_copy(
                rT_v.at[buf, :, :, pl.ds(0, b_per_w)],
                out_hbm.at[s, :, wid], psems[buf])

        def p_wait(buf):
            pltpu.make_async_copy(
                rT_v.at[buf, :, :, pl.ds(0, b_per_w)],
                out_hbm.at[0, :, 0], psems[buf]).wait()

        def transpose_rows(buf):
            rows = rows_v.at[buf]
            rT = rT_v.at[buf]
            chi = [(cg * 16 + it) // 8 for cg in range(4)]
            clo = [(cg * 16 + it) % 8 for cg in range(4)]

            @plsc.parallel_loop(0, b_per_w, 1, unroll=8)
            def _(j):
                jv = jnp.full((16,), j, jnp.int32)
                for cg in range(4):
                    v = plsc.load_gather(
                        rows, [jv, cg * 16 + it])
                    plsc.store_scatter(rT, [chi[cg], clo[cg], jv], v)

        g_start(0, 0)
        g_start(1, 1)
        g_wait(0)
        transpose_rows(0)
        put(0, 0)
        g_start(2, 0)
        g_wait(1)
        transpose_rows(1)
        put(1, 1)
        g_start(3, 1)

        def body(t, carry):
            s = 2 + 2 * t
            g_wait(0)
            p_wait(0)
            transpose_rows(0)
            put(s, 0)

            @pl.when(s + 2 < _S)
            def _():
                g_start(s + 2, 0)

            g_wait(1)
            p_wait(1)
            transpose_rows(1)
            put(s + 1, 1)

            @pl.when(s + 3 < _S)
            def _():
                g_start(s + 3, 1)
            return carry

        lax.fori_loop(0, (_S - 2) // 2, body, 0)
        p_wait(0)
        p_wait(1)

    return gkern


def kernel(input_ids, table):
    tab = jnp.pad(table, ((0, 0), (0, 128 - _D)))
    out5d = _build_gather()(input_ids, tab)
    return out5d.transpose(2, 4, 0, 1, 3).reshape(_B, _S, _D)

# --- scband reference (transcript-rebuilt; emitter-appended) ---
"""Pipeline reference for scband-fmembeddings-75496935129556 (READ-ONLY COPY).

The authoritative reference and input builder live on the scoring server;
editing this copy changes nothing except your own understanding.
"""

import jax, jax.numpy as jnp
import numpy as np

VOCAB = 1000000
D_MODEL = 64
BATCH = 4096
SEQ = 200
PAD_IDX = 0


def setup_inputs(seed: int = 0) -> dict:
    key = jax.random.key(seed)
    k1, k2 = jax.random.split(key)
    # Embedding table (learned parameter); padding row initialized to zero like nn.Embedding(padding_idx=0)
    table = jax.random.normal(k1, (VOCAB, D_MODEL), dtype=jnp.float32) * 0.02
    table = table.at[PAD_IDX].set(0.0)
    input_ids = jax.random.randint(k2, (BATCH, SEQ), 0, VOCAB, dtype=jnp.int32)
    return {"input_ids": input_ids, "table": table}


def reference(input_ids, table):
    # FMEmbeddings.forward: return self.embeddings(input_ids)
    return jnp.take(table, input_ids, axis=0)

if __name__ == "__main__":
    import jax
    _d = setup_inputs()
    print(jax.jit(kernel)(*tuple(_d.values())))

</pallas_src>

<mosaic_0001>
#map = affine_map<(d0, d1) -> (0, 0)>
#map1 = affine_map<(d0, d1) -> (0, 0, 0, 0, 0)>
module attributes {stable_mosaic.version = 14 : i64} {
  func.func @gkern(%arg0: i32, %arg1: i32, %arg2: memref<4096x200xi32, #tpu.memory_space<hbm>>, %arg3: memref<1000000x128xf32, #tpu.memory_space<hbm>>, %arg4: memref<200x8x32x8x128xf32, #tpu.memory_space<hbm>>, %arg5: memref<128x200xi32, #tpu.memory_space<vmem>>, %arg6: memref<200x128xi32, #tpu.memory_space<vmem>>, %arg7: memref<2x128x128xf32, #tpu.memory_space<vmem>>, %arg8: memref<2x8x8x136xf32, #tpu.memory_space<vmem>>, %arg9: memref<!tpu.dma_semaphore, #tpu.memory_space<semaphore_mem>>, %arg10: memref<!tpu.dma_semaphore, #tpu.memory_space<semaphore_mem>>, %arg11: memref<!tpu.dma_semaphore, #tpu.memory_space<semaphore_mem>>, %arg12: memref<!tpu.dma_semaphore, #tpu.memory_space<semaphore_mem>>) attributes {dimension_semantics = [#tpu.dimension_semantics<core_parallel>, #tpu.dimension_semantics<subcore_parallel>], iteration_bounds = array<i64: 2, 16>, scalar_prefetch = 0 : i64, scratch_operands = 8 : i64, tpu.core_type = #tpu.core_type<sc_vector_subcore>, window_params = [{transform_indices = #map}, {transform_indices = #map}, {transform_indices = #map1}]} {
    %mul3A = arith.constant 2 : i32
    %mul3A_0 = arith.muli %arg1, %mul3A : i32
    %add3A = arith.addi %mul3A_0, %arg0 : i32
    %mul3A_1 = arith.constant 128 : i32
    %mul3A_2 = arith.muli %add3A, %mul3A_1 : i32
    %iota3A = tpu.iota {dimensions = array<i32: 0>} : vector<16xi32>
    "tpu.region"() ({
      %run_scoped3A = tpu.sem_alloc : memref<!tpu.dma_semaphore, #tpu.memory_space<semaphore_mem>>
      %dma_start3A_648 = arith.constant 0 : i32
      %dma_start3A_649 = tpu.memref_slice %arg2[%mul3A_2, %dma_start3A_648] : memref<4096x200xi32, #tpu.memory_space<hbm>> -> memref<128x200xi32, #tpu.memory_space<hbm>>
      %dma_start3A_650 = arith.constant 0 : i32
      %dma_start3A_651 = tpu.memref_slice %arg2[%mul3A_2, %dma_start3A_650] : memref<4096x200xi32, #tpu.memory_space<hbm>> -> memref<128x200xi32, #tpu.memory_space<hbm>>
      tpu.enqueue_dma source(%dma_start3A_651 : memref<128x200xi32, #tpu.memory_space<hbm>>) target(%arg5 : memref<128x200xi32, #tpu.memory_space<vmem>>) target_semaphore(%run_scoped3A : memref<!tpu.dma_semaphore, #tpu.memory_space<semaphore_mem>>)
      %dma_wait3A_652 = arith.constant 0 : i32
      %dma_wait3A_653 = tpu.memref_slice %arg2[%mul3A_2, %dma_wait3A_652] : memref<4096x200xi32, #tpu.memory_space<hbm>> -> memref<128x200xi32, #tpu.memory_space<hbm>>
      %dma_wait3A_654 = arith.constant 0 : i32
      %dma_wait3A_655 = tpu.memref_slice %arg2[%mul3A_2, %dma_wait3A_654] : memref<4096x200xi32, #tpu.memory_space<hbm>> -> memref<128x200xi32, #tpu.memory_space<hbm>>
      tpu.wait_dma2 semaphore(%run_scoped3A : memref<!tpu.dma_semaphore, #tpu.memory_space<semaphore_mem>>) src(%dma_wait3A_655 : memref<128x200xi32, #tpu.memory_space<hbm>>) dst(%arg5 : memref<128x200xi32, #tpu.memory_space<vmem>>)
      tpu.yield
    }) : () -> ()
    %parallel_loop3A = arith.constant 0 : i32
    %parallel_loop3A_3 = arith.constant 200 : i32
    %parallel_loop3A_4 = arith.constant 1 : i32
    scf.for %parallel_loop3A_648 = %parallel_loop3A to %parallel_loop3A_3 step %parallel_loop3A_4  : i32 {
      %parallel_loop3A_649 = vector.broadcast %parallel_loop3A_648 : i32 to vector<16xi32>
      %parallel_loop3A_650 = arith.constant 0 : i32
      %parallel_loop3A_651 = vector.broadcast %parallel_loop3A_650 : i32 to vector<16xi32>
      %parallel_loop3A_652 = arith.addi %parallel_loop3A_651, %iota3A : vector<16xi32>
      %parallel_loop3A_653 = tpu.vector_load_idx %arg5[%parallel_loop3A_652, %parallel_loop3A_649] : memref<128x200xi32, #tpu.memory_space<vmem>>[vector<16xi32>, vector<16xi32>], vector<16xi32>,
      %parallel_loop3A_654 = arith.index_cast %parallel_loop3A_648 : i32 to index
      %parallel_loop3A_655 = arith.constant 0 : index
      %parallel_loop3A_656 = tpu.vector_load %arg6[%parallel_loop3A_654, %parallel_loop3A_655] {strides = array<i32>} : memref<200x128xi32, #tpu.memory_space<vmem>>, vector<16xi32>,
      tpu.vector_store %arg6[%parallel_loop3A_654, %parallel_loop3A_655], %parallel_loop3A_653 {strides = array<i32>} : memref<200x128xi32, #tpu.memory_space<vmem>>, vector<16xi32>,
      %parallel_loop3A_657 = arith.constant 16 : i32
      %parallel_loop3A_658 = vector.broadcast %parallel_loop3A_657 : i32 to vector<16xi32>
      %parallel_loop3A_659 = arith.addi %parallel_loop3A_658, %iota3A : vector<16xi32>
      %parallel_loop3A_660 = tpu.vector_load_idx %arg5[%parallel_loop3A_659, %parallel_loop3A_649] : memref<128x200xi32, #tpu.memory_space<vmem>>[vector<16xi32>, vector<16xi32>], vector<16xi32>,
      %parallel_loop3A_661 = arith.index_cast %parallel_loop3A_648 : i32 to index
      %parallel_loop3A_662 = arith.constant 16 : index
      %parallel_loop3A_663 = tpu.vector_load %arg6[%parallel_loop3A_661, %parallel_loop3A_662] {strides = array<i32>} : memref<200x128xi32, #tpu.memory_space<vmem>>, vector<16xi32>,
      tpu.vector_store %arg6[%parallel_loop3A_661, %parallel_loop3A_662], %parallel_loop3A_660 {strides = array<i32>} : memref<200x128xi32, #tpu.memory_space<vmem>>, vector<16xi32>,
      %parallel_loop3A_664 = arith.constant 32 : i32
      %parallel_loop3A_665 = vector.broadcast %parallel_loop3A_664 : i32 to vector<16xi32>
      %parallel_loop3A_666 = arith.addi %parallel_loop3A_665, %iota3A : vector<16xi32>
      %parallel_loop3A_667 = tpu.vector_load_idx %arg5[%parallel_loop3A_666, %parallel_loop3A_649] : memref<128x200xi32, #tpu.memory_space<vmem>>[vector<16xi32>, vector<16xi32>], vector<16xi32>,
      %parallel_loop3A_668 = arith.index_cast %parallel_loop3A_648 : i32 to index
      %parallel_loop3A_669 = arith.constant 32 : index
      %parallel_loop3A_670 = tpu.vector_load %arg6[%parallel_loop3A_668, %parallel_loop3A_669] {strides = array<i32>} : memref<200x128xi32, #tpu.memory_space<vmem>>, vector<16xi32>,
      tpu.vector_store %arg6[%parallel_loop3A_668, %parallel_loop3A_669], %parallel_loop3A_667 {strides = array<i32>} : memref<200x128xi32, #tpu.memory_space<vmem>>, vector<16xi32>,
      %parallel_loop3A_671 = arith.constant 48 : i32
      %parallel_loop3A_672 = vector.broadcast %parallel_loop3A_671 : i32 to vector<16xi32>
      %parallel_loop3A_673 = arith.addi %parallel_loop3A_672, %iota3A : vector<16xi32>
      %parallel_loop3A_674 = tpu.vector_load_idx %arg5[%parallel_loop3A_673, %parallel_loop3A_649] : memref<128x200xi32, #tpu.memory_space<vmem>>[vector<16xi32>, vector<16xi32>], vector<16xi32>,
      %parallel_loop3A_675 = arith.index_cast %parallel_loop3A_648 : i32 to index
      %parallel_loop3A_676 = arith.constant 48 : index
      %parallel_loop3A_677 = tpu.vector_load %arg6[%parallel_loop3A_675, %parallel_loop3A_676] {strides = array<i32>} : memref<200x128xi32, #tpu.memory_space<vmem>>, vector<16xi32>,
      tpu.vector_store %arg6[%parallel_loop3A_675, %parallel_loop3A_676], %parallel_loop3A_674 {strides = array<i32>} : memref<200x128xi32, #tpu.memory_space<vmem>>, vector<16xi32>,
      %parallel_loop3A_678 = arith.constant 64 : i32
      %parallel_loop3A_679 = vector.broadcast %parallel_loop3A_678 : i32 to vector<16xi32>
      %parallel_loop3A_680 = arith.addi %parallel_loop3A_679, %iota3A : vector<16xi32>
      %parallel_loop3A_681 = tpu.vector_load_idx %arg5[%parallel_loop3A_680, %parallel_loop3A_649] : memref<128x200xi32, #tpu.memory_space<vmem>>[vector<16xi32>, vector<16xi32>], vector<16xi32>,
      %parallel_loop3A_682 = arith.index_cast %parallel_loop3A_648 : i32 to index
      %parallel_loop3A_683 = arith.constant 64 : index
      %parallel_loop3A_684 = tpu.vector_load %arg6[%parallel_loop3A_682, %parallel_loop3A_683] {strides = array<i32>} : memref<200x128xi32, #tpu.memory_space<vmem>>, vector<16xi32>,
      tpu.vector_store %arg6[%parallel_loop3A_682, %parallel_loop3A_683], %parallel_loop3A_681 {strides = array<i32>} : memref<200x128xi32, #tpu.memory_space<vmem>>, vector<16xi32>,
      %parallel_loop3A_685 = arith.constant 80 : i32
      %parallel_loop3A_686 = vector.broadcast %parallel_loop3A_685 : i32 to vector<16xi32>
      %parallel_loop3A_687 = arith.addi %parallel_loop3A_686, %iota3A : vector<16xi32>
      %parallel_loop3A_688 = tpu.vector_load_idx %arg5[%parallel_loop3A_687, %parallel_loop3A_649] : memref<128x200xi32, #tpu.memory_space<vmem>>[vector<16xi32>, vector<16xi32>], vector<16xi32>,
      %parallel_loop3A_689 = arith.index_cast %parallel_loop3A_648 : i32 to index
      %parallel_loop3A_690 = arith.constant 80 : index
      %parallel_loop3A_691 = tpu.vector_load %arg6[%parallel_loop3A_689, %parallel_loop3A_690] {strides = array<i32>} : memref<200x128xi32, #tpu.memory_space<vmem>>, vector<16xi32>,
      tpu.vector_store %arg6[%parallel_loop3A_689, %parallel_loop3A_690], %parallel_loop3A_688 {strides = array<i32>} : memref<200x128xi32, #tpu.memory_space<vmem>>, vector<16xi32>,
      %parallel_loop3A_692 = arith.constant 96 : i32
      %parallel_loop3A_693 = vector.broadcast %parallel_loop3A_692 : i32 to vector<16xi32>
      %parallel_loop3A_694 = arith.addi %parallel_loop3A_693, %iota3A : vector<16xi32>
      %parallel_loop3A_695 = tpu.vector_load_idx %arg5[%parallel_loop3A_694, %parallel_loop3A_649] : memref<128x200xi32, #tpu.memory_space<vmem>>[vector<16xi32>, vector<16xi32>], vector<16xi32>,
      %parallel_loop3A_696 = arith.index_cast %parallel_loop3A_648 : i32 to index
      %parallel_loop3A_697 = arith.constant 96 : index
      %parallel_loop3A_698 = tpu.vector_load %arg6[%parallel_loop3A_696, %parallel_loop3A_697] {strides = array<i32>} : memref<200x128xi32, #tpu.memory_space<vmem>>, vector<16xi32>,
      tpu.vector_store %arg6[%parallel_loop3A_696, %parallel_loop3A_697], %parallel_loop3A_695 {strides = array<i32>} : memref<200x128xi32, #tpu.memory_space<vmem>>, vector<16xi32>,
      %parallel_loop3A_699 = arith.constant 112 : i32
      %parallel_loop3A_700 = vector.broadcast %parallel_loop3A_699 : i32 to vector<16xi32>
      %parallel_loop3A_701 = arith.addi %parallel_loop3A_700, %iota3A : vector<16xi32>
      %parallel_loop3A_702 = tpu.vector_load_idx %arg5[%parallel_loop3A_701, %parallel_loop3A_649] : memref<128x200xi32, #tpu.memory_space<vmem>>[vector<16xi32>, vector<16xi32>], vector<16xi32>,
      %parallel_loop3A_703 = arith.index_cast %parallel_loop3A_648 : i32 to index
      %parallel_loop3A_704 = arith.constant 112 : index
      %parallel_loop3A_705 = tpu.vector_load %arg6[%parallel_loop3A_703, %parallel_loop3A_704] {strides = array<i32>} : memref<200x128xi32, #tpu.memory_space<vmem>>, vector<16xi32>,
      tpu.vector_store %arg6[%parallel_loop3A_703, %parallel_loop3A_704], %parallel_loop3A_702 {strides = array<i32>} : memref<200x128xi32, #tpu.memory_space<vmem>>, vector<16xi32>,
    } {sc.loop_unroll_factor = 4 : i64, sc.parallel_access}
    %dma_start3A = arith.constant 0 : i32
    %dma_start3A_5 = arith.constant 0 : i32
    %dma_start3A_6 = arith.constant 0 : i32
    %dma_start3A_7 = arith.constant 0 : i32
    %dma_start3A_8 = tpu.memref_slice %arg7[%dma_start3A_5, %dma_start3A_6, %dma_start3A_7] : memref<2x128x128xf32, #tpu.memory_space<vmem>> -> memref<1x128x128xf32, #tpu.memory_space<vmem>>
    %dma_start3A_9 = tpu.memref_squeeze %dma_start3A_8 : memref<1x128x128xf32, #tpu.memory_space<vmem>> -> memref<128x128xf32, #tpu.memory_space<vmem>>
    %dma_start3A_10 = arith.constant 0 : i32
    %dma_start3A_11 = tpu.memref_slice %arg6[%dma_start3A, %dma_start3A_10] : memref<200x128xi32, #tpu.memory_space<vmem>> -> memref<1x128xi32, #tpu.memory_space<vmem>>
    %dma_start3A_12 = tpu.memref_squeeze %dma_start3A_11 : memref<1x128xi32, #tpu.memory_space<vmem>> -> memref<128xi32, #tpu.memory_space<vmem>>
    %dma_start3A_13 = arith.constant 0 : i32
    %dma_start3A_14 = arith.constant 0 : i32
    %dma_start3A_15 = tpu.memref_slice %arg3[%dma_start3A_13, %dma_start3A_14] : memref<1000000x128xf32, #tpu.memory_space<hbm>> -> memref<1000000x128xf32, #tpu.memory_space<hbm>>
    tpu.enqueue_indirect_dma source(%dma_start3A_15 : memref<1000000x128xf32, #tpu.memory_space<hbm>>) target(%dma_start3A_9 : memref<128x128xf32, #tpu.memory_space<vmem>>) offsets(%dma_start3A_12 : memref<128xi32, #tpu.memory_space<vmem>>) semaphore(%arg9 : memref<!tpu.dma_semaphore, #tpu.memory_space<semaphore_mem>>)
    %dma_start3A_16 = arith.constant 1 : i32
    %dma_start3A_17 = arith.constant 1 : i32
    %dma_start3A_18 = arith.constant 0 : i32
    %dma_start3A_19 = arith.constant 0 : i32
    %dma_start3A_20 = tpu.memref_slice %arg7[%dma_start3A_17, %dma_start3A_18, %dma_start3A_19] : memref<2x128x128xf32, #tpu.memory_space<vmem>> -> memref<1x128x128xf32, #tpu.memory_space<vmem>>
    %dma_start3A_21 = tpu.memref_squeeze %dma_start3A_20 : memref<1x128x128xf32, #tpu.memory_space<vmem>> -> memref<128x128xf32, #tpu.memory_space<vmem>>
    %dma_start3A_22 = arith.constant 0 : i32
    %dma_start3A_23 = tpu.memref_slice %arg6[%dma_start3A_16, %dma_start3A_22] : memref<200x128xi32, #tpu.memory_space<vmem>> -> memref<1x128xi32, #tpu.memory_space<vmem>>
    %dma_start3A_24 = tpu.memref_squeeze %dma_start3A_23 : memref<1x128xi32, #tpu.memory_space<vmem>> -> memref<128xi32, #tpu.memory_space<vmem>>
    %dma_start3A_25 = arith.constant 0 : i32
    %dma_start3A_26 = arith.constant 0 : i32
    %dma_start3A_27 = tpu.memref_slice %arg3[%dma_start3A_25, %dma_start3A_26] : memref<1000000x128xf32, #tpu.memory_space<hbm>> -> memref<1000000x128xf32, #tpu.memory_space<hbm>>
    tpu.enqueue_indirect_dma source(%dma_start3A_27 : memref<1000000x128xf32, #tpu.memory_space<hbm>>) target(%dma_start3A_21 : memref<128x128xf32, #tpu.memory_space<vmem>>) offsets(%dma_start3A_24 : memref<128xi32, #tpu.memory_space<vmem>>) semaphore(%arg10 : memref<!tpu.dma_semaphore, #tpu.memory_space<semaphore_mem>>)
    %dma_wait3A = arith.constant 0 : i32
    %dma_wait3A_28 = arith.constant 0 : i32
    %dma_wait3A_29 = arith.constant 0 : i32
    %dma_wait3A_30 = tpu.memref_slice %arg7[%dma_wait3A, %dma_wait3A_28, %dma_wait3A_29] : memref<2x128x128xf32, #tpu.memory_space<vmem>> -> memref<1x128x128xf32, #tpu.memory_space<vmem>>
    %dma_wait3A_31 = tpu.memref_squeeze %dma_wait3A_30 : memref<1x128x128xf32, #tpu.memory_space<vmem>> -> memref<128x128xf32, #tpu.memory_space<vmem>>
    %dma_wait3A_32 = arith.constant 0 : i32
    %dma_wait3A_33 = arith.constant 0 : i32
    %dma_wait3A_34 = tpu.memref_slice %arg3[%dma_wait3A_32, %dma_wait3A_33] : memref<1000000x128xf32, #tpu.memory_space<hbm>> -> memref<128x128xf32, #tpu.memory_space<hbm>>
    %dma_wait3A_35 = arith.constant 0 : i32
    %dma_wait3A_36 = arith.constant 0 : i32
    %dma_wait3A_37 = tpu.memref_slice %arg7[%dma_wait3A, %dma_wait3A_35, %dma_wait3A_36] : memref<2x128x128xf32, #tpu.memory_space<vmem>> -> memref<1x128x128xf32, #tpu.memory_space<vmem>>
    %dma_wait3A_38 = tpu.memref_squeeze %dma_wait3A_37 : memref<1x128x128xf32, #tpu.memory_space<vmem>> -> memref<128x128xf32, #tpu.memory_space<vmem>>
    %dma_wait3A_39 = arith.constant 0 : i32
    %dma_wait3A_40 = arith.constant 0 : i32
    %dma_wait3A_41 = tpu.memref_slice %arg3[%dma_wait3A_39, %dma_wait3A_40] : memref<1000000x128xf32, #tpu.memory_space<hbm>> -> memref<128x128xf32, #tpu.memory_space<hbm>>
    tpu.wait_dma2 semaphore(%arg9 : memref<!tpu.dma_semaphore, #tpu.memory_space<semaphore_mem>>) src(%dma_wait3A_41 : memref<128x128xf32, #tpu.memory_space<hbm>>) dst(%dma_wait3A_38 : memref<128x128xf32, #tpu.memory_space<vmem>>)
    %add3A_42 = arith.constant 0 : i32
    %add3A_43 = vector.broadcast %add3A_42 : i32 to vector<16xi32>
    %add3A_44 = arith.addi %add3A_43, %iota3A : vector<16xi32>
    %jit3A = arith.constant 8 : i32
    %div3A = vector.broadcast %jit3A : i32 to vector<16xi32>
    %div3A_45 = arith.divsi %add3A_44, %div3A : vector<16xi32>
    %sign3A = arith.constant 0 : i32
    %sign3A_46 = vector.broadcast %sign3A : i32 to vector<16xi32>
    %sign3A_47 = arith.cmpi sgt, %add3A_44, %sign3A_46 : vector<16xi32>
    %sign3A_48 = arith.extui %sign3A_47 : vector<16xi1> to vector<16xi32>
    %sign3A_49 = arith.constant 0 : i32
    %sign3A_50 = vector.broadcast %sign3A_49 : i32 to vector<16xi32>
    %sign3A_51 = arith.cmpi slt, %add3A_44, %sign3A_50 : vector<16xi32>
    %sign3A_52 = arith.extui %sign3A_51 : vector<16xi1> to vector<16xi32>
    %sign3A_53 = arith.subi %sign3A_48, %sign3A_52 : vector<16xi32>
    %sign3A_54 = arith.constant 0 : i32
    %sign3A_55 = arith.cmpi sgt, %jit3A, %sign3A_54 : i32
    %sign3A_56 = arith.extui %sign3A_55 : i1 to i32
    %sign3A_57 = arith.constant 0 : i32
    %sign3A_58 = arith.cmpi slt, %jit3A, %sign3A_57 : i32
    %sign3A_59 = arith.extui %sign3A_58 : i1 to i32
    %sign3A_60 = arith.subi %sign3A_56, %sign3A_59 : i32
    %ne3A = vector.broadcast %sign3A_60 : i32 to vector<16xi32>
    %ne3A_61 = arith.cmpi ne, %sign3A_53, %ne3A : vector<16xi32>
    %rem3A = vector.broadcast %jit3A : i32 to vector<16xi32>
    %rem3A_62 = arith.remsi %add3A_44, %rem3A : vector<16xi32>
    %ne3A_63 = arith.constant 0 : i32
    %ne3A_64 = vector.broadcast %ne3A_63 : i32 to vector<16xi32>
    %ne3A_65 = arith.cmpi ne, %rem3A_62, %ne3A_64 : vector<16xi32>
    %and3A = arith.andi %ne3A_61, %ne3A_65 : vector<16xi1>
    %sub3A = arith.constant 1 : i32
    %sub3A_66 = vector.broadcast %sub3A : i32 to vector<16xi32>
    %sub3A_67 = arith.subi %div3A_45, %sub3A_66 : vector<16xi32>
    %select_n3A = arith.select %and3A, %sub3A_67, %div3A_45 : vector<16xi1>, vector<16xi32>
    %add3A_68 = arith.constant 16 : i32
    %add3A_69 = vector.broadcast %add3A_68 : i32 to vector<16xi32>
    %add3A_70 = arith.addi %add3A_69, %iota3A : vector<16xi32>
    %jit3A_71 = arith.constant 8 : i32
    %div3A_72 = vector.broadcast %jit3A_71 : i32 to vector<16xi32>
    %div3A_73 = arith.divsi %add3A_70, %div3A_72 : vector<16xi32>
    %sign3A_74 = arith.constant 0 : i32
    %sign3A_75 = vector.broadcast %sign3A_74 : i32 to vector<16xi32>
    %sign3A_76 = arith.cmpi sgt, %add3A_70, %sign3A_75 : vector<16xi32>
    %sign3A_77 = arith.extui %sign3A_76 : vector<16xi1> to vector<16xi32>
    %sign3A_78 = arith.constant 0 : i32
    %sign3A_79 = vector.broadcast %sign3A_78 : i32 to vector<16xi32>
    %sign3A_80 = arith.cmpi slt, %add3A_70, %sign3A_79 : vector<16xi32>
    %sign3A_81 = arith.extui %sign3A_80 : vector<16xi1> to vector<16xi32>
    %sign3A_82 = arith.subi %sign3A_77, %sign3A_81 : vector<16xi32>
    %sign3A_83 = arith.constant 0 : i32
    %sign3A_84 = arith.cmpi sgt, %jit3A_71, %sign3A_83 : i32
    %sign3A_85 = arith.extui %sign3A_84 : i1 to i32
    %sign3A_86 = arith.constant 0 : i32
    %sign3A_87 = arith.cmpi slt, %jit3A_71, %sign3A_86 : i32
    %sign3A_88 = arith.extui %sign3A_87 : i1 to i32
    %sign3A_89 = arith.subi %sign3A_85, %sign3A_88 : i32
    %ne3A_90 = vector.broadcast %sign3A_89 : i32 to vector<16xi32>
    %ne3A_91 = arith.cmpi ne, %sign3A_82, %ne3A_90 : vector<16xi32>
    %rem3A_92 = vector.broadcast %jit3A_71 : i32 to vector<16xi32>
    %rem3A_93 = arith.remsi %add3A_70, %rem3A_92 : vector<16xi32>
    %ne3A_94 = arith.constant 0 : i32
    %ne3A_95 = vector.broadcast %ne3A_94 : i32 to vector<16xi32>
    %ne3A_96 = arith.cmpi ne, %rem3A_93, %ne3A_95 : vector<16xi32>
    %and3A_97 = arith.andi %ne3A_91, %ne3A_96 : vector<16xi1>
    %sub3A_98 = arith.constant 1 : i32
    %sub3A_99 = vector.broadcast %sub3A_98 : i32 to vector<16xi32>
    %sub3A_100 = arith.subi %div3A_73, %sub3A_99 : vector<16xi32>
    %select_n3A_101 = arith.select %and3A_97, %sub3A_100, %div3A_73 : vector<16xi1>, vector<16xi32>
    %add3A_102 = arith.constant 32 : i32
    %add3A_103 = vector.broadcast %add3A_102 : i32 to vector<16xi32>
    %add3A_104 = arith.addi %add3A_103, %iota3A : vector<16xi32>
    %jit3A_105 = arith.constant 8 : i32
    %div3A_106 = vector.broadcast %jit3A_105 : i32 to vector<16xi32>
    %div3A_107 = arith.divsi %add3A_104, %div3A_106 : vector<16xi32>
    %sign3A_108 = arith.constant 0 : i32
    %sign3A_109 = vector.broadcast %sign3A_108 : i32 to vector<16xi32>
    %sign3A_110 = arith.cmpi sgt, %add3A_104, %sign3A_109 : vector<16xi32>
    %sign3A_111 = arith.extui %sign3A_110 : vector<16xi1> to vector<16xi32>
    %sign3A_112 = arith.constant 0 : i32
    %sign3A_113 = vector.broadcast %sign3A_112 : i32 to vector<16xi32>
    %sign3A_114 = arith.cmpi slt, %add3A_104, %sign3A_113 : vector<16xi32>
    %sign3A_115 = arith.extui %sign3A_114 : vector<16xi1> to vector<16xi32>
    %sign3A_116 = arith.subi %sign3A_111, %sign3A_115 : vector<16xi32>
    %sign3A_117 = arith.constant 0 : i32
    %sign3A_118 = arith.cmpi sgt, %jit3A_105, %sign3A_117 : i32
    %sign3A_119 = arith.extui %sign3A_118 : i1 to i32
    %sign3A_120 = arith.constant 0 : i32
    %sign3A_121 = arith.cmpi slt, %jit3A_105, %sign3A_120 : i32
    %sign3A_122 = arith.extui %sign3A_121 : i1 to i32
    %sign3A_123 = arith.subi %sign3A_119, %sign3A_122 : i32
    %ne3A_124 = vector.broadcast %sign3A_123 : i32 to vector<16xi32>
    %ne3A_125 = arith.cmpi ne, %sign3A_116, %ne3A_124 : vector<16xi32>
    %rem3A_126 = vector.broadcast %jit3A_105 : i32 to vector<16xi32>
    %rem3A_127 = arith.remsi %add3A_104, %rem3A_126 : vector<16xi32>
    %ne3A_128 = arith.constant 0 : i32
    %ne3A_129 = vector.broadcast %ne3A_128 : i32 to vector<16xi32>
    %ne3A_130 = arith.cmpi ne, %rem3A_127, %ne3A_129 : vector<16xi32>
    %and3A_131 = arith.andi %ne3A_125, %ne3A_130 : vector<16xi1>
    %sub3A_132 = arith.constant 1 : i32
    %sub3A_133 = vector.broadcast %sub3A_132 : i32 to vector<16xi32>
    %sub3A_134 = arith.subi %div3A_107, %sub3A_133 : vector<16xi32>
    %select_n3A_135 = arith.select %and3A_131, %sub3A_134, %div3A_107 : vector<16xi1>, vector<16xi32>
    %add3A_136 = arith.constant 48 : i32
    %add3A_137 = vector.broadcast %add3A_136 : i32 to vector<16xi32>
    %add3A_138 = arith.addi %add3A_137, %iota3A : vector<16xi32>
    %jit3A_139 = arith.constant 8 : i32
    %div3A_140 = vector.broadcast %jit3A_139 : i32 to vector<16xi32>
    %div3A_141 = arith.divsi %add3A_138, %div3A_140 : vector<16xi32>
    %sign3A_142 = arith.constant 0 : i32
    %sign3A_143 = vector.broadcast %sign3A_142 : i32 to vector<16xi32>
    %sign3A_144 = arith.cmpi sgt, %add3A_138, %sign3A_143 : vector<16xi32>
    %sign3A_145 = arith.extui %sign3A_144 : vector<16xi1> to vector<16xi32>
    %sign3A_146 = arith.constant 0 : i32
    %sign3A_147 = vector.broadcast %sign3A_146 : i32 to vector<16xi32>
    %sign3A_148 = arith.cmpi slt, %add3A_138, %sign3A_147 : vector<16xi32>
    %sign3A_149 = arith.extui %sign3A_148 : vector<16xi1> to vector<16xi32>
    %sign3A_150 = arith.subi %sign3A_145, %sign3A_149 : vector<16xi32>
    %sign3A_151 = arith.constant 0 : i32
    %sign3A_152 = arith.cmpi sgt, %jit3A_139, %sign3A_151 : i32
    %sign3A_153 = arith.extui %sign3A_152 : i1 to i32
    %sign3A_154 = arith.constant 0 : i32
    %sign3A_155 = arith.cmpi slt, %jit3A_139, %sign3A_154 : i32
    %sign3A_156 = arith.extui %sign3A_155 : i1 to i32
    %sign3A_157 = arith.subi %sign3A_153, %sign3A_156 : i32
    %ne3A_158 = vector.broadcast %sign3A_157 : i32 to vector<16xi32>
    %ne3A_159 = arith.cmpi ne, %sign3A_150, %ne3A_158 : vector<16xi32>
    %rem3A_160 = vector.broadcast %jit3A_139 : i32 to vector<16xi32>
    %rem3A_161 = arith.remsi %add3A_138, %rem3A_160 : vector<16xi32>
    %ne3A_162 = arith.constant 0 : i32
    %ne3A_163 = vector.broadcast %ne3A_162 : i32 to vector<16xi32>
    %ne3A_164 = arith.cmpi ne, %rem3A_161, %ne3A_163 : vector<16xi32>
    %and3A_165 = arith.andi %ne3A_159, %ne3A_164 : vector<16xi1>
    %sub3A_166 = arith.constant 1 : i32
    %sub3A_167 = vector.broadcast %sub3A_166 : i32 to vector<16xi32>
    %sub3A_168 = arith.subi %div3A_141, %sub3A_167 : vector<16xi32>
    %select_n3A_169 = arith.select %and3A_165, %sub3A_168, %div3A_141 : vector<16xi1>, vector<16xi32>
    %add3A_170 = arith.constant 0 : i32
    %add3A_171 = vector.broadcast %add3A_170 : i32 to vector<16xi32>
    %add3A_172 = arith.addi %add3A_171, %iota3A : vector<16xi32>
    %jit3A_173 = arith.constant 8 : i32
    %eq3A = arith.constant 0 : i32
    %eq3A_174 = arith.cmpi eq, %jit3A_173, %eq3A : i32
    %jit3A_175 = arith.constant 1 : i32
    %select_n3A_176 = arith.select %eq3A_174, %jit3A_175, %jit3A_173 : i32
    %rem3A_177 = vector.broadcast %select_n3A_176 : i32 to vector<16xi32>
    %rem3A_178 = arith.remsi %add3A_172, %rem3A_177 : vector<16xi32>
    %ne3A_179 = arith.constant 0 : i32
    %ne3A_180 = vector.broadcast %ne3A_179 : i32 to vector<16xi32>
    %ne3A_181 = arith.cmpi ne, %rem3A_178, %ne3A_180 : vector<16xi32>
    %lt3A = arith.constant 0 : i32
    %lt3A_182 = vector.broadcast %lt3A : i32 to vector<16xi32>
    %lt3A_183 = arith.cmpi slt, %rem3A_178, %lt3A_182 : vector<16xi32>
    %lt3A_184 = arith.constant 0 : i32
    %lt3A_185 = arith.cmpi slt, %select_n3A_176, %lt3A_184 : i32
    %ne3A_186 = vector.broadcast %lt3A_185 : i1 to vector<16xi1>
    %ne3A_187 = vector.broadcast %ne3A_186 : vector<16xi1> to vector<16xi1>
    %ne3A_188 = arith.xori %lt3A_183, %ne3A_187 : vector<16xi1>
    %and3A_189 = arith.andi %ne3A_188, %ne3A_181 : vector<16xi1>
    %add3A_190 = vector.broadcast %select_n3A_176 : i32 to vector<16xi32>
    %add3A_191 = arith.addi %rem3A_178, %add3A_190 : vector<16xi32>
    %select_n3A_192 = arith.select %and3A_189, %add3A_191, %rem3A_178 : vector<16xi1>, vector<16xi32>
    %add3A_193 = arith.constant 16 : i32
    %add3A_194 = vector.broadcast %add3A_193 : i32 to vector<16xi32>
    %add3A_195 = arith.addi %add3A_194, %iota3A : vector<16xi32>
    %jit3A_196 = arith.constant 8 : i32
    %eq3A_197 = arith.constant 0 : i32
    %eq3A_198 = arith.cmpi eq, %jit3A_196, %eq3A_197 : i32
    %jit3A_199 = arith.constant 1 : i32
    %select_n3A_200 = arith.select %eq3A_198, %jit3A_199, %jit3A_196 : i32
    %rem3A_201 = vector.broadcast %select_n3A_200 : i32 to vector<16xi32>
    %rem3A_202 = arith.remsi %add3A_195, %rem3A_201 : vector<16xi32>
    %ne3A_203 = arith.constant 0 : i32
    %ne3A_204 = vector.broadcast %ne3A_203 : i32 to vector<16xi32>
    %ne3A_205 = arith.cmpi ne, %rem3A_202, %ne3A_204 : vector<16xi32>
    %lt3A_206 = arith.constant 0 : i32
    %lt3A_207 = vector.broadcast %lt3A_206 : i32 to vector<16xi32>
    %lt3A_208 = arith.cmpi slt, %rem3A_202, %lt3A_207 : vector<16xi32>
    %lt3A_209 = arith.constant 0 : i32
    %lt3A_210 = arith.cmpi slt, %select_n3A_200, %lt3A_209 : i32
    %ne3A_211 = vector.broadcast %lt3A_210 : i1 to vector<16xi1>
    %ne3A_212 = vector.broadcast %ne3A_211 : vector<16xi1> to vector<16xi1>
    %ne3A_213 = arith.xori %lt3A_208, %ne3A_212 : vector<16xi1>
    %and3A_214 = arith.andi %ne3A_213, %ne3A_205 : vector<16xi1>
    %add3A_215 = vector.broadcast %select_n3A_200 : i32 to vector<16xi32>
    %add3A_216 = arith.addi %rem3A_202, %add3A_215 : vector<16xi32>
    %select_n3A_217 = arith.select %and3A_214, %add3A_216, %rem3A_202 : vector<16xi1>, vector<16xi32>
    %add3A_218 = arith.constant 32 : i32
    %add3A_219 = vector.broadcast %add3A_218 : i32 to vector<16xi32>
    %add3A_220 = arith.addi %add3A_219, %iota3A : vector<16xi32>
    %jit3A_221 = arith.constant 8 : i32
    %eq3A_222 = arith.constant 0 : i32
    %eq3A_223 = arith.cmpi eq, %jit3A_221, %eq3A_222 : i32
    %jit3A_224 = arith.constant 1 : i32
    %select_n3A_225 = arith.select %eq3A_223, %jit3A_224, %jit3A_221 : i32
    %rem3A_226 = vector.broadcast %select_n3A_225 : i32 to vector<16xi32>
    %rem3A_227 = arith.remsi %add3A_220, %rem3A_226 : vector<16xi32>
    %ne3A_228 = arith.constant 0 : i32
    %ne3A_229 = vector.broadcast %ne3A_228 : i32 to vector<16xi32>
    %ne3A_230 = arith.cmpi ne, %rem3A_227, %ne3A_229 : vector<16xi32>
    %lt3A_231 = arith.constant 0 : i32
    %lt3A_232 = vector.broadcast %lt3A_231 : i32 to vector<16xi32>
    %lt3A_233 = arith.cmpi slt, %rem3A_227, %lt3A_232 : vector<16xi32>
    %lt3A_234 = arith.constant 0 : i32
    %lt3A_235 = arith.cmpi slt, %select_n3A_225, %lt3A_234 : i32
    %ne3A_236 = vector.broadcast %lt3A_235 : i1 to vector<16xi1>
    %ne3A_237 = vector.broadcast %ne3A_236 : vector<16xi1> to vector<16xi1>
    %ne3A_238 = arith.xori %lt3A_233, %ne3A_237 : vector<16xi1>
    %and3A_239 = arith.andi %ne3A_238, %ne3A_230 : vector<16xi1>
    %add3A_240 = vector.broadcast %select_n3A_225 : i32 to vector<16xi32>
    %add3A_241 = arith.addi %rem3A_227, %add3A_240 : vector<16xi32>
    %select_n3A_242 = arith.select %and3A_239, %add3A_241, %rem3A_227 : vector<16xi1>, vector<16xi32>
    %add3A_243 = arith.constant 48 : i32
    %add3A_244 = vector.broadcast %add3A_243 : i32 to vector<16xi32>
    %add3A_245 = arith.addi %add3A_244, %iota3A : vector<16xi32>
    %jit3A_246 = arith.constant 8 : i32
    %eq3A_247 = arith.constant 0 : i32
    %eq3A_248 = arith.cmpi eq, %jit3A_246, %eq3A_247 : i32
    %jit3A_249 = arith.constant 1 : i32
    %select_n3A_250 = arith.select %eq3A_248, %jit3A_249, %jit3A_246 : i32
    %rem3A_251 = vector.broadcast %select_n3A_250 : i32 to vector<16xi32>
    %rem3A_252 = arith.remsi %add3A_245, %rem3A_251 : vector<16xi32>
    %ne3A_253 = arith.constant 0 : i32
    %ne3A_254 = vector.broadcast %ne3A_253 : i32 to vector<16xi32>
    %ne3A_255 = arith.cmpi ne, %rem3A_252, %ne3A_254 : vector<16xi32>
    %lt3A_256 = arith.constant 0 : i32
    %lt3A_257 = vector.broadcast %lt3A_256 : i32 to vector<16xi32>
    %lt3A_258 = arith.cmpi slt, %rem3A_252, %lt3A_257 : vector<16xi32>
    %lt3A_259 = arith.constant 0 : i32
    %lt3A_260 = arith.cmpi slt, %select_n3A_250, %lt3A_259 : i32
    %ne3A_261 = vector.broadcast %lt3A_260 : i1 to vector<16xi1>
    %ne3A_262 = vector.broadcast %ne3A_261 : vector<16xi1> to vector<16xi1>
    %ne3A_263 = arith.xori %lt3A_258, %ne3A_262 : vector<16xi1>
    %and3A_264 = arith.andi %ne3A_263, %ne3A_255 : vector<16xi1>
    %add3A_265 = vector.broadcast %select_n3A_250 : i32 to vector<16xi32>
    %add3A_266 = arith.addi %rem3A_252, %add3A_265 : vector<16xi32>
    %select_n3A_267 = arith.select %and3A_264, %add3A_266, %rem3A_252 : vector<16xi1>, vector<16xi32>
    %parallel_loop3A_268 = arith.constant 0 : i32
    %parallel_loop3A_269 = arith.constant 128 : i32
    %parallel_loop3A_270 = arith.constant 1 : i32
    %parallel_loop3A_271 = arith.constant 0 : i32
    %parallel_loop3A_272 = arith.constant 0 : i32
    scf.for %parallel_loop3A_648 = %parallel_loop3A_268 to %parallel_loop3A_269 step %parallel_loop3A_270  : i32 {
      %parallel_loop3A_649 = vector.broadcast %parallel_loop3A_648 : i32 to vector<16xi32>
      %parallel_loop3A_650 = arith.constant 0 : i32
      %parallel_loop3A_651 = vector.broadcast %parallel_loop3A_650 : i32 to vector<16xi32>
      %parallel_loop3A_652 = arith.addi %parallel_loop3A_651, %iota3A : vector<16xi32>
      %parallel_loop3A_653 = arith.constant 0 : i32
      %parallel_loop3A_654 = arith.constant 0 : i32
      %parallel_loop3A_655 = tpu.memref_slice %arg7[%parallel_loop3A_271, %parallel_loop3A_653, %parallel_loop3A_654] : memref<2x128x128xf32, #tpu.memory_space<vmem>> -> memref<1x128x128xf32, #tpu.memory_space<vmem>>
      %parallel_loop3A_656 = tpu.memref_squeeze %parallel_loop3A_655 : memref<1x128x128xf32, #tpu.memory_space<vmem>> -> memref<128x128xf32, #tpu.memory_space<vmem>>
      %parallel_loop3A_657 = tpu.vector_load_idx %parallel_loop3A_656[%parallel_loop3A_649, %parallel_loop3A_652] : memref<128x128xf32, #tpu.memory_space<vmem>>[vector<16xi32>, vector<16xi32>], vector<16xf32>,
      %parallel_loop3A_658 = arith.constant 0 : i32
      %parallel_loop3A_659 = arith.constant 0 : i32
      %parallel_loop3A_660 = arith.constant 0 : i32
      %parallel_loop3A_661 = tpu.memref_slice %arg8[%parallel_loop3A_272, %parallel_loop3A_658, %parallel_loop3A_659, %parallel_loop3A_660] : memref<2x8x8x136xf32, #tpu.memory_space<vmem>> -> memref<1x8x8x136xf32, #tpu.memory_space<vmem>>
      %parallel_loop3A_662 = tpu.memref_squeeze %parallel_loop3A_661 : memref<1x8x8x136xf32, #tpu.memory_space<vmem>> -> memref<8x8x136xf32, #tpu.memory_space<vmem>>
      tpu.vector_store_idx %parallel_loop3A_662[%select_n3A, %select_n3A_192, %parallel_loop3A_649], %parallel_loop3A_657 : memref<8x8x136xf32, #tpu.memory_space<vmem>>[vector<16xi32>, vector<16xi32>, vector<16xi32>], vector<16xf32>,
      %parallel_loop3A_663 = arith.constant 16 : i32
      %parallel_loop3A_664 = vector.broadcast %parallel_loop3A_663 : i32 to vector<16xi32>
      %parallel_loop3A_665 = arith.addi %parallel_loop3A_664, %iota3A : vector<16xi32>
      %parallel_loop3A_666 = arith.constant 0 : i32
      %parallel_loop3A_667 = arith.constant 0 : i32
      %parallel_loop3A_668 = tpu.memref_slice %arg7[%parallel_loop3A_271, %parallel_loop3A_666, %parallel_loop3A_667] : memref<2x128x128xf32, #tpu.memory_space<vmem>> -> memref<1x128x128xf32, #tpu.memory_space<vmem>>
      %parallel_loop3A_669 = tpu.memref_squeeze %parallel_loop3A_668 : memref<1x128x128xf32, #tpu.memory_space<vmem>> -> memref<128x128xf32, #tpu.memory_space<vmem>>
      %parallel_loop3A_670 = tpu.vector_load_idx %parallel_loop3A_669[%parallel_loop3A_649, %parallel_loop3A_665] : memref<128x128xf32, #tpu.memory_space<vmem>>[vector<16xi32>, vector<16xi32>], vector<16xf32>,
      %parallel_loop3A_671 = arith.constant 0 : i32
      %parallel_loop3A_672 = arith.constant 0 : i32
      %parallel_loop3A_673 = arith.constant 0 : i32
      %parallel_loop3A_674 = tpu.memref_slice %arg8[%parallel_loop3A_272, %parallel_loop3A_671, %parallel_loop3A_672, %parallel_loop3A_673] : memref<2x8x8x136xf32, #tpu.memory_space<vmem>> -> memref<1x8x8x136xf32, #tpu.memory_space<vmem>>
      %parallel_loop3A_675 = tpu.memref_squeeze %parallel_loop3A_674 : memref<1x8x8x136xf32, #tpu.memory_space<vmem>> -> memref<8x8x136xf32, #tpu.memory_space<vmem>>
      tpu.vector_store_idx %parallel_loop3A_675[%select_n3A_101, %select_n3A_217, %parallel_loop3A_649], %parallel_loop3A_670 : memref<8x8x136xf32, #tpu.memory_space<vmem>>[vector<16xi32>, vector<16xi32>, vector<16xi32>], vector<16xf32>,
      %parallel_loop3A_676 = arith.constant 32 : i32
      %parallel_loop3A_677 = vector.broadcast %parallel_loop3A_676 : i32 to vector<16xi32>
      %parallel_loop3A_678 = arith.addi %parallel_loop3A_677, %iota3A : vector<16xi32>
      %parallel_loop3A_679 = arith.constant 0 : i32
      %parallel_loop3A_680 = arith.constant 0 : i32
      %parallel_loop3A_681 = tpu.memref_slice %arg7[%parallel_loop3A_271, %parallel_loop3A_679, %parallel_loop3A_680] : memref<2x128x128xf32, #tpu.memory_space<vmem>> -> memref<1x128x128xf32, #tpu.memory_space<vmem>>
      %parallel_loop3A_682 = tpu.memref_squeeze %parallel_loop3A_681 : memref<1x128x128xf32, #tpu.memory_space<vmem>> -> memref<128x128xf32, #tpu.memory_space<vmem>>
      %parallel_loop3A_683 = tpu.vector_load_idx %parallel_loop3A_682[%parallel_loop3A_649, %parallel_loop3A_678] : memref<128x128xf32, #tpu.memory_space<vmem>>[vector<16xi32>, vector<16xi32>], vector<16xf32>,
      %parallel_loop3A_684 = arith.constant 0 : i32
      %parallel_loop3A_685 = arith.constant 0 : i32
      %parallel_loop3A_686 = arith.constant 0 : i32
      %parallel_loop3A_687 = tpu.memref_slice %arg8[%parallel_loop3A_272, %parallel_loop3A_684, %parallel_loop3A_685, %parallel_loop3A_686] : memref<2x8x8x136xf32, #tpu.memory_space<vmem>> -> memref<1x8x8x136xf32, #tpu.memory_space<vmem>>
      %parallel_loop3A_688 = tpu.memref_squeeze %parallel_loop3A_687 : memref<1x8x8x136xf32, #tpu.memory_space<vmem>> -> memref<8x8x136xf32, #tpu.memory_space<vmem>>
      tpu.vector_store_idx %parallel_loop3A_688[%select_n3A_135, %select_n3A_242, %parallel_loop3A_649], %parallel_loop3A_683 : memref<8x8x136xf32, #tpu.memory_space<vmem>>[vector<16xi32>, vector<16xi32>, vector<16xi32>], vector<16xf32>,
      %parallel_loop3A_689 = arith.constant 48 : i32
      %parallel_loop3A_690 = vector.broadcast %parallel_loop3A_689 : i32 to vector<16xi32>
      %parallel_loop3A_691 = arith.addi %parallel_loop3A_690, %iota3A : vector<16xi32>
      %parallel_loop3A_692 = arith.constant 0 : i32
      %parallel_loop3A_693 = arith.constant 0 : i32
      %parallel_loop3A_694 = tpu.memref_slice %arg7[%parallel_loop3A_271, %parallel_loop3A_692, %parallel_loop3A_693] : memref<2x128x128xf32, #tpu.memory_space<vmem>> -> memref<1x128x128xf32, #tpu.memory_space<vmem>>
      %parallel_loop3A_695 = tpu.memref_squeeze %parallel_loop3A_694 : memref<1x128x128xf32, #tpu.memory_space<vmem>> -> memref<128x128xf32, #tpu.memory_space<vmem>>
      %parallel_loop3A_696 = tpu.vector_load_idx %parallel_loop3A_695[%parallel_loop3A_649, %parallel_loop3A_691] : memref<128x128xf32, #tpu.memory_space<vmem>>[vector<16xi32>, vector<16xi32>], vector<16xf32>,
      %parallel_loop3A_697 = arith.constant 0 : i32
      %parallel_loop3A_698 = arith.constant 0 : i32
      %parallel_loop3A_699 = arith.constant 0 : i32
      %parallel_loop3A_700 = tpu.memref_slice %arg8[%parallel_loop3A_272, %parallel_loop3A_697, %parallel_loop3A_698, %parallel_loop3A_699] : memref<2x8x8x136xf32, #tpu.memory_space<vmem>> -> memref<1x8x8x136xf32, #tpu.memory_space<vmem>>
      %parallel_loop3A_701 = tpu.memref_squeeze %parallel_loop3A_700 : memref<1x8x8x136xf32, #tpu.memory_space<vmem>> -> memref<8x8x136xf32, #tpu.memory_space<vmem>>
      tpu.vector_store_idx %parallel_loop3A_701[%select_n3A_169, %select_n3A_267, %parallel_loop3A_649], %parallel_loop3A_696 : memref<8x8x136xf32, #tpu.memory_space<vmem>>[vector<16xi32>, vector<16xi32>, vector<16xi32>], vector<16xf32>,
    } {sc.loop_unroll_factor = 8 : i64, sc.parallel_access}
    %dma_start3A_273 = arith.constant 0 : i32
    %dma_start3A_274 = arith.constant 0 : i32
    %dma_start3A_275 = arith.constant 0 : i32
    %dma_start3A_276 = arith.constant 0 : i32
    %dma_start3A_277 = arith.constant 0 : i32
    %dma_start3A_278 = tpu.memref_slice %arg8[%dma_start3A_273, %dma_start3A_275, %dma_start3A_276, %dma_start3A_277] : memref<2x8x8x136xf32, #tpu.memory_space<vmem>> -> memref<1x8x8x128xf32, #tpu.memory_space<vmem>>
    %dma_start3A_279 = tpu.memref_squeeze %dma_start3A_278 : memref<1x8x8x128xf32, #tpu.memory_space<vmem>> -> memref<8x8x128xf32, #tpu.memory_space<vmem>>
    %dma_start3A_280 = arith.constant 0 : i32
    %dma_start3A_281 = arith.constant 0 : i32
    %dma_start3A_282 = arith.constant 0 : i32
    %dma_start3A_283 = tpu.memref_slice %arg4[%dma_start3A_274, %dma_start3A_280, %add3A, %dma_start3A_281, %dma_start3A_282] : memref<200x8x32x8x128xf32, #tpu.memory_space<hbm>> -> memref<1x8x1x8x128xf32, #tpu.memory_space<hbm>>
    %dma_start3A_284 = tpu.memref_squeeze %dma_start3A_283 : memref<1x8x1x8x128xf32, #tpu.memory_space<hbm>> -> memref<8x8x128xf32, #tpu.memory_space<hbm>>
    %dma_start3A_285 = arith.constant 0 : i32
    %dma_start3A_286 = arith.constant 0 : i32
    %dma_start3A_287 = arith.constant 0 : i32
    %dma_start3A_288 = tpu.memref_slice %arg4[%dma_start3A_274, %dma_start3A_285, %add3A, %dma_start3A_286, %dma_start3A_287] : memref<200x8x32x8x128xf32, #tpu.memory_space<hbm>> -> memref<1x8x1x8x128xf32, #tpu.memory_space<hbm>>
    %dma_start3A_289 = tpu.memref_squeeze %dma_start3A_288 : memref<1x8x1x8x128xf32, #tpu.memory_space<hbm>> -> memref<8x8x128xf32, #tpu.memory_space<hbm>>
    %dma_start3A_290 = arith.constant 0 : i32
    %dma_start3A_291 = arith.constant 0 : i32
    %dma_start3A_292 = arith.constant 0 : i32
    %dma_start3A_293 = tpu.memref_slice %arg8[%dma_start3A_273, %dma_start3A_290, %dma_start3A_291, %dma_start3A_292] : memref<2x8x8x136xf32, #tpu.memory_space<vmem>> -> memref<1x8x8x128xf32, #tpu.memory_space<vmem>>
    %dma_start3A_294 = tpu.memref_squeeze %dma_start3A_293 : memref<1x8x8x128xf32, #tpu.memory_space<vmem>> -> memref<8x8x128xf32, #tpu.memory_space<vmem>>
    tpu.enqueue_dma source(%dma_start3A_294 : memref<8x8x128xf32, #tpu.memory_space<vmem>>) target(%dma_start3A_289 : memref<8x8x128xf32, #tpu.memory_space<hbm>>) target_semaphore(%arg11 : memref<!tpu.dma_semaphore, #tpu.memory_space<semaphore_mem>>)
    %dma_start3A_295 = arith.constant 2 : i32
    %dma_start3A_296 = arith.constant 0 : i32
    %dma_start3A_297 = arith.constant 0 : i32
    %dma_start3A_298 = arith.constant 0 : i32
    %dma_start3A_299 = tpu.memref_slice %arg7[%dma_start3A_296, %dma_start3A_297, %dma_start3A_298] : memref<2x128x128xf32, #tpu.memory_space<vmem>> -> memref<1x128x128xf32, #tpu.memory_space<vmem>>
    %dma_start3A_300 = tpu.memref_squeeze %dma_start3A_299 : memref<1x128x128xf32, #tpu.memory_space<vmem>> -> memref<128x128xf32, #tpu.memory_space<vmem>>
    %dma_start3A_301 = arith.constant 0 : i32
    %dma_start3A_302 = tpu.memref_slice %arg6[%dma_start3A_295, %dma_start3A_301] : memref<200x128xi32, #tpu.memory_space<vmem>> -> memref<1x128xi32, #tpu.memory_space<vmem>>
    %dma_start3A_303 = tpu.memref_squeeze %dma_start3A_302 : memref<1x128xi32, #tpu.memory_space<vmem>> -> memref<128xi32, #tpu.memory_space<vmem>>
    %dma_start3A_304 = arith.constant 0 : i32
    %dma_start3A_305 = arith.constant 0 : i32
    %dma_start3A_306 = tpu.memref_slice %arg3[%dma_start3A_304, %dma_start3A_305] : memref<1000000x128xf32, #tpu.memory_space<hbm>> -> memref<1000000x128xf32, #tpu.memory_space<hbm>>
    tpu.enqueue_indirect_dma source(%dma_start3A_306 : memref<1000000x128xf32, #tpu.memory_space<hbm>>) target(%dma_start3A_300 : memref<128x128xf32, #tpu.memory_space<vmem>>) offsets(%dma_start3A_303 : memref<128xi32, #tpu.memory_space<vmem>>) semaphore(%arg9 : memref<!tpu.dma_semaphore, #tpu.memory_space<semaphore_mem>>)
    %dma_wait3A_307 = arith.constant 1 : i32
    %dma_wait3A_308 = arith.constant 0 : i32
    %dma_wait3A_309 = arith.constant 0 : i32
    %dma_wait3A_310 = tpu.memref_slice %arg7[%dma_wait3A_307, %dma_wait3A_308, %dma_wait3A_309] : memref<2x128x128xf32, #tpu.memory_space<vmem>> -> memref<1x128x128xf32, #tpu.memory_space<vmem>>
    %dma_wait3A_311 = tpu.memref_squeeze %dma_wait3A_310 : memref<1x128x128xf32, #tpu.memory_space<vmem>> -> memref<128x128xf32, #tpu.memory_space<vmem>>
    %dma_wait3A_312 = arith.constant 0 : i32
    %dma_wait3A_313 = arith.constant 0 : i32
    %dma_wait3A_314 = tpu.memref_slice %arg3[%dma_wait3A_312, %dma_wait3A_313] : memref<1000000x128xf32, #tpu.memory_space<hbm>> -> memref<128x128xf32, #tpu.memory_space<hbm>>
    %dma_wait3A_315 = arith.constant 0 : i32
    %dma_wait3A_316 = arith.constant 0 : i32
    %dma_wait3A_317 = tpu.memref_slice %arg7[%dma_wait3A_307, %dma_wait3A_315, %dma_wait3A_316] : memref<2x128x128xf32, #tpu.memory_space<vmem>> -> memref<1x128x128xf32, #tpu.memory_space<vmem>>
    %dma_wait3A_318 = tpu.memref_squeeze %dma_wait3A_317 : memref<1x128x128xf32, #tpu.memory_space<vmem>> -> memref<128x128xf32, #tpu.memory_space<vmem>>
    %dma_wait3A_319 = arith.constant 0 : i32
    %dma_wait3A_320 = arith.constant 0 : i32
    %dma_wait3A_321 = tpu.memref_slice %arg3[%dma_wait3A_319, %dma_wait3A_320] : memref<1000000x128xf32, #tpu.memory_space<hbm>> -> memref<128x128xf32, #tpu.memory_space<hbm>>
    tpu.wait_dma2 semaphore(%arg10 : memref<!tpu.dma_semaphore, #tpu.memory_space<semaphore_mem>>) src(%dma_wait3A_321 : memref<128x128xf32, #tpu.memory_space<hbm>>) dst(%dma_wait3A_318 : memref<128x128xf32, #tpu.memory_space<vmem>>)
    %add3A_322 = arith.constant 0 : i32
    %add3A_323 = vector.broadcast %add3A_322 : i32 to vector<16xi32>
    %add3A_324 = arith.addi %add3A_323, %iota3A : vector<16xi32>
    %jit3A_325 = arith.constant 8 : i32
    %div3A_326 = vector.broadcast %jit3A_325 : i32 to vector<16xi32>
    %div3A_327 = arith.divsi %add3A_324, %div3A_326 : vector<16xi32>
    %sign3A_328 = arith.constant 0 : i32
    %sign3A_329 = vector.broadcast %sign3A_328 : i32 to vector<16xi32>
    %sign3A_330 = arith.cmpi sgt, %add3A_324, %sign3A_329 : vector<16xi32>
    %sign3A_331 = arith.extui %sign3A_330 : vector<16xi1> to vector<16xi32>
    %sign3A_332 = arith.constant 0 : i32
    %sign3A_333 = vector.broadcast %sign3A_332 : i32 to vector<16xi32>
    %sign3A_334 = arith.cmpi slt, %add3A_324, %sign3A_333 : vector<16xi32>
    %sign3A_335 = arith.extui %sign3A_334 : vector<16xi1> to vector<16xi32>
    %sign3A_336 = arith.subi %sign3A_331, %sign3A_335 : vector<16xi32>
    %sign3A_337 = arith.constant 0 : i32
    %sign3A_338 = arith.cmpi sgt, %jit3A_325, %sign3A_337 : i32
    %sign3A_339 = arith.extui %sign3A_338 : i1 to i32
    %sign3A_340 = arith.constant 0 : i32
    %sign3A_341 = arith.cmpi slt, %jit3A_325, %sign3A_340 : i32
    %sign3A_342 = arith.extui %sign3A_341 : i1 to i32
    %sign3A_343 = arith.subi %sign3A_339, %sign3A_342 : i32
    %ne3A_344 = vector.broadcast %sign3A_343 : i32 to vector<16xi32>
    %ne3A_345 = arith.cmpi ne, %sign3A_336, %ne3A_344 : vector<16xi32>
    %rem3A_346 = vector.broadcast %jit3A_325 : i32 to vector<16xi32>
    %rem3A_347 = arith.remsi %add3A_324, %rem3A_346 : vector<16xi32>
    %ne3A_348 = arith.constant 0 : i32
    %ne3A_349 = vector.broadcast %ne3A_348 : i32 to vector<16xi32>
    %ne3A_350 = arith.cmpi ne, %rem3A_347, %ne3A_349 : vector<16xi32>
    %and3A_351 = arith.andi %ne3A_345, %ne3A_350 : vector<16xi1>
    %sub3A_352 = arith.constant 1 : i32
    %sub3A_353 = vector.broadcast %sub3A_352 : i32 to vector<16xi32>
    %sub3A_354 = arith.subi %div3A_327, %sub3A_353 : vector<16xi32>
    %select_n3A_355 = arith.select %and3A_351, %sub3A_354, %div3A_327 : vector<16xi1>, vector<16xi32>
    %add3A_356 = arith.constant 16 : i32
    %add3A_357 = vector.broadcast %add3A_356 : i32 to vector<16xi32>
    %add3A_358 = arith.addi %add3A_357, %iota3A : vector<16xi32>
    %jit3A_359 = arith.constant 8 : i32
    %div3A_360 = vector.broadcast %jit3A_359 : i32 to vector<16xi32>
    %div3A_361 = arith.divsi %add3A_358, %div3A_360 : vector<16xi32>
    %sign3A_362 = arith.constant 0 : i32
    %sign3A_363 = vector.broadcast %sign3A_362 : i32 to vector<16xi32>
    %sign3A_364 = arith.cmpi sgt, %add3A_358, %sign3A_363 : vector<16xi32>
    %sign3A_365 = arith.extui %sign3A_364 : vector<16xi1> to vector<16xi32>
    %sign3A_366 = arith.constant 0 : i32
    %sign3A_367 = vector.broadcast %sign3A_366 : i32 to vector<16xi32>
    %sign3A_368 = arith.cmpi slt, %add3A_358, %sign3A_367 : vector<16xi32>
    %sign3A_369 = arith.extui %sign3A_368 : vector<16xi1> to vector<16xi32>
    %sign3A_370 = arith.subi %sign3A_365, %sign3A_369 : vector<16xi32>
    %sign3A_371 = arith.constant 0 : i32
    %sign3A_372 = arith.cmpi sgt, %jit3A_359, %sign3A_371 : i32
    %sign3A_373 = arith.extui %sign3A_372 : i1 to i32
    %sign3A_374 = arith.constant 0 : i32
    %sign3A_375 = arith.cmpi slt, %jit3A_359, %sign3A_374 : i32
    %sign3A_376 = arith.extui %sign3A_375 : i1 to i32
    %sign3A_377 = arith.subi %sign3A_373, %sign3A_376 : i32
    %ne3A_378 = vector.broadcast %sign3A_377 : i32 to vector<16xi32>
    %ne3A_379 = arith.cmpi ne, %sign3A_370, %ne3A_378 : vector<16xi32>
    %rem3A_380 = vector.broadcast %jit3A_359 : i32 to vector<16xi32>
    %rem3A_381 = arith.remsi %add3A_358, %rem3A_380 : vector<16xi32>
    %ne3A_382 = arith.constant 0 : i32
    %ne3A_383 = vector.broadcast %ne3A_382 : i32 to vector<16xi32>
    %ne3A_384 = arith.cmpi ne, %rem3A_381, %ne3A_383 : vector<16xi32>
    %and3A_385 = arith.andi %ne3A_379, %ne3A_384 : vector<16xi1>
    %sub3A_386 = arith.constant 1 : i32
    %sub3A_387 = vector.broadcast %sub3A_386 : i32 to vector<16xi32>
    %sub3A_388 = arith.subi %div3A_361, %sub3A_387 : vector<16xi32>
    %select_n3A_389 = arith.select %and3A_385, %sub3A_388, %div3A_361 : vector<16xi1>, vector<16xi32>
    %add3A_390 = arith.constant 32 : i32
    %add3A_391 = vector.broadcast %add3A_390 : i32 to vector<16xi32>
    %add3A_392 = arith.addi %add3A_391, %iota3A : vector<16xi32>
    %jit3A_393 = arith.constant 8 : i32
    %div3A_394 = vector.broadcast %jit3A_393 : i32 to vector<16xi32>
    %div3A_395 = arith.divsi %add3A_392, %div3A_394 : vector<16xi32>
    %sign3A_396 = arith.constant 0 : i32
    %sign3A_397 = vector.broadcast %sign3A_396 : i32 to vector<16xi32>
    %sign3A_398 = arith.cmpi sgt, %add3A_392, %sign3A_397 : vector<16xi32>
    %sign3A_399 = arith.extui %sign3A_398 : vector<16xi1> to vector<16xi32>
    %sign3A_400 = arith.constant 0 : i32
    %sign3A_401 = vector.broadcast %sign3A_400 : i32 to vector<16xi32>
    %sign3A_402 = arith.cmpi slt, %add3A_392, %sign3A_401 : vector<16xi32>
    %sign3A_403 = arith.extui %sign3A_402 : vector<16xi1> to vector<16xi32>
    %sign3A_404 = arith.subi %sign3A_399, %sign3A_403 : vector<16xi32>
    %sign3A_405 = arith.constant 0 : i32
    %sign3A_406 = arith.cmpi sgt, %jit3A_393, %sign3A_405 : i32
    %sign3A_407 = arith.extui %sign3A_406 : i1 to i32
    %sign3A_408 = arith.constant 0 : i32
    %sign3A_409 = arith.cmpi slt, %jit3A_393, %sign3A_408 : i32
    %sign3A_410 = arith.extui %sign3A_409 : i1 to i32
    %sign3A_411 = arith.subi %sign3A_407, %sign3A_410 : i32
    %ne3A_412 = vector.broadcast %sign3A_411 : i32 to vector<16xi32>
    %ne3A_413 = arith.cmpi ne, %sign3A_404, %ne3A_412 : vector<16xi32>
    %rem3A_414 = vector.broadcast %jit3A_393 : i32 to vector<16xi32>
    %rem3A_415 = arith.remsi %add3A_392, %rem3A_414 : vector<16xi32>
    %ne3A_416 = arith.constant 0 : i32
    %ne3A_417 = vector.broadcast %ne3A_416 : i32 to vector<16xi32>
    %ne3A_418 = arith.cmpi ne, %rem3A_415, %ne3A_417 : vector<16xi32>
    %and3A_419 = arith.andi %ne3A_413, %ne3A_418 : vector<16xi1>
    %sub3A_420 = arith.constant 1 : i32
    %sub3A_421 = vector.broadcast %sub3A_420 : i32 to vector<16xi32>
    %sub3A_422 = arith.subi %div3A_395, %sub3A_421 : vector<16xi32>
    %select_n3A_423 = arith.select %and3A_419, %sub3A_422, %div3A_395 : vector<16xi1>, vector<16xi32>
    %add3A_424 = arith.constant 48 : i32
    %add3A_425 = vector.broadcast %add3A_424 : i32 to vector<16xi32>
    %add3A_426 = arith.addi %add3A_425, %iota3A : vector<16xi32>
    %jit3A_427 = arith.constant 8 : i32
    %div3A_428 = vector.broadcast %jit3A_427 : i32 to vector<16xi32>
    %div3A_429 = arith.divsi %add3A_426, %div3A_428 : vector<16xi32>
    %sign3A_430 = arith.constant 0 : i32
    %sign3A_431 = vector.broadcast %sign3A_430 : i32 to vector<16xi32>
    %sign3A_432 = arith.cmpi sgt, %add3A_426, %sign3A_431 : vector<16xi32>
    %sign3A_433 = arith.extui %sign3A_432 : vector<16xi1> to vector<16xi32>
    %sign3A_434 = arith.constant 0 : i32
    %sign3A_435 = vector.broadcast %sign3A_434 : i32 to vector<16xi32>
    %sign3A_436 = arith.cmpi slt, %add3A_426, %sign3A_435 : vector<16xi32>
    %sign3A_437 = arith.extui %sign3A_436 : vector<16xi1> to vector<16xi32>
    %sign3A_438 = arith.subi %sign3A_433, %sign3A_437 : vector<16xi32>
    %sign3A_439 = arith.constant 0 : i32
    %sign3A_440 = arith.cmpi sgt, %jit3A_427, %sign3A_439 : i32
    %sign3A_441 = arith.extui %sign3A_440 : i1 to i32
    %sign3A_442 = arith.constant 0 : i32
    %sign3A_443 = arith.cmpi slt, %jit3A_427, %sign3A_442 : i32
    %sign3A_444 = arith.extui %sign3A_443 : i1 to i32
    %sign3A_445 = arith.subi %sign3A_441, %sign3A_444 : i32
    %ne3A_446 = vector.broadcast %sign3A_445 : i32 to vector<16xi32>
    %ne3A_447 = arith.cmpi ne, %sign3A_438, %ne3A_446 : vector<16xi32>
    %rem3A_448 = vector.broadcast %jit3A_427 : i32 to vector<16xi32>
    %rem3A_449 = arith.remsi %add3A_426, %rem3A_448 : vector<16xi32>
    %ne3A_450 = arith.constant 0 : i32
    %ne3A_451 = vector.broadcast %ne3A_450 : i32 to vector<16xi32>
    %ne3A_452 = arith.cmpi ne, %rem3A_449, %ne3A_451 : vector<16xi32>
    %and3A_453 = arith.andi %ne3A_447, %ne3A_452 : vector<16xi1>
    %sub3A_454 = arith.constant 1 : i32
    %sub3A_455 = vector.broadcast %sub3A_454 : i32 to vector<16xi32>
    %sub3A_456 = arith.subi %div3A_429, %sub3A_455 : vector<16xi32>
    %select_n3A_457 = arith.select %and3A_453, %sub3A_456, %div3A_429 : vector<16xi1>, vector<16xi32>
    %add3A_458 = arith.constant 0 : i32
    %add3A_459 = vector.broadcast %add3A_458 : i32 to vector<16xi32>
    %add3A_460 = arith.addi %add3A_459, %iota3A : vector<16xi32>
    %jit3A_461 = arith.constant 8 : i32
    %eq3A_462 = arith.constant 0 : i32
    %eq3A_463 = arith.cmpi eq, %jit3A_461, %eq3A_462 : i32
    %jit3A_464 = arith.constant 1 : i32
    %select_n3A_465 = arith.select %eq3A_463, %jit3A_464, %jit3A_461 : i32
    %rem3A_466 = vector.broadcast %select_n3A_465 : i32 to vector<16xi32>
    %rem3A_467 = arith.remsi %add3A_460, %rem3A_466 : vector<16xi32>
    %ne3A_468 = arith.constant 0 : i32
    %ne3A_469 = vector.broadcast %ne3A_468 : i32 to vector<16xi32>
    %ne3A_470 = arith.cmpi ne, %rem3A_467, %ne3A_469 : vector<16xi32>
    %lt3A_471 = arith.constant 0 : i32
    %lt3A_472 = vector.broadcast %lt3A_471 : i32 to vector<16xi32>
    %lt3A_473 = arith.cmpi slt, %rem3A_467, %lt3A_472 : vector<16xi32>
    %lt3A_474 = arith.constant 0 : i32
    %lt3A_475 = arith.cmpi slt, %select_n3A_465, %lt3A_474 : i32
    %ne3A_476 = vector.broadcast %lt3A_475 : i1 to vector<16xi1>
    %ne3A_477 = vector.broadcast %ne3A_476 : vector<16xi1> to vector<16xi1>
    %ne3A_478 = arith.xori %lt3A_473, %ne3A_477 : vector<16xi1>
    %and3A_479 = arith.andi %ne3A_478, %ne3A_470 : vector<16xi1>
    %add3A_480 = vector.broadcast %select_n3A_465 : i32 to vector<16xi32>
    %add3A_481 = arith.addi %rem3A_467, %add3A_480 : vector<16xi32>
    %select_n3A_482 = arith.select %and3A_479, %add3A_481, %rem3A_467 : vector<16xi1>, vector<16xi32>
    %add3A_483 = arith.constant 16 : i32
    %add3A_484 = vector.broadcast %add3A_483 : i32 to vector<16xi32>
    %add3A_485 = arith.addi %add3A_484, %iota3A : vector<16xi32>
    %jit3A_486 = arith.constant 8 : i32
    %eq3A_487 = arith.constant 0 : i32
    %eq3A_488 = arith.cmpi eq, %jit3A_486, %eq3A_487 : i32
    %jit3A_489 = arith.constant 1 : i32
    %select_n3A_490 = arith.select %eq3A_488, %jit3A_489, %jit3A_486 : i32
    %rem3A_491 = vector.broadcast %select_n3A_490 : i32 to vector<16xi32>
    %rem3A_492 = arith.remsi %add3A_485, %rem3A_491 : vector<16xi32>
    %ne3A_493 = arith.constant 0 : i32
    %ne3A_494 = vector.broadcast %ne3A_493 : i32 to vector<16xi32>
    %ne3A_495 = arith.cmpi ne, %rem3A_492, %ne3A_494 : vector<16xi32>
    %lt3A_496 = arith.constant 0 : i32
    %lt3A_497 = vector.broadcast %lt3A_496 : i32 to vector<16xi32>
    %lt3A_498 = arith.cmpi slt, %rem3A_492, %lt3A_497 : vector<16xi32>
    %lt3A_499 = arith.constant 0 : i32
    %lt3A_500 = arith.cmpi slt, %select_n3A_490, %lt3A_499 : i32
    %ne3A_501 = vector.broadcast %lt3A_500 : i1 to vector<16xi1>
    %ne3A_502 = vector.broadcast %ne3A_501 : vector<16xi1> to vector<16xi1>
    %ne3A_503 = arith.xori %lt3A_498, %ne3A_502 : vector<16xi1>
    %and3A_504 = arith.andi %ne3A_503, %ne3A_495 : vector<16xi1>
    %add3A_505 = vector.broadcast %select_n3A_490 : i32 to vector<16xi32>
    %add3A_506 = arith.addi %rem3A_492, %add3A_505 : vector<16xi32>
    %select_n3A_507 = arith.select %and3A_504, %add3A_506, %rem3A_492 : vector<16xi1>, vector<16xi32>
    %add3A_508 = arith.constant 32 : i32
    %add3A_509 = vector.broadcast %add3A_508 : i32 to vector<16xi32>
    %add3A_510 = arith.addi %add3A_509, %iota3A : vector<16xi32>
    %jit3A_511 = arith.constant 8 : i32
    %eq3A_512 = arith.constant 0 : i32
    %eq3A_513 = arith.cmpi eq, %jit3A_511, %eq3A_512 : i32
    %jit3A_514 = arith.constant 1 : i32
    %select_n3A_515 = arith.select %eq3A_513, %jit3A_514, %jit3A_511 : i32
    %rem3A_516 = vector.broadcast %select_n3A_515 : i32 to vector<16xi32>
    %rem3A_517 = arith.remsi %add3A_510, %rem3A_516 : vector<16xi32>
    %ne3A_518 = arith.constant 0 : i32
    %ne3A_519 = vector.broadcast %ne3A_518 : i32 to vector<16xi32>
    %ne3A_520 = arith.cmpi ne, %rem3A_517, %ne3A_519 : vector<16xi32>
    %lt3A_521 = arith.constant 0 : i32
    %lt3A_522 = vector.broadcast %lt3A_521 : i32 to vector<16xi32>
    %lt3A_523 = arith.cmpi slt, %rem3A_517, %lt3A_522 : vector<16xi32>
    %lt3A_524 = arith.constant 0 : i32
    %lt3A_525 = arith.cmpi slt, %select_n3A_515, %lt3A_524 : i32
    %ne3A_526 = vector.broadcast %lt3A_525 : i1 to vector<16xi1>
    %ne3A_527 = vector.broadcast %ne3A_526 : vector<16xi1> to vector<16xi1>
    %ne3A_528 = arith.xori %lt3A_523, %ne3A_527 : vector<16xi1>
    %and3A_529 = arith.andi %ne3A_528, %ne3A_520 : vector<16xi1>
    %add3A_530 = vector.broadcast %select_n3A_515 : i32 to vector<16xi32>
    %add3A_531 = arith.addi %rem3A_517, %add3A_530 : vector<16xi32>
    %select_n3A_532 = arith.select %and3A_529, %add3A_531, %rem3A_517 : vector<16xi1>, vector<16xi32>
    %add3A_533 = arith.constant 48 : i32
    %add3A_534 = vector.broadcast %add3A_533 : i32 to vector<16xi32>
    %add3A_535 = arith.addi %add3A_534, %iota3A : vector<16xi32>
    %jit3A_536 = arith.constant 8 : i32
    %eq3A_537 = arith.constant 0 : i32
    %eq3A_538 = arith.cmpi eq, %jit3A_536, %eq3A_537 : i32
    %jit3A_539 = arith.constant 1 : i32
    %select_n3A_540 = arith.select %eq3A_538, %jit3A_539, %jit3A_536 : i32
    %rem3A_541 = vector.broadcast %select_n3A_540 : i32 to vector<16xi32>
    %rem3A_542 = arith.remsi %add3A_535, %rem3A_541 : vector<16xi32>
    %ne3A_543 = arith.constant 0 : i32
    %ne3A_544 = vector.broadcast %ne3A_543 : i32 to vector<16xi32>
    %ne3A_545 = arith.cmpi ne, %rem3A_542, %ne3A_544 : vector<16xi32>
    %lt3A_546 = arith.constant 0 : i32
    %lt3A_547 = vector.broadcast %lt3A_546 : i32 to vector<16xi32>
    %lt3A_548 = arith.cmpi slt, %rem3A_542, %lt3A_547 : vector<16xi32>
    %lt3A_549 = arith.constant 0 : i32
    %lt3A_550 = arith.cmpi slt, %select_n3A_540, %lt3A_549 : i32
    %ne3A_551 = vector.broadcast %lt3A_550 : i1 to vector<16xi1>
    %ne3A_552 = vector.broadcast %ne3A_551 : vector<16xi1> to vector<16xi1>
    %ne3A_553 = arith.xori %lt3A_548, %ne3A_552 : vector<16xi1>
    %and3A_554 = arith.andi %ne3A_553, %ne3A_545 : vector<16xi1>
    %add3A_555 = vector.broadcast %select_n3A_540 : i32 to vector<16xi32>
    %add3A_556 = arith.addi %rem3A_542, %add3A_555 : vector<16xi32>
    %select_n3A_557 = arith.select %and3A_554, %add3A_556, %rem3A_542 : vector<16xi1>, vector<16xi32>
    %parallel_loop3A_558 = arith.constant 0 : i32
    %parallel_loop3A_559 = arith.constant 128 : i32
    %parallel_loop3A_560 = arith.constant 1 : i32
    %parallel_loop3A_561 = arith.constant 1 : i32
    %parallel_loop3A_562 = arith.constant 1 : i32
    scf.for %parallel_loop3A_648 = %parallel_loop3A_558 to %parallel_loop3A_559 step %parallel_loop3A_560  : i32 {
      %parallel_loop3A_649 = vector.broadcast %parallel_loop3A_648 : i32 to vector<16xi32>
      %parallel_loop3A_650 = arith.constant 0 : i32
      %parallel_loop3A_651 = vector.broadcast %parallel_loop3A_650 : i32 to vector<16xi32>
      %parallel_loop3A_652 = arith.addi %parallel_loop3A_651, %iota3A : vector<16xi32>
      %parallel_loop3A_653 = arith.constant 0 : i32
      %parallel_loop3A_654 = arith.constant 0 : i32
      %parallel_loop3A_655 = tpu.memref_slice %arg7[%parallel_loop3A_561, %parallel_loop3A_653, %parallel_loop3A_654] : memref<2x128x128xf32, #tpu.memory_space<vmem>> -> memref<1x128x128xf32, #tpu.memory_space<vmem>>
      %parallel_loop3A_656 = tpu.memref_squeeze %parallel_loop3A_655 : memref<1x128x128xf32, #tpu.memory_space<vmem>> -> memref<128x128xf32, #tpu.memory_space<vmem>>
      %parallel_loop3A_657 = tpu.vector_load_idx %parallel_loop3A_656[%parallel_loop3A_649, %parallel_loop3A_652] : memref<128x128xf32, #tpu.memory_space<vmem>>[vector<16xi32>, vector<16xi32>], vector<16xf32>,
      %parallel_loop3A_658 = arith.constant 0 : i32
      %parallel_loop3A_659 = arith.constant 0 : i32
      %parallel_loop3A_660 = arith.constant 0 : i32
      %parallel_loop3A_661 = tpu.memref_slice %arg8[%parallel_loop3A_562, %parallel_loop3A_658, %parallel_loop3A_659, %parallel_loop3A_660] : memref<2x8x8x136xf32, #tpu.memory_space<vmem>> -> memref<1x8x8x136xf32, #tpu.memory_space<vmem>>
      %parallel_loop3A_662 = tpu.memref_squeeze %parallel_loop3A_661 : memref<1x8x8x136xf32, #tpu.memory_space<vmem>> -> memref<8x8x136xf32, #tpu.memory_space<vmem>>
      tpu.vector_store_idx %parallel_loop3A_662[%select_n3A_355, %select_n3A_482, %parallel_loop3A_649], %parallel_loop3A_657 : memref<8x8x136xf32, #tpu.memory_space<vmem>>[vector<16xi32>, vector<16xi32>, vector<16xi32>], vector<16xf32>,
      %parallel_loop3A_663 = arith.constant 16 : i32
      %parallel_loop3A_664 = vector.broadcast %parallel_loop3A_663 : i32 to vector<16xi32>
      %parallel_loop3A_665 = arith.addi %parallel_loop3A_664, %iota3A : vector<16xi32>
      %parallel_loop3A_666 = arith.constant 0 : i32
      %parallel_loop3A_667 = arith.constant 0 : i32
      %parallel_loop3A_668 = tpu.memref_slice %arg7[%parallel_loop3A_561, %parallel_loop3A_666, %parallel_loop3A_667] : memref<2x128x128xf32, #tpu.memory_space<vmem>> -> memref<1x128x128xf32, #tpu.memory_space<vmem>>
      %parallel_loop3A_669 = tpu.memref_squeeze %parallel_loop3A_668 : memref<1x128x128xf32, #tpu.memory_space<vmem>> -> memref<128x128xf32, #tpu.memory_space<vmem>>
      %parallel_loop3A_670 = tpu.vector_load_idx %parallel_loop3A_669[%parallel_loop3A_649, %parallel_loop3A_665] : memref<128x128xf32, #tpu.memory_space<vmem>>[vector<16xi32>, vector<16xi32>], vector<16xf32>,
      %parallel_loop3A_671 = arith.constant 0 : i32
      %parallel_loop3A_672 = arith.constant 0 : i32
      %parallel_loop3A_673 = arith.constant 0 : i32
      %parallel_loop3A_674 = tpu.memref_slice %arg8[%parallel_loop3A_562, %parallel_loop3A_671, %parallel_loop3A_672, %parallel_loop3A_673] : memref<2x8x8x136xf32, #tpu.memory_space<vmem>> -> memref<1x8x8x136xf32, #tpu.memory_space<vmem>>
      %parallel_loop3A_675 = tpu.memref_squeeze %parallel_loop3A_674 : memref<1x8x8x136xf32, #tpu.memory_space<vmem>> -> memref<8x8x136xf32, #tpu.memory_space<vmem>>
      tpu.vector_store_idx %parallel_loop3A_675[%select_n3A_389, %select_n3A_507, %parallel_loop3A_649], %parallel_loop3A_670 : memref<8x8x136xf32, #tpu.memory_space<vmem>>[vector<16xi32>, vector<16xi32>, vector<16xi32>], vector<16xf32>,
      %parallel_loop3A_676 = arith.constant 32 : i32
      %parallel_loop3A_677 = vector.broadcast %parallel_loop3A_676 : i32 to vector<16xi32>
      %parallel_loop3A_678 = arith.addi %parallel_loop3A_677, %iota3A : vector<16xi32>
      %parallel_loop3A_679 = arith.constant 0 : i32
      %parallel_loop3A_680 = arith.constant 0 : i32
      %parallel_loop3A_681 = tpu.memref_slice %arg7[%parallel_loop3A_561, %parallel_loop3A_679, %parallel_loop3A_680] : memref<2x128x128xf32, #tpu.memory_space<vmem>> -> memref<1x128x128xf32, #tpu.memory_space<vmem>>
      %parallel_loop3A_682 = tpu.memref_squeeze %parallel_loop3A_681 : memref<1x128x128xf32, #tpu.memory_space<vmem>> -> memref<128x128xf32, #tpu.memory_space<vmem>>
      %parallel_loop3A_683 = tpu.vector_load_idx %parallel_loop3A_682[%parallel_loop3A_649, %parallel_loop3A_678] : memref<128x128xf32, #tpu.memory_space<vmem>>[vector<16xi32>, vector<16xi32>], vector<16xf32>,
      %parallel_loop3A_684 = arith.constant 0 : i32
      %parallel_loop3A_685 = arith.constant 0 : i32
      %parallel_loop3A_686 = arith.constant 0 : i32
      %parallel_loop3A_687 = tpu.memref_slice %arg8[%parallel_loop3A_562, %parallel_loop3A_684, %parallel_loop3A_685, %parallel_loop3A_686] : memref<2x8x8x136xf32, #tpu.memory_space<vmem>> -> memref<1x8x8x136xf32, #tpu.memory_space<vmem>>
      %parallel_loop3A_688 = tpu.memref_squeeze %parallel_loop3A_687 : memref<1x8x8x136xf32, #tpu.memory_space<vmem>> -> memref<8x8x136xf32, #tpu.memory_space<vmem>>
      tpu.vector_store_idx %parallel_loop3A_688[%select_n3A_423, %select_n3A_532, %parallel_loop3A_649], %parallel_loop3A_683 : memref<8x8x136xf32, #tpu.memory_space<vmem>>[vector<16xi32>, vector<16xi32>, vector<16xi32>], vector<16xf32>,
      %parallel_loop3A_689 = arith.constant 48 : i32
      %parallel_loop3A_690 = vector.broadcast %parallel_loop3A_689 : i32 to vector<16xi32>
      %parallel_loop3A_691 = arith.addi %parallel_loop3A_690, %iota3A : vector<16xi32>
      %parallel_loop3A_692 = arith.constant 0 : i32
      %parallel_loop3A_693 = arith.constant 0 : i32
      %parallel_loop3A_694 = tpu.memref_slice %arg7[%parallel_loop3A_561, %parallel_loop3A_692, %parallel_loop3A_693] : memref<2x128x128xf32, #tpu.memory_space<vmem>> -> memref<1x128x128xf32, #tpu.memory_space<vmem>>
      %parallel_loop3A_695 = tpu.memref_squeeze %parallel_loop3A_694 : memref<1x128x128xf32, #tpu.memory_space<vmem>> -> memref<128x128xf32, #tpu.memory_space<vmem>>
      %parallel_loop3A_696 = tpu.vector_load_idx %parallel_loop3A_695[%parallel_loop3A_649, %parallel_loop3A_691] : memref<128x128xf32, #tpu.memory_space<vmem>>[vector<16xi32>, vector<16xi32>], vector<16xf32>,
      %parallel_loop3A_697 = arith.constant 0 : i32
      %parallel_loop3A_698 = arith.constant 0 : i32
      %parallel_loop3A_699 = arith.constant 0 : i32
      %parallel_loop3A_700 = tpu.memref_slice %arg8[%parallel_loop3A_562, %parallel_loop3A_697, %parallel_loop3A_698, %parallel_loop3A_699] : memref<2x8x8x136xf32, #tpu.memory_space<vmem>> -> memref<1x8x8x136xf32, #tpu.memory_space<vmem>>
      %parallel_loop3A_701 = tpu.memref_squeeze %parallel_loop3A_700 : memref<1x8x8x136xf32, #tpu.memory_space<vmem>> -> memref<8x8x136xf32, #tpu.memory_space<vmem>>
      tpu.vector_store_idx %parallel_loop3A_701[%select_n3A_457, %select_n3A_557, %parallel_loop3A_649], %parallel_loop3A_696 : memref<8x8x136xf32, #tpu.memory_space<vmem>>[vector<16xi32>, vector<16xi32>, vector<16xi32>], vector<16xf32>,
    } {sc.loop_unroll_factor = 8 : i64, sc.parallel_access}
    %dma_start3A_563 = arith.constant 1 : i32
    %dma_start3A_564 = arith.constant 1 : i32
    %dma_start3A_565 = arith.constant 0 : i32
    %dma_start3A_566 = arith.constant 0 : i32
    %dma_start3A_567 = arith.constant 0 : i32
    %dma_start3A_568 = tpu.memref_slice %arg8[%dma_start3A_563, %dma_start3A_565, %dma_start3A_566, %dma_start3A_567] : memref<2x8x8x136xf32, #tpu.memory_space<vmem>> -> memref<1x8x8x128xf32, #tpu.memory_space<vmem>>
    %dma_start3A_569 = tpu.memref_squeeze %dma_start3A_568 : memref<1x8x8x128xf32, #tpu.memory_space<vmem>> -> memref<8x8x128xf32, #tpu.memory_space<vmem>>
    %dma_start3A_570 = arith.constant 0 : i32
    %dma_start3A_571 = arith.constant 0 : i32
    %dma_start3A_572 = arith.constant 0 : i32
    %dma_start3A_573 = tpu.memref_slice %arg4[%dma_start3A_564, %dma_start3A_570, %add3A, %dma_start3A_571, %dma_start3A_572] : memref<200x8x32x8x128xf32, #tpu.memory_space<hbm>> -> memref<1x8x1x8x128xf32, #tpu.memory_space<hbm>>
    %dma_start3A_574 = tpu.memref_squeeze %dma_start3A_573 : memref<1x8x1x8x128xf32, #tpu.memory_space<hbm>> -> memref<8x8x128xf32, #tpu.memory_space<hbm>>
    %dma_start3A_575 = arith.constant 0 : i32
    %dma_start3A_576 = arith.constant 0 : i32
    %dma_start3A_577 = arith.constant 0 : i32
    %dma_start3A_578 = tpu.memref_slice %arg4[%dma_start3A_564, %dma_start3A_575, %add3A, %dma_start3A_576, %dma_start3A_577] : memref<200x8x32x8x128xf32, #tpu.memory_space<hbm>> -> memref<1x8x1x8x128xf32, #tpu.memory_space<hbm>>
    %dma_start3A_579 = tpu.memref_squeeze %dma_start3A_578 : memref<1x8x1x8x128xf32, #tpu.memory_space<hbm>> -> memref<8x8x128xf32, #tpu.memory_space<hbm>>
    %dma_start3A_580 = arith.constant 0 : i32
    %dma_start3A_581 = arith.constant 0 : i32
    %dma_start3A_582 = arith.constant 0 : i32
    %dma_start3A_583 = tpu.memref_slice %arg8[%dma_start3A_563, %dma_start3A_580, %dma_start3A_581, %dma_start3A_582] : memref<2x8x8x136xf32, #tpu.memory_space<vmem>> -> memref<1x8x8x128xf32, #tpu.memory_space<vmem>>
    %dma_start3A_584 = tpu.memref_squeeze %dma_start3A_583 : memref<1x8x8x128xf32, #tpu.memory_space<vmem>> -> memref<8x8x128xf32, #tpu.memory_space<vmem>>
    tpu.enqueue_dma source(%dma_start3A_584 : memref<8x8x128xf32, #tpu.memory_space<vmem>>) target(%dma_start3A_579 : memref<8x8x128xf32, #tpu.memory_space<hbm>>) target_semaphore(%arg12 : memref<!tpu.dma_semaphore, #tpu.memory_space<semaphore_mem>>)
    %dma_start3A_585 = arith.constant 3 : i32
    %dma_start3A_586 = arith.constant 1 : i32
    %dma_start3A_587 = arith.constant 0 : i32
    %dma_start3A_588 = arith.constant 0 : i32
    %dma_start3A_589 = tpu.memref_slice %arg7[%dma_start3A_586, %dma_start3A_587, %dma_start3A_588] : memref<2x128x128xf32, #tpu.memory_space<vmem>> -> memref<1x128x128xf32, #tpu.memory_space<vmem>>
    %dma_start3A_590 = tpu.memref_squeeze %dma_start3A_589 : memref<1x128x128xf32, #tpu.memory_space<vmem>> -> memref<128x128xf32, #tpu.memory_space<vmem>>
    %dma_start3A_591 = arith.constant 0 : i32
    %dma_start3A_592 = tpu.memref_slice %arg6[%dma_start3A_585, %dma_start3A_591] : memref<200x128xi32, #tpu.memory_space<vmem>> -> memref<1x128xi32, #tpu.memory_space<vmem>>
    %dma_start3A_593 = tpu.memref_squeeze %dma_start3A_592 : memref<1x128xi32, #tpu.memory_space<vmem>> -> memref<128xi32, #tpu.memory_space<vmem>>
    %dma_start3A_594 = arith.constant 0 : i32
    %dma_start3A_595 = arith.constant 0 : i32
    %dma_start3A_596 = tpu.memref_slice %arg3[%dma_start3A_594, %dma_start3A_595] : memref<1000000x128xf32, #tpu.memory_space<hbm>> -> memref<1000000x128xf32, #tpu.memory_space<hbm>>
    tpu.enqueue_indirect_dma source(%dma_start3A_596 : memref<1000000x128xf32, #tpu.memory_space<hbm>>) target(%dma_start3A_590 : memref<128x128xf32, #tpu.memory_space<vmem>>) offsets(%dma_start3A_593 : memref<128xi32, #tpu.memory_space<vmem>>) semaphore(%arg10 : memref<!tpu.dma_semaphore, #tpu.memory_space<semaphore_mem>>)
    %scan3A = arith.constant 0 : i32
    %scan3A_597 = arith.constant 0 : i32
    %scan3A_598 = arith.constant 99 : i32
    %scan3A_599 = arith.addi %scan3A_597, %scan3A_598 : i32
    %scan3A_600 = arith.constant 1 : i32
    scf.for %scan3A_648 = %scan3A_597 to %scan3A_599 step %scan3A_600  : i32 {
      %mul3A_649 = arith.constant 2 : i32
      %mul3A_650 = arith.muli %mul3A_649, %scan3A_648 : i32
      %add3A_651 = arith.constant 2 : i32
      %add3A_652 = arith.addi %add3A_651, %mul3A_650 : i32
      %dma_wait3A_653 = arith.constant 0 : i32
      %dma_wait3A_654 = arith.constant 0 : i32
      %dma_wait3A_655 = arith.constant 0 : i32
      %dma_wait3A_656 = tpu.memref_slice %arg7[%dma_wait3A_653, %dma_wait3A_654, %dma_wait3A_655] : memref<2x128x128xf32, #tpu.memory_space<vmem>> -> memref<1x128x128xf32, #tpu.memory_space<vmem>>
      %dma_wait3A_657 = tpu.memref_squeeze %dma_wait3A_656 : memref<1x128x128xf32, #tpu.memory_space<vmem>> -> memref<128x128xf32, #tpu.memory_space<vmem>>
      %dma_wait3A_658 = arith.constant 0 : i32
      %dma_wait3A_659 = arith.constant 0 : i32
      %dma_wait3A_660 = tpu.memref_slice %arg3[%dma_wait3A_658, %dma_wait3A_659] : memref<1000000x128xf32, #tpu.memory_space<hbm>> -> memref<128x128xf32, #tpu.memory_space<hbm>>
      %dma_wait3A_661 = arith.constant 0 : i32
      %dma_wait3A_662 = arith.constant 0 : i32
      %dma_wait3A_663 = tpu.memref_slice %arg7[%dma_wait3A_653, %dma_wait3A_661, %dma_wait3A_662] : memref<2x128x128xf32, #tpu.memory_space<vmem>> -> memref<1x128x128xf32, #tpu.memory_space<vmem>>
      %dma_wait3A_664 = tpu.memref_squeeze %dma_wait3A_663 : memref<1x128x128xf32, #tpu.memory_space<vmem>> -> memref<128x128xf32, #tpu.memory_space<vmem>>
      %dma_wait3A_665 = arith.constant 0 : i32
      %dma_wait3A_666 = arith.constant 0 : i32
      %dma_wait3A_667 = tpu.memref_slice %arg3[%dma_wait3A_665, %dma_wait3A_666] : memref<1000000x128xf32, #tpu.memory_space<hbm>> -> memref<128x128xf32, #tpu.memory_space<hbm>>
      tpu.wait_dma2 semaphore(%arg9 : memref<!tpu.dma_semaphore, #tpu.memory_space<semaphore_mem>>) src(%dma_wait3A_667 : memref<128x128xf32, #tpu.memory_space<hbm>>) dst(%dma_wait3A_664 : memref<128x128xf32, #tpu.memory_space<vmem>>)
      %dma_wait3A_668 = arith.constant 0 : i32
      %dma_wait3A_669 = arith.constant 0 : i32
      %dma_wait3A_670 = arith.constant 0 : i32
      %dma_wait3A_671 = arith.constant 0 : i32
      %dma_wait3A_672 = arith.constant 0 : i32
      %dma_wait3A_673 = arith.constant 0 : i32
      %dma_wait3A_674 = tpu.memref_slice %arg8[%dma_wait3A_668, %dma_wait3A_671, %dma_wait3A_672, %dma_wait3A_673] : memref<2x8x8x136xf32, #tpu.memory_space<vmem>> -> memref<1x8x8x128xf32, #tpu.memory_space<vmem>>
      %dma_wait3A_675 = tpu.memref_squeeze %dma_wait3A_674 : memref<1x8x8x128xf32, #tpu.memory_space<vmem>> -> memref<8x8x128xf32, #tpu.memory_space<vmem>>
      %dma_wait3A_676 = arith.constant 0 : i32
      %dma_wait3A_677 = arith.constant 0 : i32
      %dma_wait3A_678 = arith.constant 0 : i32
      %dma_wait3A_679 = tpu.memref_slice %arg4[%dma_wait3A_669, %dma_wait3A_676, %dma_wait3A_670, %dma_wait3A_677, %dma_wait3A_678] : memref<200x8x32x8x128xf32, #tpu.memory_space<hbm>> -> memref<1x8x1x8x128xf32, #tpu.memory_space<hbm>>
      %dma_wait3A_680 = tpu.memref_squeeze %dma_wait3A_679 : memref<1x8x1x8x128xf32, #tpu.memory_space<hbm>> -> memref<8x8x128xf32, #tpu.memory_space<hbm>>
      %dma_wait3A_681 = arith.constant 0 : i32
      %dma_wait3A_682 = arith.constant 0 : i32
      %dma_wait3A_683 = arith.constant 0 : i32
      %dma_wait3A_684 = tpu.memref_slice %arg4[%dma_wait3A_669, %dma_wait3A_681, %dma_wait3A_670, %dma_wait3A_682, %dma_wait3A_683] : memref<200x8x32x8x128xf32, #tpu.memory_space<hbm>> -> memref<1x8x1x8x128xf32, #tpu.memory_space<hbm>>
      %dma_wait3A_685 = tpu.memref_squeeze %dma_wait3A_684 : memref<1x8x1x8x128xf32, #tpu.memory_space<hbm>> -> memref<8x8x128xf32, #tpu.memory_space<hbm>>
      %dma_wait3A_686 = arith.constant 0 : i32
      %dma_wait3A_687 = arith.constant 0 : i32
      %dma_wait3A_688 = arith.constant 0 : i32
      %dma_wait3A_689 = tpu.memref_slice %arg8[%dma_wait3A_668, %dma_wait3A_686, %dma_wait3A_687, %dma_wait3A_688] : memref<2x8x8x136xf32, #tpu.memory_space<vmem>> -> memref<1x8x8x128xf32, #tpu.memory_space<vmem>>
      %dma_wait3A_690 = tpu.memref_squeeze %dma_wait3A_689 : memref<1x8x8x128xf32, #tpu.memory_space<vmem>> -> memref<8x8x128xf32, #tpu.memory_space<vmem>>
      tpu.wait_dma2 semaphore(%arg11 : memref<!tpu.dma_semaphore, #tpu.memory_space<semaphore_mem>>) src(%dma_wait3A_690 : memref<8x8x128xf32, #tpu.memory_space<vmem>>) dst(%dma_wait3A_685 : memref<8x8x128xf32, #tpu.memory_space<hbm>>)
      %add3A_691 = arith.constant 0 : i32
      %add3A_692 = vector.broadcast %add3A_691 : i32 to vector<16xi32>
      %add3A_693 = arith.addi %add3A_692, %iota3A : vector<16xi32>
      %jit3A_694 = arith.constant 8 : i32
      %div3A_695 = vector.broadcast %jit3A_694 : i32 to vector<16xi32>
      %div3A_696 = arith.divsi %add3A_693, %div3A_695 : vector<16xi32>
      %sign3A_697 = arith.constant 0 : i32
      %sign3A_698 = vector.broadcast %sign3A_697 : i32 to vector<16xi32>
      %sign3A_699 = arith.cmpi sgt, %add3A_693, %sign3A_698 : vector<16xi32>
      %sign3A_700 = arith.extui %sign3A_699 : vector<16xi1> to vector<16xi32>
      %sign3A_701 = arith.constant 0 : i32
      %sign3A_702 = vector.broadcast %sign3A_701 : i32 to vector<16xi32>
      %sign3A_703 = arith.cmpi slt, %add3A_693, %sign3A_702 : vector<16xi32>
      %sign3A_704 = arith.extui %sign3A_703 : vector<16xi1> to vector<16xi32>
      %sign3A_705 = arith.subi %sign3A_700, %sign3A_704 : vector<16xi32>
      %sign3A_706 = arith.constant 0 : i32
      %sign3A_707 = arith.cmpi sgt, %jit3A_694, %sign3A_706 : i32
      %sign3A_708 = arith.extui %sign3A_707 : i1 to i32
      %sign3A_709 = arith.constant 0 : i32
      %sign3A_710 = arith.cmpi slt, %jit3A_694, %sign3A_709 : i32
      %sign3A_711 = arith.extui %sign3A_710 : i1 to i32
      %sign3A_712 = arith.subi %sign3A_708, %sign3A_711 : i32
      %ne3A_713 = vector.broadcast %sign3A_712 : i32 to vector<16xi32>
      %ne3A_714 = arith.cmpi ne, %sign3A_705, %ne3A_713 : vector<16xi32>
      %rem3A_715 = vector.broadcast %jit3A_694 : i32 to vector<16xi32>
      %rem3A_716 = arith.remsi %add3A_693, %rem3A_715 : vector<16xi32>
      %ne3A_717 = arith.constant 0 : i32
      %ne3A_718 = vector.broadcast %ne3A_717 : i32 to vector<16xi32>
      %ne3A_719 = arith.cmpi ne, %rem3A_716, %ne3A_718 : vector<16xi32>
      %and3A_720 = arith.andi %ne3A_714, %ne3A_719 : vector<16xi1>
      %sub3A_721 = arith.constant 1 : i32
      %sub3A_722 = vector.broadcast %sub3A_721 : i32 to vector<16xi32>
      %sub3A_723 = arith.subi %div3A_696, %sub3A_722 : vector<16xi32>
      %select_n3A_724 = arith.select %and3A_720, %sub3A_723, %div3A_696 : vector<16xi1>, vector<16xi32>
      %add3A_725 = arith.constant 16 : i32
      %add3A_726 = vector.broadcast %add3A_725 : i32 to vector<16xi32>
      %add3A_727 = arith.addi %add3A_726, %iota3A : vector<16xi32>
      %jit3A_728 = arith.constant 8 : i32
      %div3A_729 = vector.broadcast %jit3A_728 : i32 to vector<16xi32>
      %div3A_730 = arith.divsi %add3A_727, %div3A_729 : vector<16xi32>
      %sign3A_731 = arith.constant 0 : i32
      %sign3A_732 = vector.broadcast %sign3A_731 : i32 to vector<16xi32>
      %sign3A_733 = arith.cmpi sgt, %add3A_727, %sign3A_732 : vector<16xi32>
      %sign3A_734 = arith.extui %sign3A_733 : vector<16xi1> to vector<16xi32>
      %sign3A_735 = arith.constant 0 : i32
      %sign3A_736 = vector.broadcast %sign3A_735 : i32 to vector<16xi32>
      %sign3A_737 = arith.cmpi slt, %add3A_727, %sign3A_736 : vector<16xi32>
      %sign3A_738 = arith.extui %sign3A_737 : vector<16xi1> to vector<16xi32>
      %sign3A_739 = arith.subi %sign3A_734, %sign3A_738 : vector<16xi32>
      %sign3A_740 = arith.constant 0 : i32
      %sign3A_741 = arith.cmpi sgt, %jit3A_728, %sign3A_740 : i32
      %sign3A_742 = arith.extui %sign3A_741 : i1 to i32
      %sign3A_743 = arith.constant 0 : i32
      %sign3A_744 = arith.cmpi slt, %jit3A_728, %sign3A_743 : i32
      %sign3A_745 = arith.extui %sign3A_744 : i1 to i32
      %sign3A_746 = arith.subi %sign3A_742, %sign3A_745 : i32
      %ne3A_747 = vector.broadcast %sign3A_746 : i32 to vector<16xi32>
      %ne3A_748 = arith.cmpi ne, %sign3A_739, %ne3A_747 : vector<16xi32>
      %rem3A_749 = vector.broadcast %jit3A_728 : i32 to vector<16xi32>
      %rem3A_750 = arith.remsi %add3A_727, %rem3A_749 : vector<16xi32>
      %ne3A_751 = arith.constant 0 : i32
      %ne3A_752 = vector.broadcast %ne3A_751 : i32 to vector<16xi32>
      %ne3A_753 = arith.cmpi ne, %rem3A_750, %ne3A_752 : vector<16xi32>
      %and3A_754 = arith.andi %ne3A_748, %ne3A_753 : vector<16xi1>
      %sub3A_755 = arith.constant 1 : i32
      %sub3A_756 = vector.broadcast %sub3A_755 : i32 to vector<16xi32>
      %sub3A_757 = arith.subi %div3A_730, %sub3A_756 : vector<16xi32>
      %select_n3A_758 = arith.select %and3A_754, %sub3A_757, %div3A_730 : vector<16xi1>, vector<16xi32>
      %add3A_759 = arith.constant 32 : i32
      %add3A_760 = vector.broadcast %add3A_759 : i32 to vector<16xi32>
      %add3A_761 = arith.addi %add3A_760, %iota3A : vector<16xi32>
      %jit3A_762 = arith.constant 8 : i32
      %div3A_763 = vector.broadcast %jit3A_762 : i32 to vector<16xi32>
      %div3A_764 = arith.divsi %add3A_761, %div3A_763 : vector<16xi32>
      %sign3A_765 = arith.constant 0 : i32
      %sign3A_766 = vector.broadcast %sign3A_765 : i32 to vector<16xi32>
      %sign3A_767 = arith.cmpi sgt, %add3A_761, %sign3A_766 : vector<16xi32>
      %sign3A_768 = arith.extui %sign3A_767 : vector<16xi1> to vector<16xi32>
      %sign3A_769 = arith.constant 0 : i32
      %sign3A_770 = vector.broadcast %sign3A_769 : i32 to vector<16xi32>
      %sign3A_771 = arith.cmpi slt, %add3A_761, %sign3A_770 : vector<16xi32>
      %sign3A_772 = arith.extui %sign3A_771 : vector<16xi1> to vector<16xi32>
      %sign3A_773 = arith.subi %sign3A_768, %sign3A_772 : vector<16xi32>
      %sign3A_774 = arith.constant 0 : i32
      %sign3A_775 = arith.cmpi sgt, %jit3A_762, %sign3A_774 : i32
      %sign3A_776 = arith.extui %sign3A_775 : i1 to i32
      %sign3A_777 = arith.constant 0 : i32
      %sign3A_778 = arith.cmpi slt, %jit3A_762, %sign3A_777 : i32
      %sign3A_779 = arith.extui %sign3A_778 : i1 to i32
      %sign3A_780 = arith.subi %sign3A_776, %sign3A_779 : i32
      %ne3A_781 = vector.broadcast %sign3A_780 : i32 to vector<16xi32>
      %ne3A_782 = arith.cmpi ne, %sign3A_773, %ne3A_781 : vector<16xi32>
      %rem3A_783 = vector.broadcast %jit3A_762 : i32 to vector<16xi32>
      %rem3A_784 = arith.remsi %add3A_761, %rem3A_783 : vector<16xi32>
      %ne3A_785 = arith.constant 0 : i32
      %ne3A_786 = vector.broadcast %ne3A_785 : i32 to vector<16xi32>
      %ne3A_787 = arith.cmpi ne, %rem3A_784, %ne3A_786 : vector<16xi32>
      %and3A_788 = arith.andi %ne3A_782, %ne3A_787 : vector<16xi1>
      %sub3A_789 = arith.constant 1 : i32
      %sub3A_790 = vector.broadcast %sub3A_789 : i32 to vector<16xi32>
      %sub3A_791 = arith.subi %div3A_764, %sub3A_790 : vector<16xi32>
      %select_n3A_792 = arith.select %and3A_788, %sub3A_791, %div3A_764 : vector<16xi1>, vector<16xi32>
      %add3A_793 = arith.constant 48 : i32
      %add3A_794 = vector.broadcast %add3A_793 : i32 to vector<16xi32>
      %add3A_795 = arith.addi %add3A_794, %iota3A : vector<16xi32>
      %jit3A_796 = arith.constant 8 : i32
      %div3A_797 = vector.broadcast %jit3A_796 : i32 to vector<16xi32>
      %div3A_798 = arith.divsi %add3A_795, %div3A_797 : vector<16xi32>
      %sign3A_799 = arith.constant 0 : i32
      %sign3A_800 = vector.broadcast %sign3A_799 : i32 to vector<16xi32>
      %sign3A_801 = arith.cmpi sgt, %add3A_795, %sign3A_800 : vector<16xi32>
      %sign3A_802 = arith.extui %sign3A_801 : vector<16xi1> to vector<16xi32>
      %sign3A_803 = arith.constant 0 : i32
      %sign3A_804 = vector.broadcast %sign3A_803 : i32 to vector<16xi32>
      %sign3A_805 = arith.cmpi slt, %add3A_795, %sign3A_804 : vector<16xi32>
      %sign3A_806 = arith.extui %sign3A_805 : vector<16xi1> to vector<16xi32>
      %sign3A_807 = arith.subi %sign3A_802, %sign3A_806 : vector<16xi32>
      %sign3A_808 = arith.constant 0 : i32
      %sign3A_809 = arith.cmpi sgt, %jit3A_796, %sign3A_808 : i32
      %sign3A_810 = arith.extui %sign3A_809 : i1 to i32
      %sign3A_811 = arith.constant 0 : i32
      %sign3A_812 = arith.cmpi slt, %jit3A_796, %sign3A_811 : i32
      %sign3A_813 = arith.extui %sign3A_812 : i1 to i32
      %sign3A_814 = arith.subi %sign3A_810, %sign3A_813 : i32
      %ne3A_815 = vector.broadcast %sign3A_814 : i32 to vector<16xi32>
      %ne3A_816 = arith.cmpi ne, %sign3A_807, %ne3A_815 : vector<16xi32>
      %rem3A_817 = vector.broadcast %jit3A_796 : i32 to vector<16xi32>
      %rem3A_818 = arith.remsi %add3A_795, %rem3A_817 : vector<16xi32>
      %ne3A_819 = arith.constant 0 : i32
      %ne3A_820 = vector.broadcast %ne3A_819 : i32 to vector<16xi32>
      %ne3A_821 = arith.cmpi ne, %rem3A_818, %ne3A_820 : vector<16xi32>
      %and3A_822 = arith.andi %ne3A_816, %ne3A_821 : vector<16xi1>
      %sub3A_823 = arith.constant 1 : i32
      %sub3A_824 = vector.broadcast %sub3A_823 : i32 to vector<16xi32>
      %sub3A_825 = arith.subi %div3A_798, %sub3A_824 : vector<16xi32>
      %select_n3A_826 = arith.select %and3A_822, %sub3A_825, %div3A_798 : vector<16xi1>, vector<16xi32>
      %add3A_827 = arith.constant 0 : i32
      %add3A_828 = vector.broadcast %add3A_827 : i32 to vector<16xi32>
      %add3A_829 = arith.addi %add3A_828, %iota3A : vector<16xi32>
      %jit3A_830 = arith.constant 8 : i32
      %eq3A_831 = arith.constant 0 : i32
      %eq3A_832 = arith.cmpi eq, %jit3A_830, %eq3A_831 : i32
      %jit3A_833 = arith.constant 1 : i32
      %select_n3A_834 = arith.select %eq3A_832, %jit3A_833, %jit3A_830 : i32
      %rem3A_835 = vector.broadcast %select_n3A_834 : i32 to vector<16xi32>
      %rem3A_836 = arith.remsi %add3A_829, %rem3A_835 : vector<16xi32>
      %ne3A_837 = arith.constant 0 : i32
      %ne3A_838 = vector.broadcast %ne3A_837 : i32 to vector<16xi32>
      %ne3A_839 = arith.cmpi ne, %rem3A_836, %ne3A_838 : vector<16xi32>
      %lt3A_840 = arith.constant 0 : i32
      %lt3A_841 = vector.broadcast %lt3A_840 : i32 to vector<16xi32>
      %lt3A_842 = arith.cmpi slt, %rem3A_836, %lt3A_841 : vector<16xi32>
      %lt3A_843 = arith.constant 0 : i32
      %lt3A_844 = arith.cmpi slt, %select_n3A_834, %lt3A_843 : i32
      %ne3A_845 = vector.broadcast %lt3A_844 : i1 to vector<16xi1>
      %ne3A_846 = vector.broadcast %ne3A_845 : vector<16xi1> to vector<16xi1>
      %ne3A_847 = arith.xori %lt3A_842, %ne3A_846 : vector<16xi1>
      %and3A_848 = arith.andi %ne3A_847, %ne3A_839 : vector<16xi1>
      %add3A_849 = vector.broadcast %select_n3A_834 : i32 to vector<16xi32>
      %add3A_850 = arith.addi %rem3A_836, %add3A_849 : vector<16xi32>
      %select_n3A_851 = arith.select %and3A_848, %add3A_850, %rem3A_836 : vector<16xi1>, vector<16xi32>
      %add3A_852 = arith.constant 16 : i32
      %add3A_853 = vector.broadcast %add3A_852 : i32 to vector<16xi32>
      %add3A_854 = arith.addi %add3A_853, %iota3A : vector<16xi32>
      %jit3A_855 = arith.constant 8 : i32
      %eq3A_856 = arith.constant 0 : i32
      %eq3A_857 = arith.cmpi eq, %jit3A_855, %eq3A_856 : i32
      %jit3A_858 = arith.constant 1 : i32
      %select_n3A_859 = arith.select %eq3A_857, %jit3A_858, %jit3A_855 : i32
      %rem3A_860 = vector.broadcast %select_n3A_859 : i32 to vector<16xi32>
      %rem3A_861 = arith.remsi %add3A_854, %rem3A_860 : vector<16xi32>
      %ne3A_862 = arith.constant 0 : i32
      %ne3A_863 = vector.broadcast %ne3A_862 : i32 to vector<16xi32>
      %ne3A_864 = arith.cmpi ne, %rem3A_861, %ne3A_863 : vector<16xi32>
      %lt3A_865 = arith.constant 0 : i32
      %lt3A_866 = vector.broadcast %lt3A_865 : i32 to vector<16xi32>
      %lt3A_867 = arith.cmpi slt, %rem3A_861, %lt3A_866 : vector<16xi32>
      %lt3A_868 = arith.constant 0 : i32
      %lt3A_869 = arith.cmpi slt, %select_n3A_859, %lt3A_868 : i32
      %ne3A_870 = vector.broadcast %lt3A_869 : i1 to vector<16xi1>
      %ne3A_871 = vector.broadcast %ne3A_870 : vector<16xi1> to vector<16xi1>
      %ne3A_872 = arith.xori %lt3A_867, %ne3A_871 : vector<16xi1>
      %and3A_873 = arith.andi %ne3A_872, %ne3A_864 : vector<16xi1>
      %add3A_874 = vector.broadcast %select_n3A_859 : i32 to vector<16xi32>
      %add3A_875 = arith.addi %rem3A_861, %add3A_874 : vector<16xi32>
      %select_n3A_876 = arith.select %and3A_873, %add3A_875, %rem3A_861 : vector<16xi1>, vector<16xi32>
      %add3A_877 = arith.constant 32 : i32
      %add3A_878 = vector.broadcast %add3A_877 : i32 to vector<16xi32>
      %add3A_879 = arith.addi %add3A_878, %iota3A : vector<16xi32>
      %jit3A_880 = arith.constant 8 : i32
      %eq3A_881 = arith.constant 0 : i32
      %eq3A_882 = arith.cmpi eq, %jit3A_880, %eq3A_881 : i32
      %jit3A_883 = arith.constant 1 : i32
      %select_n3A_884 = arith.select %eq3A_882, %jit3A_883, %jit3A_880 : i32
      %rem3A_885 = vector.broadcast %select_n3A_884 : i32 to vector<16xi32>
      %rem3A_886 = arith.remsi %add3A_879, %rem3A_885 : vector<16xi32>
      %ne3A_887 = arith.constant 0 : i32
      %ne3A_888 = vector.broadcast %ne3A_887 : i32 to vector<16xi32>
      %ne3A_889 = arith.cmpi ne, %rem3A_886, %ne3A_888 : vector<16xi32>
      %lt3A_890 = arith.constant 0 : i32
      %lt3A_891 = vector.broadcast %lt3A_890 : i32 to vector<16xi32>
      %lt3A_892 = arith.cmpi slt, %rem3A_886, %lt3A_891 : vector<16xi32>
      %lt3A_893 = arith.constant 0 : i32
      %lt3A_894 = arith.cmpi slt, %select_n3A_884, %lt3A_893 : i32
      %ne3A_895 = vector.broadcast %lt3A_894 : i1 to vector<16xi1>
      %ne3A_896 = vector.broadcast %ne3A_895 : vector<16xi1> to vector<16xi1>
      %ne3A_897 = arith.xori %lt3A_892, %ne3A_896 : vector<16xi1>
      %and3A_898 = arith.andi %ne3A_897, %ne3A_889 : vector<16xi1>
      %add3A_899 = vector.broadcast %select_n3A_884 : i32 to vector<16xi32>
      %add3A_900 = arith.addi %rem3A_886, %add3A_899 : vector<16xi32>
      %select_n3A_901 = arith.select %and3A_898, %add3A_900, %rem3A_886 : vector<16xi1>, vector<16xi32>
      %add3A_902 = arith.constant 48 : i32
      %add3A_903 = vector.broadcast %add3A_902 : i32 to vector<16xi32>
      %add3A_904 = arith.addi %add3A_903, %iota3A : vector<16xi32>
      %jit3A_905 = arith.constant 8 : i32
      %eq3A_906 = arith.constant 0 : i32
      %eq3A_907 = arith.cmpi eq, %jit3A_905, %eq3A_906 : i32
      %jit3A_908 = arith.constant 1 : i32
      %select_n3A_909 = arith.select %eq3A_907, %jit3A_908, %jit3A_905 : i32
      %rem3A_910 = vector.broadcast %select_n3A_909 : i32 to vector<16xi32>
      %rem3A_911 = arith.remsi %add3A_904, %rem3A_910 : vector<16xi32>
      %ne3A_912 = arith.constant 0 : i32
      %ne3A_913 = vector.broadcast %ne3A_912 : i32 to vector<16xi32>
      %ne3A_914 = arith.cmpi ne, %rem3A_911, %ne3A_913 : vector<16xi32>
      %lt3A_915 = arith.constant 0 : i32
      %lt3A_916 = vector.broadcast %lt3A_915 : i32 to vector<16xi32>
      %lt3A_917 = arith.cmpi slt, %rem3A_911, %lt3A_916 : vector<16xi32>
      %lt3A_918 = arith.constant 0 : i32
      %lt3A_919 = arith.cmpi slt, %select_n3A_909, %lt3A_918 : i32
      %ne3A_920 = vector.broadcast %lt3A_919 : i1 to vector<16xi1>
      %ne3A_921 = vector.broadcast %ne3A_920 : vector<16xi1> to vector<16xi1>
      %ne3A_922 = arith.xori %lt3A_917, %ne3A_921 : vector<16xi1>
      %and3A_923 = arith.andi %ne3A_922, %ne3A_914 : vector<16xi1>
      %add3A_924 = vector.broadcast %select_n3A_909 : i32 to vector<16xi32>
      %add3A_925 = arith.addi %rem3A_911, %add3A_924 : vector<16xi32>
      %select_n3A_926 = arith.select %and3A_923, %add3A_925, %rem3A_911 : vector<16xi1>, vector<16xi32>
      %parallel_loop3A_927 = arith.constant 0 : i32
      %parallel_loop3A_928 = arith.constant 128 : i32
      %parallel_loop3A_929 = arith.constant 1 : i32
      %parallel_loop3A_930 = arith.constant 0 : i32
      %parallel_loop3A_931 = arith.constant 0 : i32
      scf.for %parallel_loop3A_1267 = %parallel_loop3A_927 to %parallel_loop3A_928 step %parallel_loop3A_929  : i32 {
        %parallel_loop3A_1268 = vector.broadcast %parallel_loop3A_1267 : i32 to vector<16xi32>
        %parallel_loop3A_1269 = arith.constant 0 : i32
        %parallel_loop3A_1270 = vector.broadcast %parallel_loop3A_1269 : i32 to vector<16xi32>
        %parallel_loop3A_1271 = arith.addi %parallel_loop3A_1270, %iota3A : vector<16xi32>
        %parallel_loop3A_1272 = arith.constant 0 : i32
        %parallel_loop3A_1273 = arith.constant 0 : i32
        %parallel_loop3A_1274 = tpu.memref_slice %arg7[%parallel_loop3A_930, %parallel_loop3A_1272, %parallel_loop3A_1273] : memref<2x128x128xf32, #tpu.memory_space<vmem>> -> memref<1x128x128xf32, #tpu.memory_space<vmem>>
        %parallel_loop3A_1275 = tpu.memref_squeeze %parallel_loop3A_1274 : memref<1x128x128xf32, #tpu.memory_space<vmem>> -> memref<128x128xf32, #tpu.memory_space<vmem>>
        %parallel_loop3A_1276 = tpu.vector_load_idx %parallel_loop3A_1275[%parallel_loop3A_1268, %parallel_loop3A_1271] : memref<128x128xf32, #tpu.memory_space<vmem>>[vector<16xi32>, vector<16xi32>], vector<16xf32>,
        %parallel_loop3A_1277 = arith.constant 0 : i32
        %parallel_loop3A_1278 = arith.constant 0 : i32
        %parallel_loop3A_1279 = arith.constant 0 : i32
        %parallel_loop3A_1280 = tpu.memref_slice %arg8[%parallel_loop3A_931, %parallel_loop3A_1277, %parallel_loop3A_1278, %parallel_loop3A_1279] : memref<2x8x8x136xf32, #tpu.memory_space<vmem>> -> memref<1x8x8x136xf32, #tpu.memory_space<vmem>>
        %parallel_loop3A_1281 = tpu.memref_squeeze %parallel_loop3A_1280 : memref<1x8x8x136xf32, #tpu.memory_space<vmem>> -> memref<8x8x136xf32, #tpu.memory_space<vmem>>
        tpu.vector_store_idx %parallel_loop3A_1281[%select_n3A_724, %select_n3A_851, %parallel_loop3A_1268], %parallel_loop3A_1276 : memref<8x8x136xf32, #tpu.memory_space<vmem>>[vector<16xi32>, vector<16xi32>, vector<16xi32>], vector<16xf32>,
        %parallel_loop3A_1282 = arith.constant 16 : i32
        %parallel_loop3A_1283 = vector.broadcast %parallel_loop3A_1282 : i32 to vector<16xi32>
        %parallel_loop3A_1284 = arith.addi %parallel_loop3A_1283, %iota3A : vector<16xi32>
        %parallel_loop3A_1285 = arith.constant 0 : i32
        %parallel_loop3A_1286 = arith.constant 0 : i32
        %parallel_loop3A_1287 = tpu.memref_slice %arg7[%parallel_loop3A_930, %parallel_loop3A_1285, %parallel_loop3A_1286] : memref<2x128x128xf32, #tpu.memory_space<vmem>> -> memref<1x128x128xf32, #tpu.memory_space<vmem>>
        %parallel_loop3A_1288 = tpu.memref_squeeze %parallel_loop3A_1287 : memref<1x128x128xf32, #tpu.memory_space<vmem>> -> memref<128x128xf32, #tpu.memory_space<vmem>>
        %parallel_loop3A_1289 = tpu.vector_load_idx %parallel_loop3A_1288[%parallel_loop3A_1268, %parallel_loop3A_1284] : memref<128x128xf32, #tpu.memory_space<vmem>>[vector<16xi32>, vector<16xi32>], vector<16xf32>,
        %parallel_loop3A_1290 = arith.constant 0 : i32
        %parallel_loop3A_1291 = arith.constant 0 : i32
        %parallel_loop3A_1292 = arith.constant 0 : i32
        %parallel_loop3A_1293 = tpu.memref_slice %arg8[%parallel_loop3A_931, %parallel_loop3A_1290, %parallel_loop3A_1291, %parallel_loop3A_1292] : memref<2x8x8x136xf32, #tpu.memory_space<vmem>> -> memref<1x8x8x136xf32, #tpu.memory_space<vmem>>
        %parallel_loop3A_1294 = tpu.memref_squeeze %parallel_loop3A_1293 : memref<1x8x8x136xf32, #tpu.memory_space<vmem>> -> memref<8x8x136xf32, #tpu.memory_space<vmem>>
        tpu.vector_store_idx %parallel_loop3A_1294[%select_n3A_758, %select_n3A_876, %parallel_loop3A_1268], %parallel_loop3A_1289 : memref<8x8x136xf32, #tpu.memory_space<vmem>>[vector<16xi32>, vector<16xi32>, vector<16xi32>], vector<16xf32>,
        %parallel_loop3A_1295 = arith.constant 32 : i32
        %parallel_loop3A_1296 = vector.broadcast %parallel_loop3A_1295 : i32 to vector<16xi32>
        %parallel_loop3A_1297 = arith.addi %parallel_loop3A_1296, %iota3A : vector<16xi32>
        %parallel_loop3A_1298 = arith.constant 0 : i32
        %parallel_loop3A_1299 = arith.constant 0 : i32
        %parallel_loop3A_1300 = tpu.memref_slice %arg7[%parallel_loop3A_930, %parallel_loop3A_1298, %parallel_loop3A_1299] : memref<2x128x128xf32, #tpu.memory_space<vmem>> -> memref<1x128x128xf32, #tpu.memory_space<vmem>>
        %parallel_loop3A_1301 = tpu.memref_squeeze %parallel_loop3A_1300 : memref<1x128x128xf32, #tpu.memory_space<vmem>> -> memref<128x128xf32, #tpu.memory_space<vmem>>
        %parallel_loop3A_1302 = tpu.vector_load_idx %parallel_loop3A_1301[%parallel_loop3A_1268, %parallel_loop3A_1297] : memref<128x128xf32, #tpu.memory_space<vmem>>[vector<16xi32>, vector<16xi32>], vector<16xf32>,
        %parallel_loop3A_1303 = arith.constant 0 : i32
        %parallel_loop3A_1304 = arith.constant 0 : i32
        %parallel_loop3A_1305 = arith.constant 0 : i32
        %parallel_loop3A_1306 = tpu.memref_slice %arg8[%parallel_loop3A_931, %parallel_loop3A_1303, %parallel_loop3A_1304, %parallel_loop3A_1305] : memref<2x8x8x136xf32, #tpu.memory_space<vmem>> -> memref<1x8x8x136xf32, #tpu.memory_space<vmem>>
        %parallel_loop3A_1307 = tpu.memref_squeeze %parallel_loop3A_1306 : memref<1x8x8x136xf32, #tpu.memory_space<vmem>> -> memref<8x8x136xf32, #tpu.memory_space<vmem>>
        tpu.vector_store_idx %parallel_loop3A_1307[%select_n3A_792, %select_n3A_901, %parallel_loop3A_1268], %parallel_loop3A_1302 : memref<8x8x136xf32, #tpu.memory_space<vmem>>[vector<16xi32>, vector<16xi32>, vector<16xi32>], vector<16xf32>,
        %parallel_loop3A_1308 = arith.constant 48 : i32
        %parallel_loop3A_1309 = vector.broadcast %parallel_loop3A_1308 : i32 to vector<16xi32>
        %parallel_loop3A_1310 = arith.addi %parallel_loop3A_1309, %iota3A : vector<16xi32>
        %parallel_loop3A_1311 = arith.constant 0 : i32
        %parallel_loop3A_1312 = arith.constant 0 : i32
        %parallel_loop3A_1313 = tpu.memref_slice %arg7[%parallel_loop3A_930, %parallel_loop3A_1311, %parallel_loop3A_1312] : memref<2x128x128xf32, #tpu.memory_space<vmem>> -> memref<1x128x128xf32, #tpu.memory_space<vmem>>
        %parallel_loop3A_1314 = tpu.memref_squeeze %parallel_loop3A_1313 : memref<1x128x128xf32, #tpu.memory_space<vmem>> -> memref<128x128xf32, #tpu.memory_space<vmem>>
        %parallel_loop3A_1315 = tpu.vector_load_idx %parallel_loop3A_1314[%parallel_loop3A_1268, %parallel_loop3A_1310] : memref<128x128xf32, #tpu.memory_space<vmem>>[vector<16xi32>, vector<16xi32>], vector<16xf32>,
        %parallel_loop3A_1316 = arith.constant 0 : i32
        %parallel_loop3A_1317 = arith.constant 0 : i32
        %parallel_loop3A_1318 = arith.constant 0 : i32
        %parallel_loop3A_1319 = tpu.memref_slice %arg8[%parallel_loop3A_931, %parallel_loop3A_1316, %parallel_loop3A_1317, %parallel_loop3A_1318] : memref<2x8x8x136xf32, #tpu.memory_space<vmem>> -> memref<1x8x8x136xf32, #tpu.memory_space<vmem>>
        %parallel_loop3A_1320 = tpu.memref_squeeze %parallel_loop3A_1319 : memref<1x8x8x136xf32, #tpu.memory_space<vmem>> -> memref<8x8x136xf32, #tpu.memory_space<vmem>>
        tpu.vector_store_idx %parallel_loop3A_1320[%select_n3A_826, %select_n3A_926, %parallel_loop3A_1268], %parallel_loop3A_1315 : memref<8x8x136xf32, #tpu.memory_space<vmem>>[vector<16xi32>, vector<16xi32>, vector<16xi32>], vector<16xf32>,
      } {sc.loop_unroll_factor = 8 : i64, sc.parallel_access}
      %dma_start3A_932 = arith.constant 0 : i32
      %dma_start3A_933 = arith.constant 0 : i32
      %dma_start3A_934 = arith.constant 0 : i32
      %dma_start3A_935 = arith.constant 0 : i32
      %dma_start3A_936 = tpu.memref_slice %arg8[%dma_start3A_932, %dma_start3A_933, %dma_start3A_934, %dma_start3A_935] : memref<2x8x8x136xf32, #tpu.memory_space<vmem>> -> memref<1x8x8x128xf32, #tpu.memory_space<vmem>>
      %dma_start3A_937 = tpu.memref_squeeze %dma_start3A_936 : memref<1x8x8x128xf32, #tpu.memory_space<vmem>> -> memref<8x8x128xf32, #tpu.memory_space<vmem>>
      %dma_start3A_938 = arith.constant 0 : i32
      %dma_start3A_939 = arith.constant 0 : i32
      %dma_start3A_940 = arith.constant 0 : i32
      %dma_start3A_941 = tpu.memref_slice %arg4[%add3A_652, %dma_start3A_938, %add3A, %dma_start3A_939, %dma_start3A_940] : memref<200x8x32x8x128xf32, #tpu.memory_space<hbm>> -> memref<1x8x1x8x128xf32, #tpu.memory_space<hbm>>
      %dma_start3A_942 = tpu.memref_squeeze %dma_start3A_941 : memref<1x8x1x8x128xf32, #tpu.memory_space<hbm>> -> memref<8x8x128xf32, #tpu.memory_space<hbm>>
      %dma_start3A_943 = arith.constant 0 : i32
      %dma_start3A_944 = arith.constant 0 : i32
      %dma_start3A_945 = arith.constant 0 : i32
      %dma_start3A_946 = tpu.memref_slice %arg4[%add3A_652, %dma_start3A_943, %add3A, %dma_start3A_944, %dma_start3A_945] : memref<200x8x32x8x128xf32, #tpu.memory_space<hbm>> -> memref<1x8x1x8x128xf32, #tpu.memory_space<hbm>>
      %dma_start3A_947 = tpu.memref_squeeze %dma_start3A_946 : memref<1x8x1x8x128xf32, #tpu.memory_space<hbm>> -> memref<8x8x128xf32, #tpu.memory_space<hbm>>
      %dma_start3A_948 = arith.constant 0 : i32
      %dma_start3A_949 = arith.constant 0 : i32
      %dma_start3A_950 = arith.constant 0 : i32
      %dma_start3A_951 = tpu.memref_slice %arg8[%dma_start3A_932, %dma_start3A_948, %dma_start3A_949, %dma_start3A_950] : memref<2x8x8x136xf32, #tpu.memory_space<vmem>> -> memref<1x8x8x128xf32, #tpu.memory_space<vmem>>
      %dma_start3A_952 = tpu.memref_squeeze %dma_start3A_951 : memref<1x8x8x128xf32, #tpu.memory_space<vmem>> -> memref<8x8x128xf32, #tpu.memory_space<vmem>>
      tpu.enqueue_dma source(%dma_start3A_952 : memref<8x8x128xf32, #tpu.memory_space<vmem>>) target(%dma_start3A_947 : memref<8x8x128xf32, #tpu.memory_space<hbm>>) target_semaphore(%arg11 : memref<!tpu.dma_semaphore, #tpu.memory_space<semaphore_mem>>)
      %add3A_953 = arith.constant 2 : i32
      %add3A_954 = arith.addi %add3A_652, %add3A_953 : i32
      %lt3A_955 = arith.constant 200 : i32
      %lt3A_956 = arith.cmpi slt, %add3A_954, %lt3A_955 : i32
      %convert_element_type3A = arith.extui %lt3A_956 : i1 to i32
      %cond3A = arith.constant 0 : i32
      %cond3A_957 = arith.cmpi ne, %convert_element_type3A, %cond3A : i32
      scf.if %cond3A_957 {
        %add3A_1267 = arith.constant 2 : i32
        %add3A_1268 = arith.addi %add3A_652, %add3A_1267 : i32
        %dma_start3A_1269 = arith.constant 0 : i32
        %dma_start3A_1270 = arith.constant 0 : i32
        %dma_start3A_1271 = arith.constant 0 : i32
        %dma_start3A_1272 = tpu.memref_slice %arg7[%dma_start3A_1269, %dma_start3A_1270, %dma_start3A_1271] : memref<2x128x128xf32, #tpu.memory_space<vmem>> -> memref<1x128x128xf32, #tpu.memory_space<vmem>>
        %dma_start3A_1273 = tpu.memref_squeeze %dma_start3A_1272 : memref<1x128x128xf32, #tpu.memory_space<vmem>> -> memref<128x128xf32, #tpu.memory_space<vmem>>
        %dma_start3A_1274 = arith.constant 0 : i32
        %dma_start3A_1275 = tpu.memref_slice %arg6[%add3A_1268, %dma_start3A_1274] : memref<200x128xi32, #tpu.memory_space<vmem>> -> memref<1x128xi32, #tpu.memory_space<vmem>>
        %dma_start3A_1276 = tpu.memref_squeeze %dma_start3A_1275 : memref<1x128xi32, #tpu.memory_space<vmem>> -> memref<128xi32, #tpu.memory_space<vmem>>
        %dma_start3A_1277 = arith.constant 0 : i32
        %dma_start3A_1278 = arith.constant 0 : i32
        %dma_start3A_1279 = tpu.memref_slice %arg3[%dma_start3A_1277, %dma_start3A_1278] : memref<1000000x128xf32, #tpu.memory_space<hbm>> -> memref<1000000x128xf32, #tpu.memory_space<hbm>>
        tpu.enqueue_indirect_dma source(%dma_start3A_1279 : memref<1000000x128xf32, #tpu.memory_space<hbm>>) target(%dma_start3A_1273 : memref<128x128xf32, #tpu.memory_space<vmem>>) offsets(%dma_start3A_1276 : memref<128xi32, #tpu.memory_space<vmem>>) semaphore(%arg9 : memref<!tpu.dma_semaphore, #tpu.memory_space<semaphore_mem>>)
      } else {
      }
      %dma_wait3A_958 = arith.constant 1 : i32
      %dma_wait3A_959 = arith.constant 0 : i32
      %dma_wait3A_960 = arith.constant 0 : i32
      %dma_wait3A_961 = tpu.memref_slice %arg7[%dma_wait3A_958, %dma_wait3A_959, %dma_wait3A_960] : memref<2x128x128xf32, #tpu.memory_space<vmem>> -> memref<1x128x128xf32, #tpu.memory_space<vmem>>
      %dma_wait3A_962 = tpu.memref_squeeze %dma_wait3A_961 : memref<1x128x128xf32, #tpu.memory_space<vmem>> -> memref<128x128xf32, #tpu.memory_space<vmem>>
      %dma_wait3A_963 = arith.constant 0 : i32
      %dma_wait3A_964 = arith.constant 0 : i32
      %dma_wait3A_965 = tpu.memref_slice %arg3[%dma_wait3A_963, %dma_wait3A_964] : memref<1000000x128xf32, #tpu.memory_space<hbm>> -> memref<128x128xf32, #tpu.memory_space<hbm>>
      %dma_wait3A_966 = arith.constant 0 : i32
      %dma_wait3A_967 = arith.constant 0 : i32
      %dma_wait3A_968 = tpu.memref_slice %arg7[%dma_wait3A_958, %dma_wait3A_966, %dma_wait3A_967] : memref<2x128x128xf32, #tpu.memory_space<vmem>> -> memref<1x128x128xf32, #tpu.memory_space<vmem>>
      %dma_wait3A_969 = tpu.memref_squeeze %dma_wait3A_968 : memref<1x128x128xf32, #tpu.memory_space<vmem>> -> memref<128x128xf32, #tpu.memory_space<vmem>>
      %dma_wait3A_970 = arith.constant 0 : i32
      %dma_wait3A_971 = arith.constant 0 : i32
      %dma_wait3A_972 = tpu.memref_slice %arg3[%dma_wait3A_970, %dma_wait3A_971] : memref<1000000x128xf32, #tpu.memory_space<hbm>> -> memref<128x128xf32, #tpu.memory_space<hbm>>
      tpu.wait_dma2 semaphore(%arg10 : memref<!tpu.dma_semaphore, #tpu.memory_space<semaphore_mem>>) src(%dma_wait3A_972 : memref<128x128xf32, #tpu.memory_space<hbm>>) dst(%dma_wait3A_969 : memref<128x128xf32, #tpu.memory_space<vmem>>)
      %dma_wait3A_973 = arith.constant 1 : i32
      %dma_wait3A_974 = arith.constant 0 : i32
      %dma_wait3A_975 = arith.constant 0 : i32
      %dma_wait3A_976 = arith.constant 0 : i32
      %dma_wait3A_977 = arith.constant 0 : i32
      %dma_wait3A_978 = arith.constant 0 : i32
      %dma_wait3A_979 = tpu.memref_slice %arg8[%dma_wait3A_973, %dma_wait3A_976, %dma_wait3A_977, %dma_wait3A_978] : memref<2x8x8x136xf32, #tpu.memory_space<vmem>> -> memref<1x8x8x128xf32, #tpu.memory_space<vmem>>
      %dma_wait3A_980 = tpu.memref_squeeze %dma_wait3A_979 : memref<1x8x8x128xf32, #tpu.memory_space<vmem>> -> memref<8x8x128xf32, #tpu.memory_space<vmem>>
      %dma_wait3A_981 = arith.constant 0 : i32
      %dma_wait3A_982 = arith.constant 0 : i32
      %dma_wait3A_983 = arith.constant 0 : i32
      %dma_wait3A_984 = tpu.memref_slice %arg4[%dma_wait3A_974, %dma_wait3A_981, %dma_wait3A_975, %dma_wait3A_982, %dma_wait3A_983] : memref<200x8x32x8x128xf32, #tpu.memory_space<hbm>> -> memref<1x8x1x8x128xf32, #tpu.memory_space<hbm>>
      %dma_wait3A_985 = tpu.memref_squeeze %dma_wait3A_984 : memref<1x8x1x8x128xf32, #tpu.memory_space<hbm>> -> memref<8x8x128xf32, #tpu.memory_space<hbm>>
      %dma_wait3A_986 = arith.constant 0 : i32
      %dma_wait3A_987 = arith.constant 0 : i32
      %dma_wait3A_988 = arith.constant 0 : i32
      %dma_wait3A_989 = tpu.memref_slice %arg4[%dma_wait3A_974, %dma_wait3A_986, %dma_wait3A_975, %dma_wait3A_987, %dma_wait3A_988] : memref<200x8x32x8x128xf32, #tpu.memory_space<hbm>> -> memref<1x8x1x8x128xf32, #tpu.memory_space<hbm>>
      %dma_wait3A_990 = tpu.memref_squeeze %dma_wait3A_989 : memref<1x8x1x8x128xf32, #tpu.memory_space<hbm>> -> memref<8x8x128xf32, #tpu.memory_space<hbm>>
      %dma_wait3A_991 = arith.constant 0 : i32
      %dma_wait3A_992 = arith.constant 0 : i32
      %dma_wait3A_993 = arith.constant 0 : i32
      %dma_wait3A_994 = tpu.memref_slice %arg8[%dma_wait3A_973, %dma_wait3A_991, %dma_wait3A_992, %dma_wait3A_993] : memref<2x8x8x136xf32, #tpu.memory_space<vmem>> -> memref<1x8x8x128xf32, #tpu.memory_space<vmem>>
      %dma_wait3A_995 = tpu.memref_squeeze %dma_wait3A_994 : memref<1x8x8x128xf32, #tpu.memory_space<vmem>> -> memref<8x8x128xf32, #tpu.memory_space<vmem>>
      tpu.wait_dma2 semaphore(%arg12 : memref<!tpu.dma_semaphore, #tpu.memory_space<semaphore_mem>>) src(%dma_wait3A_995 : memref<8x8x128xf32, #tpu.memory_space<vmem>>) dst(%dma_wait3A_990 : memref<8x8x128xf32, #tpu.memory_space<hbm>>)
      %add3A_996 = arith.constant 0 : i32
      %add3A_997 = vector.broadcast %add3A_996 : i32 to vector<16xi32>
      %add3A_998 = arith.addi %add3A_997, %iota3A : vector<16xi32>
      %jit3A_999 = arith.constant 8 : i32
      %div3A_1000 = vector.broadcast %jit3A_999 : i32 to vector<16xi32>
      %div3A_1001 = arith.divsi %add3A_998, %div3A_1000 : vector<16xi32>
      %sign3A_1002 = arith.constant 0 : i32
      %sign3A_1003 = vector.broadcast %sign3A_1002 : i32 to vector<16xi32>
      %sign3A_1004 = arith.cmpi sgt, %add3A_998, %sign3A_1003 : vector<16xi32>
      %sign3A_1005 = arith.extui %sign3A_1004 : vector<16xi1> to vector<16xi32>
      %sign3A_1006 = arith.constant 0 : i32
      %sign3A_1007 = vector.broadcast %sign3A_1006 : i32 to vector<16xi32>
      %sign3A_1008 = arith.cmpi slt, %add3A_998, %sign3A_1007 : vector<16xi32>
      %sign3A_1009 = arith.extui %sign3A_1008 : vector<16xi1> to vector<16xi32>
      %sign3A_1010 = arith.subi %sign3A_1005, %sign3A_1009 : vector<16xi32>
      %sign3A_1011 = arith.constant 0 : i32
      %sign3A_1012 = arith.cmpi sgt, %jit3A_999, %sign3A_1011 : i32
      %sign3A_1013 = arith.extui %sign3A_1012 : i1 to i32
      %sign3A_1014 = arith.constant 0 : i32
      %sign3A_1015 = arith.cmpi slt, %jit3A_999, %sign3A_1014 : i32
      %sign3A_1016 = arith.extui %sign3A_1015 : i1 to i32
      %sign3A_1017 = arith.subi %sign3A_1013, %sign3A_1016 : i32
      %ne3A_1018 = vector.broadcast %sign3A_1017 : i32 to vector<16xi32>
      %ne3A_1019 = arith.cmpi ne, %sign3A_1010, %ne3A_1018 : vector<16xi32>
      %rem3A_1020 = vector.broadcast %jit3A_999 : i32 to vector<16xi32>
      %rem3A_1021 = arith.remsi %add3A_998, %rem3A_1020 : vector<16xi32>
      %ne3A_1022 = arith.constant 0 : i32
      %ne3A_1023 = vector.broadcast %ne3A_1022 : i32 to vector<16xi32>
      %ne3A_1024 = arith.cmpi ne, %rem3A_1021, %ne3A_1023 : vector<16xi32>
      %and3A_1025 = arith.andi %ne3A_1019, %ne3A_1024 : vector<16xi1>
      %sub3A_1026 = arith.constant 1 : i32
      %sub3A_1027 = vector.broadcast %sub3A_1026 : i32 to vector<16xi32>
      %sub3A_1028 = arith.subi %div3A_1001, %sub3A_1027 : vector<16xi32>
      %select_n3A_1029 = arith.select %and3A_1025, %sub3A_1028, %div3A_1001 : vector<16xi1>, vector<16xi32>
      %add3A_1030 = arith.constant 16 : i32
      %add3A_1031 = vector.broadcast %add3A_1030 : i32 to vector<16xi32>
      %add3A_1032 = arith.addi %add3A_1031, %iota3A : vector<16xi32>
      %jit3A_1033 = arith.constant 8 : i32
      %div3A_1034 = vector.broadcast %jit3A_1033 : i32 to vector<16xi32>
      %div3A_1035 = arith.divsi %add3A_1032, %div3A_1034 : vector<16xi32>
      %sign3A_1036 = arith.constant 0 : i32
      %sign3A_1037 = vector.broadcast %sign3A_1036 : i32 to vector<16xi32>
      %sign3A_1038 = arith.cmpi sgt, %add3A_1032, %sign3A_1037 : vector<16xi32>
      %sign3A_1039 = arith.extui %sign3A_1038 : vector<16xi1> to vector<16xi32>
      %sign3A_1040 = arith.constant 0 : i32
      %sign3A_1041 = vector.broadcast %sign3A_1040 : i32 to vector<16xi32>
      %sign3A_1042 = arith.cmpi slt, %add3A_1032, %sign3A_1041 : vector<16xi32>
      %sign3A_1043 = arith.extui %sign3A_1042 : vector<16xi1> to vector<16xi32>
      %sign3A_1044 = arith.subi %sign3A_1039, %sign3A_1043 : vector<16xi32>
      %sign3A_1045 = arith.constant 0 : i32
      %sign3A_1046 = arith.cmpi sgt, %jit3A_1033, %sign3A_1045 : i32
      %sign3A_1047 = arith.extui %sign3A_1046 : i1 to i32
      %sign3A_1048 = arith.constant 0 : i32
      %sign3A_1049 = arith.cmpi slt, %jit3A_1033, %sign3A_1048 : i32
      %sign3A_1050 = arith.extui %sign3A_1049 : i1 to i32
      %sign3A_1051 = arith.subi %sign3A_1047, %sign3A_1050 : i32
      %ne3A_1052 = vector.broadcast %sign3A_1051 : i32 to vector<16xi32>
      %ne3A_1053 = arith.cmpi ne, %sign3A_1044, %ne3A_1052 : vector<16xi32>
      %rem3A_1054 = vector.broadcast %jit3A_1033 : i32 to vector<16xi32>
      %rem3A_1055 = arith.remsi %add3A_1032, %rem3A_1054 : vector<16xi32>
      %ne3A_1056 = arith.constant 0 : i32
      %ne3A_1057 = vector.broadcast %ne3A_1056 : i32 to vector<16xi32>
      %ne3A_1058 = arith.cmpi ne, %rem3A_1055, %ne3A_1057 : vector<16xi32>
      %and3A_1059 = arith.andi %ne3A_1053, %ne3A_1058 : vector<16xi1>
      %sub3A_1060 = arith.constant 1 : i32
      %sub3A_1061 = vector.broadcast %sub3A_1060 : i32 to vector<16xi32>
      %sub3A_1062 = arith.subi %div3A_1035, %sub3A_1061 : vector<16xi32>
      %select_n3A_1063 = arith.select %and3A_1059, %sub3A_1062, %div3A_1035 : vector<16xi1>, vector<16xi32>
      %add3A_1064 = arith.constant 32 : i32
      %add3A_1065 = vector.broadcast %add3A_1064 : i32 to vector<16xi32>
      %add3A_1066 = arith.addi %add3A_1065, %iota3A : vector<16xi32>
      %jit3A_1067 = arith.constant 8 : i32
      %div3A_1068 = vector.broadcast %jit3A_1067 : i32 to vector<16xi32>
      %div3A_1069 = arith.divsi %add3A_1066, %div3A_1068 : vector<16xi32>
      %sign3A_1070 = arith.constant 0 : i32
      %sign3A_1071 = vector.broadcast %sign3A_1070 : i32 to vector<16xi32>
      %sign3A_1072 = arith.cmpi sgt, %add3A_1066, %sign3A_1071 : vector<16xi32>
      %sign3A_1073 = arith.extui %sign3A_1072 : vector<16xi1> to vector<16xi32>
      %sign3A_1074 = arith.constant 0 : i32
      %sign3A_1075 = vector.broadcast %sign3A_1074 : i32 to vector<16xi32>
      %sign3A_1076 = arith.cmpi slt, %add3A_1066, %sign3A_1075 : vector<16xi32>
      %sign3A_1077 = arith.extui %sign3A_1076 : vector<16xi1> to vector<16xi32>
      %sign3A_1078 = arith.subi %sign3A_1073, %sign3A_1077 : vector<16xi32>
      %sign3A_1079 = arith.constant 0 : i32
      %sign3A_1080 = arith.cmpi sgt, %jit3A_1067, %sign3A_1079 : i32
      %sign3A_1081 = arith.extui %sign3A_1080 : i1 to i32
      %sign3A_1082 = arith.constant 0 : i32
      %sign3A_1083 = arith.cmpi slt, %jit3A_1067, %sign3A_1082 : i32
      %sign3A_1084 = arith.extui %sign3A_1083 : i1 to i32
      %sign3A_1085 = arith.subi %sign3A_1081, %sign3A_1084 : i32
      %ne3A_1086 = vector.broadcast %sign3A_1085 : i32 to vector<16xi32>
      %ne3A_1087 = arith.cmpi ne, %sign3A_1078, %ne3A_1086 : vector<16xi32>
      %rem3A_1088 = vector.broadcast %jit3A_1067 : i32 to vector<16xi32>
      %rem3A_1089 = arith.remsi %add3A_1066, %rem3A_1088 : vector<16xi32>
      %ne3A_1090 = arith.constant 0 : i32
      %ne3A_1091 = vector.broadcast %ne3A_1090 : i32 to vector<16xi32>
      %ne3A_1092 = arith.cmpi ne, %rem3A_1089, %ne3A_1091 : vector<16xi32>
      %and3A_1093 = arith.andi %ne3A_1087, %ne3A_1092 : vector<16xi1>
      %sub3A_1094 = arith.constant 1 : i32
      %sub3A_1095 = vector.broadcast %sub3A_1094 : i32 to vector<16xi32>
      %sub3A_1096 = arith.subi %div3A_1069, %sub3A_1095 : vector<16xi32>
      %select_n3A_1097 = arith.select %and3A_1093, %sub3A_1096, %div3A_1069 : vector<16xi1>, vector<16xi32>
      %add3A_1098 = arith.constant 48 : i32
      %add3A_1099 = vector.broadcast %add3A_1098 : i32 to vector<16xi32>
      %add3A_1100 = arith.addi %add3A_1099, %iota3A : vector<16xi32>
      %jit3A_1101 = arith.constant 8 : i32
      %div3A_1102 = vector.broadcast %jit3A_1101 : i32 to vector<16xi32>
      %div3A_1103 = arith.divsi %add3A_1100, %div3A_1102 : vector<16xi32>
      %sign3A_1104 = arith.constant 0 : i32
      %sign3A_1105 = vector.broadcast %sign3A_1104 : i32 to vector<16xi32>
      %sign3A_1106 = arith.cmpi sgt, %add3A_1100, %sign3A_1105 : vector<16xi32>
      %sign3A_1107 = arith.extui %sign3A_1106 : vector<16xi1> to vector<16xi32>
      %sign3A_1108 = arith.constant 0 : i32
      %sign3A_1109 = vector.broadcast %sign3A_1108 : i32 to vector<16xi32>
      %sign3A_1110 = arith.cmpi slt, %add3A_1100, %sign3A_1109 : vector<16xi32>
      %sign3A_1111 = arith.extui %sign3A_1110 : vector<16xi1> to vector<16xi32>
      %sign3A_1112 = arith.subi %sign3A_1107, %sign3A_1111 : vector<16xi32>
      %sign3A_1113 = arith.constant 0 : i32
      %sign3A_1114 = arith.cmpi sgt, %jit3A_1101, %sign3A_1113 : i32
      %sign3A_1115 = arith.extui %sign3A_1114 : i1 to i32
      %sign3A_1116 = arith.constant 0 : i32
      %sign3A_1117 = arith.cmpi slt, %jit3A_1101, %sign3A_1116 : i32
      %sign3A_1118 = arith.extui %sign3A_1117 : i1 to i32
      %sign3A_1119 = arith.subi %sign3A_1115, %sign3A_1118 : i32
      %ne3A_1120 = vector.broadcast %sign3A_1119 : i32 to vector<16xi32>
      %ne3A_1121 = arith.cmpi ne, %sign3A_1112, %ne3A_1120 : vector<16xi32>
      %rem3A_1122 = vector.broadcast %jit3A_1101 : i32 to vector<16xi32>
      %rem3A_1123 = arith.remsi %add3A_1100, %rem3A_1122 : vector<16xi32>
      %ne3A_1124 = arith.constant 0 : i32
      %ne3A_1125 = vector.broadcast %ne3A_1124 : i32 to vector<16xi32>
      %ne3A_1126 = arith.cmpi ne, %rem3A_1123, %ne3A_1125 : vector<16xi32>
      %and3A_1127 = arith.andi %ne3A_1121, %ne3A_1126 : vector<16xi1>
      %sub3A_1128 = arith.constant 1 : i32
      %sub3A_1129 = vector.broadcast %sub3A_1128 : i32 to vector<16xi32>
      %sub3A_1130 = arith.subi %div3A_1103, %sub3A_1129 : vector<16xi32>
      %select_n3A_1131 = arith.select %and3A_1127, %sub3A_1130, %div3A_1103 : vector<16xi1>, vector<16xi32>
      %add3A_1132 = arith.constant 0 : i32
      %add3A_1133 = vector.broadcast %add3A_1132 : i32 to vector<16xi32>
      %add3A_1134 = arith.addi %add3A_1133, %iota3A : vector<16xi32>
      %jit3A_1135 = arith.constant 8 : i32
      %eq3A_1136 = arith.constant 0 : i32
      %eq3A_1137 = arith.cmpi eq, %jit3A_1135, %eq3A_1136 : i32
      %jit3A_1138 = arith.constant 1 : i32
      %select_n3A_1139 = arith.select %eq3A_1137, %jit3A_1138, %jit3A_1135 : i32
      %rem3A_1140 = vector.broadcast %select_n3A_1139 : i32 to vector<16xi32>
      %rem3A_1141 = arith.remsi %add3A_1134, %rem3A_1140 : vector<16xi32>
      %ne3A_1142 = arith.constant 0 : i32
      %ne3A_1143 = vector.broadcast %ne3A_1142 : i32 to vector<16xi32>
      %ne3A_1144 = arith.cmpi ne, %rem3A_1141, %ne3A_1143 : vector<16xi32>
      %lt3A_1145 = arith.constant 0 : i32
      %lt3A_1146 = vector.broadcast %lt3A_1145 : i32 to vector<16xi32>
      %lt3A_1147 = arith.cmpi slt, %rem3A_1141, %lt3A_1146 : vector<16xi32>
      %lt3A_1148 = arith.constant 0 : i32
      %lt3A_1149 = arith.cmpi slt, %select_n3A_1139, %lt3A_1148 : i32
      %ne3A_1150 = vector.broadcast %lt3A_1149 : i1 to vector<16xi1>
      %ne3A_1151 = vector.broadcast %ne3A_1150 : vector<16xi1> to vector<16xi1>
      %ne3A_1152 = arith.xori %lt3A_1147, %ne3A_1151 : vector<16xi1>
      %and3A_1153 = arith.andi %ne3A_1152, %ne3A_1144 : vector<16xi1>
      %add3A_1154 = vector.broadcast %select_n3A_1139 : i32 to vector<16xi32>
      %add3A_1155 = arith.addi %rem3A_1141, %add3A_1154 : vector<16xi32>
      %select_n3A_1156 = arith.select %and3A_1153, %add3A_1155, %rem3A_1141 : vector<16xi1>, vector<16xi32>
      %add3A_1157 = arith.constant 16 : i32
      %add3A_1158 = vector.broadcast %add3A_1157 : i32 to vector<16xi32>
      %add3A_1159 = arith.addi %add3A_1158, %iota3A : vector<16xi32>
      %jit3A_1160 = arith.constant 8 : i32
      %eq3A_1161 = arith.constant 0 : i32
      %eq3A_1162 = arith.cmpi eq, %jit3A_1160, %eq3A_1161 : i32
      %jit3A_1163 = arith.constant 1 : i32
      %select_n3A_1164 = arith.select %eq3A_1162, %jit3A_1163, %jit3A_1160 : i32
      %rem3A_1165 = vector.broadcast %select_n3A_1164 : i32 to vector<16xi32>
      %rem3A_1166 = arith.remsi %add3A_1159, %rem3A_1165 : vector<16xi32>
      %ne3A_1167 = arith.constant 0 : i32
      %ne3A_1168 = vector.broadcast %ne3A_1167 : i32 to vector<16xi32>
      %ne3A_1169 = arith.cmpi ne, %rem3A_1166, %ne3A_1168 : vector<16xi32>
      %lt3A_1170 = arith.constant 0 : i32
      %lt3A_1171 = vector.broadcast %lt3A_1170 : i32 to vector<16xi32>
      %lt3A_1172 = arith.cmpi slt, %rem3A_1166, %lt3A_1171 : vector<16xi32>
      %lt3A_1173 = arith.constant 0 : i32
      %lt3A_1174 = arith.cmpi slt, %select_n3A_1164, %lt3A_1173 : i32
      %ne3A_1175 = vector.broadcast %lt3A_1174 : i1 to vector<16xi1>
      %ne3A_1176 = vector.broadcast %ne3A_1175 : vector<16xi1> to vector<16xi1>
      %ne3A_1177 = arith.xori %lt3A_1172, %ne3A_1176 : vector<16xi1>
      %and3A_1178 = arith.andi %ne3A_1177, %ne3A_1169 : vector<16xi1>
      %add3A_1179 = vector.broadcast %select_n3A_1164 : i32 to vector<16xi32>
      %add3A_1180 = arith.addi %rem3A_1166, %add3A_1179 : vector<16xi32>
      %select_n3A_1181 = arith.select %and3A_1178, %add3A_1180, %rem3A_1166 : vector<16xi1>, vector<16xi32>
      %add3A_1182 = arith.constant 32 : i32
      %add3A_1183 = vector.broadcast %add3A_1182 : i32 to vector<16xi32>
      %add3A_1184 = arith.addi %add3A_1183, %iota3A : vector<16xi32>
      %jit3A_1185 = arith.constant 8 : i32
      %eq3A_1186 = arith.constant 0 : i32
      %eq3A_1187 = arith.cmpi eq, %jit3A_1185, %eq3A_1186 : i32
      %jit3A_1188 = arith.constant 1 : i32
      %select_n3A_1189 = arith.select %eq3A_1187, %jit3A_1188, %jit3A_1185 : i32
      %rem3A_1190 = vector.broadcast %select_n3A_1189 : i32 to vector<16xi32>
      %rem3A_1191 = arith.remsi %add3A_1184, %rem3A_1190 : vector<16xi32>
      %ne3A_1192 = arith.constant 0 : i32
      %ne3A_1193 = vector.broadcast %ne3A_1192 : i32 to vector<16xi32>
      %ne3A_1194 = arith.cmpi ne, %rem3A_1191, %ne3A_1193 : vector<16xi32>
      %lt3A_1195 = arith.constant 0 : i32
      %lt3A_1196 = vector.broadcast %lt3A_1195 : i32 to vector<16xi32>
      %lt3A_1197 = arith.cmpi slt, %rem3A_1191, %lt3A_1196 : vector<16xi32>
      %lt3A_1198 = arith.constant 0 : i32
      %lt3A_1199 = arith.cmpi slt, %select_n3A_1189, %lt3A_1198 : i32
      %ne3A_1200 = vector.broadcast %lt3A_1199 : i1 to vector<16xi1>
      %ne3A_1201 = vector.broadcast %ne3A_1200 : vector<16xi1> to vector<16xi1>
      %ne3A_1202 = arith.xori %lt3A_1197, %ne3A_1201 : vector<16xi1>
      %and3A_1203 = arith.andi %ne3A_1202, %ne3A_1194 : vector<16xi1>
      %add3A_1204 = vector.broadcast %select_n3A_1189 : i32 to vector<16xi32>
      %add3A_1205 = arith.addi %rem3A_1191, %add3A_1204 : vector<16xi32>
      %select_n3A_1206 = arith.select %and3A_1203, %add3A_1205, %rem3A_1191 : vector<16xi1>, vector<16xi32>
      %add3A_1207 = arith.constant 48 : i32
      %add3A_1208 = vector.broadcast %add3A_1207 : i32 to vector<16xi32>
      %add3A_1209 = arith.addi %add3A_1208, %iota3A : vector<16xi32>
      %jit3A_1210 = arith.constant 8 : i32
      %eq3A_1211 = arith.constant 0 : i32
      %eq3A_1212 = arith.cmpi eq, %jit3A_1210, %eq3A_1211 : i32
      %jit3A_1213 = arith.constant 1 : i32
      %select_n3A_1214 = arith.select %eq3A_1212, %jit3A_1213, %jit3A_1210 : i32
      %rem3A_1215 = vector.broadcast %select_n3A_1214 : i32 to vector<16xi32>
      %rem3A_1216 = arith.remsi %add3A_1209, %rem3A_1215 : vector<16xi32>
      %ne3A_1217 = arith.constant 0 : i32
      %ne3A_1218 = vector.broadcast %ne3A_1217 : i32 to vector<16xi32>
      %ne3A_1219 = arith.cmpi ne, %rem3A_1216, %ne3A_1218 : vector<16xi32>
      %lt3A_1220 = arith.constant 0 : i32
      %lt3A_1221 = vector.broadcast %lt3A_1220 : i32 to vector<16xi32>
      %lt3A_1222 = arith.cmpi slt, %rem3A_1216, %lt3A_1221 : vector<16xi32>
      %lt3A_1223 = arith.constant 0 : i32
      %lt3A_1224 = arith.cmpi slt, %select_n3A_1214, %lt3A_1223 : i32
      %ne3A_1225 = vector.broadcast %lt3A_1224 : i1 to vector<16xi1>
      %ne3A_1226 = vector.broadcast %ne3A_1225 : vector<16xi1> to vector<16xi1>
      %ne3A_1227 = arith.xori %lt3A_1222, %ne3A_1226 : vector<16xi1>
      %and3A_1228 = arith.andi %ne3A_1227, %ne3A_1219 : vector<16xi1>
      %add3A_1229 = vector.broadcast %select_n3A_1214 : i32 to vector<16xi32>
      %add3A_1230 = arith.addi %rem3A_1216, %add3A_1229 : vector<16xi32>
      %select_n3A_1231 = arith.select %and3A_1228, %add3A_1230, %rem3A_1216 : vector<16xi1>, vector<16xi32>
      %parallel_loop3A_1232 = arith.constant 0 : i32
      %parallel_loop3A_1233 = arith.constant 128 : i32
      %parallel_loop3A_1234 = arith.constant 1 : i32
      %parallel_loop3A_1235 = arith.constant 1 : i32
      %parallel_loop3A_1236 = arith.constant 1 : i32
      scf.for %parallel_loop3A_1267 = %parallel_loop3A_1232 to %parallel_loop3A_1233 step %parallel_loop3A_1234  : i32 {
        %parallel_loop3A_1268 = vector.broadcast %parallel_loop3A_1267 : i32 to vector<16xi32>
        %parallel_loop3A_1269 = arith.constant 0 : i32
        %parallel_loop3A_1270 = vector.broadcast %parallel_loop3A_1269 : i32 to vector<16xi32>
        %parallel_loop3A_1271 = arith.addi %parallel_loop3A_1270, %iota3A : vector<16xi32>
        %parallel_loop3A_1272 = arith.constant 0 : i32
        %parallel_loop3A_1273 = arith.constant 0 : i32
        %parallel_loop3A_1274 = tpu.memref_slice %arg7[%parallel_loop3A_1235, %parallel_loop3A_1272, %parallel_loop3A_1273] : memref<2x128x128xf32, #tpu.memory_space<vmem>> -> memref<1x128x128xf32, #tpu.memory_space<vmem>>
        %parallel_loop3A_1275 = tpu.memref_squeeze %parallel_loop3A_1274 : memref<1x128x128xf32, #tpu.memory_space<vmem>> -> memref<128x128xf32, #tpu.memory_space<vmem>>
        %parallel_loop3A_1276 = tpu.vector_load_idx %parallel_loop3A_1275[%parallel_loop3A_1268, %parallel_loop3A_1271] : memref<128x128xf32, #tpu.memory_space<vmem>>[vector<16xi32>, vector<16xi32>], vector<16xf32>,
        %parallel_loop3A_1277 = arith.constant 0 : i32
        %parallel_loop3A_1278 = arith.constant 0 : i32
        %parallel_loop3A_1279 = arith.constant 0 : i32
        %parallel_loop3A_1280 = tpu.memref_slice %arg8[%parallel_loop3A_1236, %parallel_loop3A_1277, %parallel_loop3A_1278, %parallel_loop3A_1279] : memref<2x8x8x136xf32, #tpu.memory_space<vmem>> -> memref<1x8x8x136xf32, #tpu.memory_space<vmem>>
        %parallel_loop3A_1281 = tpu.memref_squeeze %parallel_loop3A_1280 : memref<1x8x8x136xf32, #tpu.memory_space<vmem>> -> memref<8x8x136xf32, #tpu.memory_space<vmem>>
        tpu.vector_store_idx %parallel_loop3A_1281[%select_n3A_1029, %select_n3A_1156, %parallel_loop3A_1268], %parallel_loop3A_1276 : memref<8x8x136xf32, #tpu.memory_space<vmem>>[vector<16xi32>, vector<16xi32>, vector<16xi32>], vector<16xf32>,
        %parallel_loop3A_1282 = arith.constant 16 : i32
        %parallel_loop3A_1283 = vector.broadcast %parallel_loop3A_1282 : i32 to vector<16xi32>
        %parallel_loop3A_1284 = arith.addi %parallel_loop3A_1283, %iota3A : vector<16xi32>
        %parallel_loop3A_1285 = arith.constant 0 : i32
        %parallel_loop3A_1286 = arith.constant 0 : i32
        %parallel_loop3A_1287 = tpu.memref_slice %arg7[%parallel_loop3A_1235, %parallel_loop3A_1285, %parallel_loop3A_1286] : memref<2x128x128xf32, #tpu.memory_space<vmem>> -> memref<1x128x128xf32, #tpu.memory_space<vmem>>
        %parallel_loop3A_1288 = tpu.memref_squeeze %parallel_loop3A_1287 : memref<1x128x128xf32, #tpu.memory_space<vmem>> -> memref<128x128xf32, #tpu.memory_space<vmem>>
        %parallel_loop3A_1289 = tpu.vector_load_idx %parallel_loop3A_1288[%parallel_loop3A_1268, %parallel_loop3A_1284] : memref<128x128xf32, #tpu.memory_space<vmem>>[vector<16xi32>, vector<16xi32>], vector<16xf32>,
        %parallel_loop3A_1290 = arith.constant 0 : i32
        %parallel_loop3A_1291 = arith.constant 0 : i32
        %parallel_loop3A_1292 = arith.constant 0 : i32
        %parallel_loop3A_1293 = tpu.memref_slice %arg8[%parallel_loop3A_1236, %parallel_loop3A_1290, %parallel_loop3A_1291, %parallel_loop3A_1292] : memref<2x8x8x136xf32, #tpu.memory_space<vmem>> -> memref<1x8x8x136xf32, #tpu.memory_space<vmem>>
        %parallel_loop3A_1294 = tpu.memref_squeeze %parallel_loop3A_1293 : memref<1x8x8x136xf32, #tpu.memory_space<vmem>> -> memref<8x8x136xf32, #tpu.memory_space<vmem>>
        tpu.vector_store_idx %parallel_loop3A_1294[%select_n3A_1063, %select_n3A_1181, %parallel_loop3A_1268], %parallel_loop3A_1289 : memref<8x8x136xf32, #tpu.memory_space<vmem>>[vector<16xi32>, vector<16xi32>, vector<16xi32>], vector<16xf32>,
        %parallel_loop3A_1295 = arith.constant 32 : i32
        %parallel_loop3A_1296 = vector.broadcast %parallel_loop3A_1295 : i32 to vector<16xi32>
        %parallel_loop3A_1297 = arith.addi %parallel_loop3A_1296, %iota3A : vector<16xi32>
        %parallel_loop3A_1298 = arith.constant 0 : i32
        %parallel_loop3A_1299 = arith.constant 0 : i32
        %parallel_loop3A_1300 = tpu.memref_slice %arg7[%parallel_loop3A_1235, %parallel_loop3A_1298, %parallel_loop3A_1299] : memref<2x128x128xf32, #tpu.memory_space<vmem>> -> memref<1x128x128xf32, #tpu.memory_space<vmem>>
        %parallel_loop3A_1301 = tpu.memref_squeeze %parallel_loop3A_1300 : memref<1x128x128xf32, #tpu.memory_space<vmem>> -> memref<128x128xf32, #tpu.memory_space<vmem>>
        %parallel_loop3A_1302 = tpu.vector_load_idx %parallel_loop3A_1301[%parallel_loop3A_1268, %parallel_loop3A_1297] : memref<128x128xf32, #tpu.memory_space<vmem>>[vector<16xi32>, vector<16xi32>], vector<16xf32>,
        %parallel_loop3A_1303 = arith.constant 0 : i32
        %parallel_loop3A_1304 = arith.constant 0 : i32
        %parallel_loop3A_1305 = arith.constant 0 : i32
        %parallel_loop3A_1306 = tpu.memref_slice %arg8[%parallel_loop3A_1236, %parallel_loop3A_1303, %parallel_loop3A_1304, %parallel_loop3A_1305] : memref<2x8x8x136xf32, #tpu.memory_space<vmem>> -> memref<1x8x8x136xf32, #tpu.memory_space<vmem>>
        %parallel_loop3A_1307 = tpu.memref_squeeze %parallel_loop3A_1306 : memref<1x8x8x136xf32, #tpu.memory_space<vmem>> -> memref<8x8x136xf32, #tpu.memory_space<vmem>>
        tpu.vector_store_idx %parallel_loop3A_1307[%select_n3A_1097, %select_n3A_1206, %parallel_loop3A_1268], %parallel_loop3A_1302 : memref<8x8x136xf32, #tpu.memory_space<vmem>>[vector<16xi32>, vector<16xi32>, vector<16xi32>], vector<16xf32>,
        %parallel_loop3A_1308 = arith.constant 48 : i32
        %parallel_loop3A_1309 = vector.broadcast %parallel_loop3A_1308 : i32 to vector<16xi32>
        %parallel_loop3A_1310 = arith.addi %parallel_loop3A_1309, %iota3A : vector<16xi32>
        %parallel_loop3A_1311 = arith.constant 0 : i32
        %parallel_loop3A_1312 = arith.constant 0 : i32
        %parallel_loop3A_1313 = tpu.memref_slice %arg7[%parallel_loop3A_1235, %parallel_loop3A_1311, %parallel_loop3A_1312] : memref<2x128x128xf32, #tpu.memory_space<vmem>> -> memref<1x128x128xf32, #tpu.memory_space<vmem>>
        %parallel_loop3A_1314 = tpu.memref_squeeze %parallel_loop3A_1313 : memref<1x128x128xf32, #tpu.memory_space<vmem>> -> memref<128x128xf32, #tpu.memory_space<vmem>>
        %parallel_loop3A_1315 = tpu.vector_load_idx %parallel_loop3A_1314[%parallel_loop3A_1268, %parallel_loop3A_1310] : memref<128x128xf32, #tpu.memory_space<vmem>>[vector<16xi32>, vector<16xi32>], vector<16xf32>,
        %parallel_loop3A_1316 = arith.constant 0 : i32
        %parallel_loop3A_1317 = arith.constant 0 : i32
        %parallel_loop3A_1318 = arith.constant 0 : i32
        %parallel_loop3A_1319 = tpu.memref_slice %arg8[%parallel_loop3A_1236, %parallel_loop3A_1316, %parallel_loop3A_1317, %parallel_loop3A_1318] : memref<2x8x8x136xf32, #tpu.memory_space<vmem>> -> memref<1x8x8x136xf32, #tpu.memory_space<vmem>>
        %parallel_loop3A_1320 = tpu.memref_squeeze %parallel_loop3A_1319 : memref<1x8x8x136xf32, #tpu.memory_space<vmem>> -> memref<8x8x136xf32, #tpu.memory_space<vmem>>
        tpu.vector_store_idx %parallel_loop3A_1320[%select_n3A_1131, %select_n3A_1231, %parallel_loop3A_1268], %parallel_loop3A_1315 : memref<8x8x136xf32, #tpu.memory_space<vmem>>[vector<16xi32>, vector<16xi32>, vector<16xi32>], vector<16xf32>,
      } {sc.loop_unroll_factor = 8 : i64, sc.parallel_access}
      %add3A_1237 = arith.constant 1 : i32
      %add3A_1238 = arith.addi %add3A_652, %add3A_1237 : i32
      %dma_start3A_1239 = arith.constant 1 : i32
      %dma_start3A_1240 = arith.constant 0 : i32
      %dma_start3A_1241 = arith.constant 0 : i32
      %dma_start3A_1242 = arith.constant 0 : i32
      %dma_start3A_1243 = tpu.memref_slice %arg8[%dma_start3A_1239, %dma_start3A_1240, %dma_start3A_1241, %dma_start3A_1242] : memref<2x8x8x136xf32, #tpu.memory_space<vmem>> -> memref<1x8x8x128xf32, #tpu.memory_space<vmem>>
      %dma_start3A_1244 = tpu.memref_squeeze %dma_start3A_1243 : memref<1x8x8x128xf32, #tpu.memory_space<vmem>> -> memref<8x8x128xf32, #tpu.memory_space<vmem>>
      %dma_start3A_1245 = arith.constant 0 : i32
      %dma_start3A_1246 = arith.constant 0 : i32
      %dma_start3A_1247 = arith.constant 0 : i32
      %dma_start3A_1248 = tpu.memref_slice %arg4[%add3A_1238, %dma_start3A_1245, %add3A, %dma_start3A_1246, %dma_start3A_1247] : memref<200x8x32x8x128xf32, #tpu.memory_space<hbm>> -> memref<1x8x1x8x128xf32, #tpu.memory_space<hbm>>
      %dma_start3A_1249 = tpu.memref_squeeze %dma_start3A_1248 : memref<1x8x1x8x128xf32, #tpu.memory_space<hbm>> -> memref<8x8x128xf32, #tpu.memory_space<hbm>>
      %dma_start3A_1250 = arith.constant 0 : i32
      %dma_start3A_1251 = arith.constant 0 : i32
      %dma_start3A_1252 = arith.constant 0 : i32
      %dma_start3A_1253 = tpu.memref_slice %arg4[%add3A_1238, %dma_start3A_1250, %add3A, %dma_start3A_1251, %dma_start3A_1252] : memref<200x8x32x8x128xf32, #tpu.memory_space<hbm>> -> memref<1x8x1x8x128xf32, #tpu.memory_space<hbm>>
      %dma_start3A_1254 = tpu.memref_squeeze %dma_start3A_1253 : memref<1x8x1x8x128xf32, #tpu.memory_space<hbm>> -> memref<8x8x128xf32, #tpu.memory_space<hbm>>
      %dma_start3A_1255 = arith.constant 0 : i32
      %dma_start3A_1256 = arith.constant 0 : i32
      %dma_start3A_1257 = arith.constant 0 : i32
      %dma_start3A_1258 = tpu.memref_slice %arg8[%dma_start3A_1239, %dma_start3A_1255, %dma_start3A_1256, %dma_start3A_1257] : memref<2x8x8x136xf32, #tpu.memory_space<vmem>> -> memref<1x8x8x128xf32, #tpu.memory_space<vmem>>
      %dma_start3A_1259 = tpu.memref_squeeze %dma_start3A_1258 : memref<1x8x8x128xf32, #tpu.memory_space<vmem>> -> memref<8x8x128xf32, #tpu.memory_space<vmem>>
      tpu.enqueue_dma source(%dma_start3A_1259 : memref<8x8x128xf32, #tpu.memory_space<vmem>>) target(%dma_start3A_1254 : memref<8x8x128xf32, #tpu.memory_space<hbm>>) target_semaphore(%arg12 : memref<!tpu.dma_semaphore, #tpu.memory_space<semaphore_mem>>)
      %add3A_1260 = arith.constant 3 : i32
      %add3A_1261 = arith.addi %add3A_652, %add3A_1260 : i32
      %lt3A_1262 = arith.constant 200 : i32
      %lt3A_1263 = arith.cmpi slt, %add3A_1261, %lt3A_1262 : i32
      %convert_element_type3A_1264 = arith.extui %lt3A_1263 : i1 to i32
      %cond3A_1265 = arith.constant 0 : i32
      %cond3A_1266 = arith.cmpi ne, %convert_element_type3A_1264, %cond3A_1265 : i32
      scf.if %cond3A_1266 {
        %add3A_1267 = arith.constant 3 : i32
        %add3A_1268 = arith.addi %add3A_652, %add3A_1267 : i32
        %dma_start3A_1269 = arith.constant 1 : i32
        %dma_start3A_1270 = arith.constant 0 : i32
        %dma_start3A_1271 = arith.constant 0 : i32
        %dma_start3A_1272 = tpu.memref_slice %arg7[%dma_start3A_1269, %dma_start3A_1270, %dma_start3A_1271] : memref<2x128x128xf32, #tpu.memory_space<vmem>> -> memref<1x128x128xf32, #tpu.memory_space<vmem>>
        %dma_start3A_1273 = tpu.memref_squeeze %dma_start3A_1272 : memref<1x128x128xf32, #tpu.memory_space<vmem>> -> memref<128x128xf32, #tpu.memory_space<vmem>>
        %dma_start3A_1274 = arith.constant 0 : i32
        %dma_start3A_1275 = tpu.memref_slice %arg6[%add3A_1268, %dma_start3A_1274] : memref<200x128xi32, #tpu.memory_space<vmem>> -> memref<1x128xi32, #tpu.memory_space<vmem>>
        %dma_start3A_1276 = tpu.memref_squeeze %dma_start3A_1275 : memref<1x128xi32, #tpu.memory_space<vmem>> -> memref<128xi32, #tpu.memory_space<vmem>>
        %dma_start3A_1277 = arith.constant 0 : i32
        %dma_start3A_1278 = arith.constant 0 : i32
        %dma_start3A_1279 = tpu.memref_slice %arg3[%dma_start3A_1277, %dma_start3A_1278] : memref<1000000x128xf32, #tpu.memory_space<hbm>> -> memref<1000000x128xf32, #tpu.memory_space<hbm>>
        tpu.enqueue_indirect_dma source(%dma_start3A_1279 : memref<1000000x128xf32, #tpu.memory_space<hbm>>) target(%dma_start3A_1273 : memref<128x128xf32, #tpu.memory_space<vmem>>) offsets(%dma_start3A_1276 : memref<128xi32, #tpu.memory_space<vmem>>) semaphore(%arg10 : memref<!tpu.dma_semaphore, #tpu.memory_space<semaphore_mem>>)
      } else {
      }
    }
    %scan3A_601 = arith.constant 99 : i32
    %dma_wait3A_602 = arith.constant 0 : i32
    %dma_wait3A_603 = arith.constant 0 : i32
    %dma_wait3A_604 = arith.constant 0 : i32
    %dma_wait3A_605 = arith.constant 0 : i32
    %dma_wait3A_606 = arith.constant 0 : i32
    %dma_wait3A_607 = arith.constant 0 : i32
    %dma_wait3A_608 = tpu.memref_slice %arg8[%dma_wait3A_602, %dma_wait3A_605, %dma_wait3A_606, %dma_wait3A_607] : memref<2x8x8x136xf32, #tpu.memory_space<vmem>> -> memref<1x8x8x128xf32, #tpu.memory_space<vmem>>
    %dma_wait3A_609 = tpu.memref_squeeze %dma_wait3A_608 : memref<1x8x8x128xf32, #tpu.memory_space<vmem>> -> memref<8x8x128xf32, #tpu.memory_space<vmem>>
    %dma_wait3A_610 = arith.constant 0 : i32
    %dma_wait3A_611 = arith.constant 0 : i32
    %dma_wait3A_612 = arith.constant 0 : i32
    %dma_wait3A_613 = tpu.memref_slice %arg4[%dma_wait3A_603, %dma_wait3A_610, %dma_wait3A_604, %dma_wait3A_611, %dma_wait3A_612] : memref<200x8x32x8x128xf32, #tpu.memory_space<hbm>> -> memref<1x8x1x8x128xf32, #tpu.memory_space<hbm>>
    %dma_wait3A_614 = tpu.memref_squeeze %dma_wait3A_613 : memref<1x8x1x8x128xf32, #tpu.memory_space<hbm>> -> memref<8x8x128xf32, #tpu.memory_space<hbm>>
    %dma_wait3A_615 = arith.constant 0 : i32
    %dma_wait3A_616 = arith.constant 0 : i32
    %dma_wait3A_617 = arith.constant 0 : i32
    %dma_wait3A_618 = tpu.memref_slice %arg4[%dma_wait3A_603, %dma_wait3A_615, %dma_wait3A_604, %dma_wait3A_616, %dma_wait3A_617] : memref<200x8x32x8x128xf32, #tpu.memory_space<hbm>> -> memref<1x8x1x8x128xf32, #tpu.memory_space<hbm>>
    %dma_wait3A_619 = tpu.memref_squeeze %dma_wait3A_618 : memref<1x8x1x8x128xf32, #tpu.memory_space<hbm>> -> memref<8x8x128xf32, #tpu.memory_space<hbm>>
    %dma_wait3A_620 = arith.constant 0 : i32
    %dma_wait3A_621 = arith.constant 0 : i32
    %dma_wait3A_622 = arith.constant 0 : i32
    %dma_wait3A_623 = tpu.memref_slice %arg8[%dma_wait3A_602, %dma_wait3A_620, %dma_wait3A_621, %dma_wait3A_622] : memref<2x8x8x136xf32, #tpu.memory_space<vmem>> -> memref<1x8x8x128xf32, #tpu.memory_space<vmem>>
    %dma_wait3A_624 = tpu.memref_squeeze %dma_wait3A_623 : memref<1x8x8x128xf32, #tpu.memory_space<vmem>> -> memref<8x8x128xf32, #tpu.memory_space<vmem>>
    tpu.wait_dma2 semaphore(%arg11 : memref<!tpu.dma_semaphore, #tpu.memory_space<semaphore_mem>>) src(%dma_wait3A_624 : memref<8x8x128xf32, #tpu.memory_space<vmem>>) dst(%dma_wait3A_619 : memref<8x8x128xf32, #tpu.memory_space<hbm>>)
    %dma_wait3A_625 = arith.constant 1 : i32
    %dma_wait3A_626 = arith.constant 0 : i32
    %dma_wait3A_627 = arith.constant 0 : i32
    %dma_wait3A_628 = arith.constant 0 : i32
    %dma_wait3A_629 = arith.constant 0 : i32
    %dma_wait3A_630 = arith.constant 0 : i32
    %dma_wait3A_631 = tpu.memref_slice %arg8[%dma_wait3A_625, %dma_wait3A_628, %dma_wait3A_629, %dma_wait3A_630] : memref<2x8x8x136xf32, #tpu.memory_space<vmem>> -> memref<1x8x8x128xf32, #tpu.memory_space<vmem>>
    %dma_wait3A_632 = tpu.memref_squeeze %dma_wait3A_631 : memref<1x8x8x128xf32, #tpu.memory_space<vmem>> -> memref<8x8x128xf32, #tpu.memory_space<vmem>>
    %dma_wait3A_633 = arith.constant 0 : i32
    %dma_wait3A_634 = arith.constant 0 : i32
    %dma_wait3A_635 = arith.constant 0 : i32
    %dma_wait3A_636 = tpu.memref_slice %arg4[%dma_wait3A_626, %dma_wait3A_633, %dma_wait3A_627, %dma_wait3A_634, %dma_wait3A_635] : memref<200x8x32x8x128xf32, #tpu.memory_space<hbm>> -> memref<1x8x1x8x128xf32, #tpu.memory_space<hbm>>
    %dma_wait3A_637 = tpu.memref_squeeze %dma_wait3A_636 : memref<1x8x1x8x128xf32, #tpu.memory_space<hbm>> -> memref<8x8x128xf32, #tpu.memory_space<hbm>>
    %dma_wait3A_638 = arith.constant 0 : i32
    %dma_wait3A_639 = arith.constant 0 : i32
    %dma_wait3A_640 = arith.constant 0 : i32
    %dma_wait3A_641 = tpu.memref_slice %arg4[%dma_wait3A_626, %dma_wait3A_638, %dma_wait3A_627, %dma_wait3A_639, %dma_wait3A_640] : memref<200x8x32x8x128xf32, #tpu.memory_space<hbm>> -> memref<1x8x1x8x128xf32, #tpu.memory_space<hbm>>
    %dma_wait3A_642 = tpu.memref_squeeze %dma_wait3A_641 : memref<1x8x1x8x128xf32, #tpu.memory_space<hbm>> -> memref<8x8x128xf32, #tpu.memory_space<hbm>>
    %dma_wait3A_643 = arith.constant 0 : i32
    %dma_wait3A_644 = arith.constant 0 : i32
    %dma_wait3A_645 = arith.constant 0 : i32
    %dma_wait3A_646 = tpu.memref_slice %arg8[%dma_wait3A_625, %dma_wait3A_643, %dma_wait3A_644, %dma_wait3A_645] : memref<2x8x8x136xf32, #tpu.memory_space<vmem>> -> memref<1x8x8x128xf32, #tpu.memory_space<vmem>>
    %dma_wait3A_647 = tpu.memref_squeeze %dma_wait3A_646 : memref<1x8x8x128xf32, #tpu.memory_space<vmem>> -> memref<8x8x128xf32, #tpu.memory_space<vmem>>
    tpu.wait_dma2 semaphore(%arg12 : memref<!tpu.dma_semaphore, #tpu.memory_space<semaphore_mem>>) src(%dma_wait3A_647 : memref<8x8x128xf32, #tpu.memory_space<vmem>>) dst(%dma_wait3A_642 : memref<8x8x128xf32, #tpu.memory_space<hbm>>)
    return
  }
}

</mosaic_0001>

<sc_bundles>
// kernel: kernel.3.cloned.1.call-start
scs
__scs_entry_jumppad:
0x0: {  	(pc) =	sbr.rel $0x88, $3  }
0x1: {  	(tag) =	ssettag $0x0;
	lr =	simm.s32 $0x1  }
0x2: {  	[smem:$0x3F9F] =	sst lr;
	_ =	strace $0xD0000000  }
0x3: {  	_ = 	snop  }
0x4: {  	_ = 	snop  }
0x5: {  	_ = 	snop  }
0x6: {  	_ = 	snop  }
0x7: {  	_ = 	snop  }
__scs_overlays_trampoline_lowered:
0x8: {  	[smem:$0x3FAE] =	sst s0  }
0x9: {  	[smem:$0x3FAF] =	sst s1  }
0xa: {  	[smem:$0x3FB0] =	sst s2  }
0xb: {  	[smem:$0x3FB1] =	sst s3  }
0xc: {  	[smem:$0x3FB2] =	sst s4  }
0xd: {  	[smem:$0x3FB3] =	sst s5  }
0xe: {  	[smem:$0x3FB4] =	sst s6  }
0xf: {  	[smem:$0x3FB5] =	sst s7  }
0x10: {  	[smem:$0x3FB6] =	sst s8  }
0x11: {  	[smem:$0x3FB7] =	sst s9;
	s0 =	simm.s32 @!p0 $0x0  }
0x12: {  	s1 =	sld [smem:$0x3F9D];
	s0 =	simm.s32 @p0 $0x1  }
0x13: {  	[smem:$0x3FB8] =	sst s0;
	s0 =	simm.s32 @!p1 $0x0  }
0x14: {  	s2 =	sld [smem:$0x3F9C];
	s0 =	simm.s32 @p1 $0x1  }
0x15: {  	[smem:$0x3FB9] =	sst s0;
	s0 =	simm.s32 @!p2 $0x0  }
0x16: {  	s3 =	sld [smem:$0x3FDB];
	s0 =	simm.s32 @p2 $0x1  }
0x17: {  	s4 =	simm.s32 $0x1BF5;
	[smem:$0x3FBB] =	sst s0  }
0x18: {  	s0 =	sld [smem:$0x3F9E];
	_ =	swait.ge [sflag:s4], $0x0  }
0x19: {  	s7 =	sld [smem:$0x3F9F]  }
0x1a: {  	s8 =	sadd.s32 $0xFFFFE003, lr  }
0x1b: {  	s9 =	sadd.s32 $0xFFFFFEF7, lr;
	s5 =	simm.s32 $0xFFFFFFFF;
	p2 =	slt.u32 s8, $0xFFFFF086  }
0x1c: {  	p1 =	slt.u32 s9, $0xF7A;
	s5 =	simm.s32 @!p2 $0x0  }
0x1d: {  	s5 =	simm.s32 @p1 $0x1;
	p0 =	seq.s32 s7, s2  }
0x1e: {  	s7 =	smul.u32 @!p0 $0xF7A, s2;
	p2 =	seq.s32 @!p0 s5, $0x0  }
0x1f: {  	s9 =	smul.u32 $0xF7A, s1;
	s8 =	simm.s32 @!p0 $0x1BF5;
	p2 =	por !p2, p0  }
0x20: {  	[sflag:s8] =	ssyncset.s32 @!p0 $0xFFFFF086;
	s6 =	sadd.s32 @!p0 s3, s7;
	s7 =	simm.s32 @!p0 $0x108  }
0x21: {  	s3 =	sadd.s32 s3, s9;
	s6 =	sadd.s32 @!p0 $0x88, s6;
	s7 =	simm.s32 @p2 $0x1082  }
0x22: {  	[simem:s7], [sflag:s8] =	dma.local @!p0 [hbm:s6], $0xF7A  }
0x23: {  	s9 =	sor.u32 $0xD0000000, s2;
	s6 =	simm.s32 $0x108;
	_ =	swait.ge @!p0 [sflag:s8], $0x0  }
0x24: {  	s3 =	sadd.s32 $0x88, s3;
	s6 =	simm.s32 @!p1 $0x1082;
	[sflag:s4] =	ssyncset.s32 $0xFFFFF086  }
0x25: {  	[simem:s6], [sflag:s4] =	dma.local [hbm:s3], $0xF7A  }
0x26: {  	[smem:$0x3F9F] =	sst s1;
	(tag) =	ssettag s2;
	_ =	strace s9  }
0x27: {  	s1 =	sld [smem:$0x3FAF]  }
0x28: {  	s2 =	sld [smem:$0x3FB0]  }
0x29: {  	s4 =	sld [smem:$0x3FB2]  }
0x2a: {  	p0 =	seq.s32 s5, $0x0;
	s5 =	sld [smem:$0x3FB3]  }
0x2b: {  	s6 =	sld [smem:$0x3FB4]  }
0x2c: {  	s7 =	sld [smem:$0x3FB5]  }
0x2d: {  	s3 =	simm.s32 $0x108;
	s8 =	sld [smem:$0x3FB6]  }
0x2e: {  	s3 =	simm.s32 @!p0 $0x1082;
	s9 =	sld [smem:$0x3FB7]  }
0x2f: {  	lr =	sadd.s32 s0, s3;
	s0 =	sld [smem:$0x3FAE]  }
0x30: {  	s3 =	sld [smem:$0x3FB1]  }
0x31: {  	[smem:$0x3FBA] =	sst s10  }
0x32: {  	s10 =	sld [smem:$0x3FB8];
	_ =	sdelay $0x3  }
0x33: {  	p0 =	seq.s32 s10, $0x1;
	s10 =	sld [smem:$0x3FBA];
	_ =	sdelay $0x3  }
0x34: {  	[smem:$0x3FBA] =	sst s10  }
0x35: {  	s10 =	sld [smem:$0x3FB9];
	_ =	sdelay $0x3  }
0x36: {  	p1 =	seq.s32 s10, $0x1;
	s10 =	sld [smem:$0x3FBA];
	_ =	sdelay $0x3  }
0x37: {  	[smem:$0x3FBA] =	sst s10  }
0x38: {  	s10 =	sld [smem:$0x3FBB]  }
0x39: {  	_ = 	snop;
	(pc) =	sbr.ind lr, $3  }
0x3a: {  	_ = 	snop  }
0x3b: {  	_ = 	snop  }
0x3c: {  	p2 =	seq.s32 s10, $0x1;
	s10 =	sld [smem:$0x3FBA]  }
0x3d: {  	_ =	shalt  }
0x3e: {  	_ =	shalt  }
0x3f: {  	_ =	shalt  }
0x40: {  	_ =	shalt  }
0x41: {  	_ =	shalt  }
0x42: {  	_ =	shalt  }
0x43: {  	_ =	shalt  }
0x44: {  	_ =	shalt  }
0x45: {  	_ =	shalt  }
0x46: {  	_ =	shalt  }
0x47: {  	_ =	shalt  }
0x48: {  	_ =	shalt  }
0x49: {  	_ =	shalt  }
0x4a: {  	_ =	shalt  }
0x4b: {  	_ =	shalt  }
0x4c: {  	_ =	shalt  }
0x4d: {  	_ =	shalt  }
0x4e: {  	_ =	shalt  }
0x4f: {  	_ =	shalt  }
0x50: {  	_ =	shalt  }
0x51: {  	_ =	shalt  }
0x52: {  	_ =	shalt  }
0x53: {  	_ =	shalt  }
0x54: {  	_ =	shalt  }
0x55: {  	_ =	shalt  }
0x56: {  	_ =	shalt  }
0x57: {  	_ =	shalt  }
0x58: {  	_ =	shalt  }
0x59: {  	_ =	shalt  }
0x5a: {  	_ =	shalt  }
0x5b: {  	_ =	shalt  }
0x5c: {  	_ =	shalt  }
0x5d: {  	_ =	shalt  }
0x5e: {  	_ =	shalt  }
0x5f: {  	_ =	shalt  }
0x60: {  	_ =	shalt  }
0x61: {  	_ =	shalt  }
0x62: {  	_ =	shalt  }
0x63: {  	_ =	shalt  }
0x64: {  	_ =	shalt  }
0x65: {  	_ =	shalt  }
0x66: {  	_ =	shalt  }
0x67: {  	_ =	shalt  }
0x68: {  	_ =	shalt  }
0x69: {  	_ =	shalt  }
0x6a: {  	_ =	shalt  }
0x6b: {  	_ =	shalt  }
0x6c: {  	_ =	shalt  }
0x6d: {  	_ =	shalt  }
0x6e: {  	_ =	shalt  }
0x6f: {  	_ =	shalt  }
0x70: {  	_ =	shalt  }
0x71: {  	_ =	shalt  }
0x72: {  	_ =	shalt  }
0x73: {  	_ =	shalt  }
0x74: {  	_ =	shalt  }
0x75: {  	_ =	shalt  }
0x76: {  	_ =	shalt  }
0x77: {  	_ =	shalt  }
0x78: {  	_ =	shalt  }
0x79: {  	_ =	shalt  }
0x7a: {  	_ =	shalt  }
0x7b: {  	_ =	shalt  }
0x7c: {  	_ =	shalt  }
0x7d: {  	_ =	shalt  }
0x7e: {  	_ =	shalt  }
0x7f: {  	_ =	shalt  }
0x80: {  	_ =	shalt  }
0x81: {  	_ =	shalt  }
0x82: {  	_ =	shalt  }
0x83: {  	_ =	shalt  }
0x84: {  	_ =	shalt  }
0x85: {  	_ =	shalt  }
0x86: {  	_ =	shalt  }
0x87: {  	_ =	shalt  }
.Lfunc_end0:
.L_simem_size_0:
called_computation_lowered:
.L_overlay_start_0:
0x88: {  	s2 =	sld [smem:$0x3FD9]  }
0x89: {  	s3 =	sld [smem:$0x3FFE];
	_ =	sdelay $0x1  }
0x8a: {  	s1 =	srdreg.scid  }
0x8b: {  	s0 =	sand.u32 $0x1, s1  }
0x8c: {  	s17 =	sshll.u32 s0, $0xA;
	s2 =	sadd.s32 s3, s2  }
0x8d: {  	s2 =	sadd.s32 s2, s17  }
0x8e: {  	[smem:$0x3FC6] =	sst s2  }
0x8f: {  	_ = 	snop  }
0x90: {  	s2 =	sld [smem:$0x3FD0];
	(tm) =	ssettm $0x1  }
0x91: {  	s18 =	sld [smem:$0x3FFB];
	_ =	sdelay $0x3  }
0x92: {  	_ =	strace s18  }
0x93: {  	s3 =	sld [smem:$0x3FFC];
	_ =	sdelay $0x3  }
0x94: {  	_ =	strace s3  }
0x95: {  	s3 =	sld [smem:$0x3FFD];
	_ =	sdelay $0x3  }
0x96: {  	_ =	strace s3  }
0x97: {  	_ =	strace $0x8FFFFFFF  }
0x98: {  	s19 =	sld [smem:$0x3FDB];
	_ =	sdelay $0x1  }
0x99: {  	s4 =	simm.s32 $_scs_section_size  }
0x9a: {  	s5 =	simm.s32 $_size__tile_overlayer_lowered;
	s6 =	simm.s32 $_tile_overlayer_lowered  }
0x9b: {  	s22 =	simm.s32 $0x1BFF;
	s21 =	sshll.u32 s6, $0x1;
	s3 =	sadd.s32 s4, s19  }
0x9c: {  	s7 =	simm.s32 $0x0;
	s20 =	sshll.u32 s5, $0x1;
	s5 =	sadd.s32 s21, s3  }
0x9d: {  	[timem:s7], [sflag:s22] =	dma.local [hbm:s5], s20  }
0x9e: {  	_ =	swait.ge [sflag:s22], s20  }
0x9f: {  	s4 =	ssub.s32 $0x0, s20;
	[sflag:s22] =	ssyncset.done $0x0  }
0xa0: {  	[sflag:s22] =	ssyncadd.s32 s4;
	_ =	sdelay $0x1  }
0xa1: {  	s23 =	simm.s32 $0x1B8B  }
0xa2: {  	_ =	swait.ge [sflag:s23], $0x1  }
0xa3: {  	[sflag:s23] =	ssyncset.done $0x0  }
0xa4: {  	s25 =	simm.s32 $0x1B8E;
	s24 =	sld [smem:$0x3FFE];
	[sflag:s23] =	ssyncadd.s32 $0xFFFFFFFF  }
0xa5: {  	s26 =	simm.s32 $execute0_lowered;
	[smem:$0x3FD2] =	sst s25  }
0xa6: {  	s5 =	sshll.u32 s26, $0x1;
	_ =	strace $0x80000046;
	[dreg:$0x1] =	wrdreg $0xFFFFFFFF  }
0xa7: {  	s28 =	simm.s32 $_size_execute0_lowered;
	s3 =	sadd.s32 s3, s5;
	[dreg:$0x0] =	wrdreg $0x0  }
0xa8: {  	s5 =	sshll.u32 s28, $0x1;
	[dreg:$0x2] =	wrdreg s3  }
0xa9: {  	[dreg:$0x3] =	wrdreg s5  }
0xaa: {  	[dreg:$0x4] =	wrdreg $0xC0  }
0xab: {  	_ =	task [dreg:s7], $0x5FFFF  }
0xac: {  	[dreg:$0x1] =	wrdreg $0xFFFFFFFF  }
0xad: {  	[dreg:$0x0] =	wrdreg $0x60  }
0xae: {  	[dreg:$0x2] =	wrdreg s24  }
0xaf: {  	[dreg:$0x3] =	wrdreg s2  }
0xb0: {  	[dreg:$0x4] =	wrdreg $0x9  }
0xb1: {  	_ =	task.clear_ibuf [dreg:s7], $0x5FFFF;
	_ =	strace $0x90000046  }
0xb2: {  	s29 =	simm.s32 $0x9;
	_ =	strace $0x80000048  }
0xb3: {  	_ =	swait.ge [sflag:s29], $0x1  }
0xb4: {  	[sflag:s29] =	ssyncadd.s32 $0xFFFFFFFF  }
0xb5: {  	_ =	strace $0x90000048  }
0xb6: {  	_ =	sfence  }
0xb7: {  	s30 =	sld [smem:$0x0];
	_ =	sdelay $0x2  }
0xb8: {  	s31 =	sshll.u32 s1, $0xD;
	s1 =	sshrl.u32 s1, $0x2  }
0xb9: {  	s3 =	sand.u32 $0x4000, s31;
	s1 =	sadd.s32 s1, s30  }
0xba: {  	s0 =	sor.u32 s3, s0;
	s1 =	sshll.u32 s1, $0x11  }
0xbb: {  	s0 =	sor.u32 s1, s0  }
0xbc: {  	s0 =	sadd.s32 $0x8F2B, s0  }
0xbd: {  	[sflag:s0] =	ssyncadd.remote.s32 $0x1  }
0xbe: {  	_ =	sfence.sel $0xFFFF  }
0xbf: {  	[dreg:$0x0] =	wrdreg $0xFFFFFFFF;
	(pc) =	sbr.abs _section_cstart, $3  }
0xc0: {  	[dreg:$0x1] =	wrdreg $0xFFFFFFFF  }
0xc1: {  	_ =	task.clear_ibuf [dreg:s7], $0x2FFFF;
	_ =	strace $0x9FFFFFFF  }
0xc2: {  	(tm) =	ssettm $0x7FFFFFFF  }
0xc3: {  	_ =	shalt  }
tec
execute0_lowered:
.L_overlay_start_1:
0x0: {  	(tag) =	ssettag $0x1  }
0x1: {  	v40 =	vlaneseq.u32  }
0x2: {  	v1 =	vmul.u32 $0xC8, v40;
	_ =	sdelay $0x1  }
0x3: {  	v2 =	vadd.s32 $0xC80, v1;
	[tilespmem:$0x1FE10] =	vst v1  }
0x4: {  	v44 =	vadd.s32 $0x1900, v1;
	[tilespmem:$0x1FDB0] =	vst v2  }
0x5: {  	v45 =	vadd.s32 $0x2580, v1;
	[tilespmem:$0x1FDC0] =	vst v44  }
0x6: {  	v46 =	vadd.s32 $0x3200, v1;
	[tilespmem:$0x1FDD0] =	vst v45  }
0x7: {  	v47 =	vadd.s32 $0x3E80, v1;
	[tilespmem:$0x1FDE0] =	vst v46  }
0x8: {  	s3 =	stileid.u32;
	v37 =	vmul.u32 $0x88, v40;
	v48 =	vadd.s32 $0x4B00, v1;
	[tilespmem:$0x1FDF0] =	vst v47  }
0x9: {  	s0 =	rddreg [dreg:$0x0];
	s4 =	sshll.u32 s3, $0x1;
	s3 =	simm.s32 $0x0;
	v1 =	vadd.s32 $0x5780, v1;
	[tilespmem:$0x1FE00] =	vst v48  }
0xa: {  	[smem:$0x7FF] =	sst s3;
	v0 =	vadd.s32 $0x882, v37;
	[tilespmem:$0x1FE20] =	vst v1  }
0xb: {  	s2 =	rddreg [dreg:$0x1];
	v25 =	vadd.s32 $0x1980, v37;
	_ =	strace $0x80000047;
	[tilespmem:$0x1FE30] =	vst v0  }
0xc: {  	v29 =	vadd.s32 $0x881, v37;
	[tilespmem:$0x1FE40] =	vst v25  }
0xd: {  	v30 =	vadd.s32 $0x1101, v37;
	[tilespmem:$0x1FE50] =	vst v29  }
0xe: {  	v32 =	vor.u32 $0x1, v37;
	[tilespmem:$0x1FE60] =	vst v30  }
0xf: {  	v5 =	vadd.s32 $0x1102, v37;
	[tilespmem:$0x1FE70] =	vst v32  }
0x10: {  	v26 =	vadd.s32 $0x1982, v37;
	[tilespmem:$0x1FE80] =	vst v5  }
0x11: {  	v55 =	vor.u32 $0x3, v37;
	[tilespmem:$0x1FE90] =	vst v26  }
0x12: {  	v59 =	vadd.s32 $0x883, v37;
	[tilespmem:$0x1FEA0] =	vst v55  }
0x13: {  	v28 =	vadd.s32 $0x1103, v37;
	[tilespmem:$0x1FEB0] =	vst v59  }
0x14: {  	v23 =	vadd.s32 $0x1983, v37;
	[tilespmem:$0x1FEC0] =	vst v28  }
0x15: {  	v33 =	vor.u32 $0x4, v37;
	[tilespmem:$0x1FED0] =	vst v23  }
0x16: {  	v49 =	vadd.s32 $0x884, v37;
	[tilespmem:$0x1FEE0] =	vst v33  }
0x17: {  	v50 =	vadd.s32 $0x1104, v37;
	[tilespmem:$0x1FEF0] =	vst v49  }
0x18: {  	v27 =	vadd.s32 $0x1984, v37;
	[tilespmem:$0x1FF00] =	vst v50  }
0x19: {  	v51 =	vor.u32 $0x5, v37;
	[tilespmem:$0x1FF10] =	vst v27  }
0x1a: {  	v3 =	vadd.s32 $0x885, v37;
	[tilespmem:$0x1FF20] =	vst v51  }
0x1b: {  	v54 =	vadd.s32 $0x1105, v37;
	[tilespmem:$0x1FF30] =	vst v3  }
0x1c: {  	v58 =	vadd.s32 $0x1985, v37;
	[tilespmem:$0x1FF40] =	vst v54  }
0x1d: {  	s1 =	srdreg.scid;
	v42 =	vor.u32 $0x6, v37;
	[tilespmem:$0x1FF50] =	vst v58  }
0x1e: {  	s11 =	simm.s32 $0x5;
	s12 =	simm.s32 $0x80;
	s14 =	simm.s32 $0xC800;
	v43 =	vadd.s32 $0x886, v37;
	[tilespmem:$0x1FF60] =	vst v42  }
0x1f: {  	s16 =	simm.s32 $0x10800;
	s17 =	simm.s32 $0x1;
	s18 =	simm.s32 $0x14800;
	v31 =	vadd.s32 $0x1106, v37;
	[tilespmem:$0x1FF70] =	vst v43  }
0x20: {  	s19 =	simm.s32 $0x6500;
	s20 =	simm.s32 $0x2;
	s1 =	sand.u32 $0x1, s1;
	v39 =	vadd.s32 $0x1986, v37;
	[tilespmem:$0x1FF80] =	vst v31  }
0x21: {  	s21 =	simm.s32 $0x16A00;
	s23 =	simm.s32 $0x3;
	s7 =	sor.u32 s1, s4;
	v63 =	vor.u32 $0x7, v37;
	[tilespmem:$0x1FF90] =	vst v39  }
0x22: {  	s24 =	simm.s32 $0x4;
	s1 =	ssub.s32 $0x2, s1;
	s4 =	smul.u32 $0xC80, s7;
	v24 =	vadd.s32 $0x887, v37;
	[tilespmem:$0x1FFA0] =	vst v63  }
.Ltmp0:
0x23: {  	s5 =	sshrl.u32 s1, $0x1;
	s8 =	sshll.u32 s7, $0x7;
	v60 =	vadd.s32 $0x1107, v37;
	[tilespmem:$0x1FFB0] =	vst v24;
	(pc) =	sbr.rel .LBB2_1-.Ltmp0, $4  }
0x24: {  	s31 =	sshll.u32 s7, $0xA;
	v4 =	vadd.s32 $0x1987, v37;
	s29 =	ssub.s32 s1, s5;
	s5 =	sadd.s32 s2, s8;
	[tilespmem:$0x1FFC0] =	vst v60  }
0x25: {  	v10 =	vor.u32 $0x10, v40;
	v34 =	vadd.s32 $0x1981, v37;
	s8 =	sor.u32 $0x80000, s31;
	s9 =	sor.u32 $0xC0000, s31;
	s6 =	sadd.s32 s4, s0;
	[tilespmem:$0x1FFD0] =	vst v4  }
0x26: {  	s25 =	simm.s32 $0x0;
	v12 =	vor.u32 $0x20, v40;
	v35 =	vor.u32 $0x2, v37;
	s4 =	sadd.s32 $0xF5BA00, s0;
	[tilespmem:$0x1FFE0] =	vst v34;
	s30 =	sadd.s32 $0xF42A00, s6  }
0x27: {  	v14 =	vor.u32 $0x30, v40;
	v38 =	vadd.s32 $0x880, v37;
	v36 =	vadd.s32 $0x1100, v37;
	s7 =	sadd.s32 $0x8000, s5;
	s10 =	smax.u32 s29, $0x1;
	[tilespmem:$0x1FFF0] =	vst v35;
	[dreg:$0x3] =	wrdreg s30  }
.LBB2_22:
0x28: {  	_ =	swait.ge [sflag:s23], $0x2000  }
0x29: {  	[sflag:s23] =	ssyncset.done $0x0  }
0x2a: {  	[sflag:s23] =	ssyncadd.s32 $0xFFFFE000  }
0x2b: {  	s25 =	sadd.s32 $0x1, s25;
	_ =	swait.ge [sflag:s24], $0x2000  }
0x2c: {  	p0 =	sne.s32 s25, s10;
	v59 =	vld [tilespmem:$0x1FEB0]  }
.Ltmp1:
0x2d: {  	v33 =	vld [tilespmem:$0x1FEE0];
	(pc) =	sbr.rel @!p0 .LBB2_23-.Ltmp1, $4  }
0x2e: {  	v54 =	vld [tilespmem:$0x1FF40]  }
0x2f: {  	v42 =	vld [tilespmem:$0x1FF60]  }
0x30: {  	[sflag:s24] =	ssyncset.done $0x0;
	v43 =	vld [tilespmem:$0x1FF70]  }
0x31: {  	v31 =	vld [tilespmem:$0x1FF80];
	[sflag:s24] =	ssyncadd.s32 $0xFFFFE000  }
.LBB2_1:
0x32: {  	v23 =	vld [tilespmem:$0x1FE10];
	_ =	sdelay $0x1  }
0x33: {  	s0 =	simm.s32 $0x3  }
0x34: {  	s1 =	simm.s32 $0x1;
	v1 =	vmov s0  }
0x35: {  	v2 =	vmov s1;
	s1 =	simm.s32 $0x2;
	v1 =	vand.u32 $0xFF, v1  }
0x36: {  	s6 =	rddreg [dreg:$0x3];
	v52 =	vand.u32 $0xFD, v2;
	v2 =	vmov s1;
	v3 =	vadd.s32 v23, v1  }
0x37: {  	[tilespmem:s3], [sflag:$0x5] =	stream.linear.gather [hbm4b:s6+s3], $0x6400, $0x38;
	v53 =	vand.u32 $0xFE, v2;
	v4 =	vadd.s32 v23, v52;
	[tilespmem:$0x18C00] =	vst v63  }
0x38: {  	_ =	swait.ge [sflag:s11], $0x6400;
	v5 =	vadd.s32 v23, v53  }
0x39: {  	[sflag:s11] =	ssyncset.done $0x0  }
0x3a: {  	v41 =	vmov v24;
	v24 =	vld [tilespmem:$0x1FDB0];
	[sflag:s11] =	ssyncadd.s32 $0xFFFF9C00  }
0x3b: {  	v2 =	vmov s3;
	v3 =	vld.idx.msk [tilespmem:v3+s3+$0x0], $0xffff  }
0x3c: {  	v49 =	vand.u32 $0xFC, v2;
	v4 =	vld.idx.msk [tilespmem:v4+s3+$0x0], $0xffff  }
0x3d: {  	v2 =	vadd.s32 v23, v49;
	v5 =	vld.idx.msk [tilespmem:v5+s3+$0x0], $0xffff;
	_ =	sdelay $0x1  }
0x3e: {  	v6 =	vadd.s32 v24, v1  }
0x3f: {  	v7 =	vadd.s32 v24, v52;
	[tilespmem:s19+$0x80] =	vst v3  }
0x40: {  	v8 =	vadd.s32 v24, v53;
	[tilespmem:s19+$0xFFFFFF80] =	vst v4  }
0x41: {  	v2 =	vld.idx.msk [tilespmem:v2+s3+$0x0], $0xffff;
	[tilespmem:s19+$0x0] =	vst v5  }
0x42: {  	v25 =	vld [tilespmem:$0x1FDC0]  }
0x43: {  	v3 =	vld.idx.msk [tilespmem:v6+s3+$0x0], $0xffff  }
0x44: {  	v4 =	vld.idx.msk [tilespmem:v7+s3+$0x0], $0xffff  }
0x45: {  	v9 =	vadd.s32 v24, v49;
	v6 =	vld.idx.msk [tilespmem:v8+s3+$0x0], $0xffff;
	_ =	sdelay $0x1  }
0x46: {  	[tilespmem:s19+$0xFFFFFF00] =	vst v2;
	v5 =	vadd.s32 v25, v1  }
0x47: {  	v7 =	vadd.s32 v25, v52;
	[tilespmem:s19+$0x90] =	vst v3  }
0x48: {  	v2 =	vadd.s32 v25, v53;
	[tilespmem:s19+$0xFFFFFF90] =	vst v4  }
0x49: {  	v8 =	vld.idx.msk [tilespmem:v9+s3+$0x0], $0xffff;
	[tilespmem:s19+$0x10] =	vst v6  }
0x4a: {  	v26 =	vld [tilespmem:$0x1FDD0]  }
0x4b: {  	v3 =	vld.idx.msk [tilespmem:v5+s3+$0x0], $0xffff  }
0x4c: {  	v4 =	vld.idx.msk [tilespmem:v7+s3+$0x0], $0xffff  }
0x4d: {  	v9 =	vadd.s32 v25, v49;
	v2 =	vld.idx.msk [tilespmem:v2+s3+$0x0], $0xffff;
	_ =	sdelay $0x1  }
0x4e: {  	s13 =	simm.s32 $0x4;
	[tilespmem:s19+$0xFFFFFF10] =	vst v8;
	v5 =	vadd.s32 v26, v1  }
0x4f: {  	v6 =	vmov s13;
	v7 =	vadd.s32 v26, v52;
	[tilespmem:s19+$0xA0] =	vst v3  }
0x50: {  	v44 =	vand.u32 $0xFC, v6;
	v6 =	vadd.s32 v26, v53;
	[tilespmem:s19+$0xFFFFFFA0] =	vst v4  }
0x51: {  	v9 =	vld.idx.msk [tilespmem:v9+s3+$0x0], $0xffff;
	[tilespmem:s19+$0x20] =	vst v2  }
0x52: {  	v27 =	vld [tilespmem:$0x1FDE0]  }
0x53: {  	s15 =	simm.s32 $0x5;
	v4 =	vld.idx.msk [tilespmem:v5+s3+$0x0], $0xffff  }
0x54: {  	v11 =	vmov s15;
	v5 =	vld.idx.msk [tilespmem:v7+s3+$0x0], $0xffff  }
0x55: {  	v45 =	vand.u32 $0xFD, v11;
	v11 =	vadd.s32 v26, v49;
	v6 =	vld.idx.msk [tilespmem:v6+s3+$0x0], $0xffff;
	_ =	sdelay $0x1  }
0x56: {  	[tilespmem:s19+$0xFFFFFF20] =	vst v9;
	v2 =	vadd.s32 v27, v1  }
0x57: {  	v7 =	vadd.s32 v27, v52;
	[tilespmem:s19+$0xB0] =	vst v4  }
0x58: {  	s22 =	simm.s32 $0x7;
	v9 =	vadd.s32 v27, v53;
	[tilespmem:s19+$0xFFFFFFB0] =	vst v5  }
0x59: {  	v13 =	vmov s22;
	v11 =	vld.idx.msk [tilespmem:v11+s3+$0x0], $0xffff;
	[tilespmem:s19+$0x30] =	vst v6  }
0x5a: {  	s26 =	simm.s32 $0x6;
	v48 =	vand.u32 $0xFF, v13;
	v8 =	vadd.s32 v23, v44;
	v28 =	vld [tilespmem:$0x1FDF0]  }
0x5b: {  	v13 =	vmov s26;
	v15 =	vadd.s32 v23, v48;
	v2 =	vld.idx.msk [tilespmem:v2+s3+$0x0], $0xffff  }
0x5c: {  	v46 =	vand.u32 $0xFE, v13;
	v3 =	vadd.s32 v23, v45;
	v7 =	vld.idx.msk [tilespmem:v7+s3+$0x0], $0xffff  }
0x5d: {  	v5 =	vadd.s32 v23, v46;
	v9 =	vld.idx.msk [tilespmem:v9+s3+$0x0], $0xffff;
	_ =	sdelay $0x1  }
0x5e: {  	s28 =	simm.s32 $0x8;
	v8 =	vld.idx.msk [tilespmem:v8+s3+$0x0], $0xffff;
	v4 =	vadd.s32 v27, v49;
	[tilespmem:s19+$0xFFFFFF30] =	vst v11  }
0x5f: {  	v13 =	vmov s28;
	v11 =	vld.idx.msk [tilespmem:v15+s3+$0x0], $0xffff;
	v6 =	vadd.s32 v28, v1;
	[tilespmem:s19+$0xC0] =	vst v2  }
0x60: {  	v47 =	vand.u32 $0xFC, v13;
	v3 =	vld.idx.msk [tilespmem:v3+s3+$0x0], $0xffff;
	v16 =	vadd.s32 v28, v52;
	[tilespmem:s19+$0xFFFFFFC0] =	vst v7  }
0x61: {  	v15 =	vadd.s32 v23, v47;
	v5 =	vld.idx.msk [tilespmem:v5+s3+$0x0], $0xffff;
	[tilespmem:s19+$0x40] =	vst v9  }
0x62: {  	v13 =	vadd.s32 v28, v53;
	v29 =	vld [tilespmem:$0x1FE00]  }
0x63: {  	s26 =	simm.s32 $0x6700;
	v17 =	vadd.s32 v24, v48;
	v4 =	vld.idx.msk [tilespmem:v4+s3+$0x0], $0xffff  }
0x64: {  	v2 =	vadd.s32 v24, v45;
	v6 =	vld.idx.msk [tilespmem:v6+s3+$0x0], $0xffff;
	[tilespmem:s26+$0x80] =	vst v11  }
0x65: {  	v7 =	vadd.s32 v24, v46;
	v16 =	vld.idx.msk [tilespmem:v16+s3+$0x0], $0xffff;
	[tilespmem:s26+$0xFFFFFF80] =	vst v3  }
0x66: {  	v51 =	vld.idx.msk [tilespmem:v15+s3+$0x0], $0xffff;
	[tilespmem:s26+$0x0] =	vst v5  }
0x67: {  	v9 =	vld.idx.msk [tilespmem:v13+s3+$0x0], $0xffff;
	[tilespmem:s26+$0xFFFFFF00] =	vst v8;
	v13 =	vadd.s32 v29, v1  }
0x68: {  	v15 =	vadd.s32 v24, v44;
	[tilespmem:s19+$0xFFFFFF40] =	vst v4;
	v3 =	vld.idx.msk [tilespmem:v17+s3+$0x0], $0xffff  }
0x69: {  	v11 =	vadd.s32 v28, v49;
	v17 =	vld.idx.msk [tilespmem:v2+s3+$0x0], $0xffff;
	[tilespmem:s19+$0xD0] =	vst v6  }
0x6a: {  	v5 =	vld.idx.msk [tilespmem:v7+s3+$0x0], $0xffff;
	v7 =	vadd.s32 v25, v48;
	[tilespmem:s19+$0xFFFFFFD0] =	vst v16  }
0x6b: {  	v30 =	vld [tilespmem:$0x1FE20]  }
0x6c: {  	v6 =	vadd.s32 v25, v45;
	v8 =	vld.idx.msk [tilespmem:v13+s3+$0x0], $0xffff  }
0x6d: {  	v13 =	vld.idx.msk [tilespmem:v15+s3+$0x0], $0xffff;
	v15 =	vadd.s32 v25, v46  }
0x6e: {  	v2 =	vadd.s32 v29, v52;
	v4 =	vld.idx.msk [tilespmem:v11+s3+$0x0], $0xffff;
	[tilespmem:s26+$0x90] =	vst v3  }
0x6f: {  	v3 =	vld.idx.msk [tilespmem:v7+s3+$0x0], $0xffff;
	v7 =	vadd.s32 v29, v53  }
0x70: {  	[tilespmem:s26+$0xFFFFFF90] =	vst v17;
	v1 =	vadd.s32 v30, v1  }
0x71: {  	v11 =	vadd.s32 v25, v44;
	[tilespmem:s26+$0x10] =	vst v5;
	v6 =	vld.idx.msk [tilespmem:v6+s3+$0x0], $0xffff  }
0x72: {  	s31 =	simm.s32 $0x9;
	[tilespmem:s19+$0x50] =	vst v9;
	v17 =	vld.idx.msk [tilespmem:v15+s3+$0x0], $0xffff;
	v15 =	vadd.s32 v26, v48  }
0x73: {  	v16 =	vadd.s32 v29, v49;
	v5 =	vmov s31;
	v2 =	vld.idx.msk [tilespmem:v2+s3+$0x0], $0xffff;
	[tilespmem:s19+$0xFFFFFF50] =	vst v4  }
0x74: {  	v50 =	vand.u32 $0xFD, v5;
	v5 =	vld.idx.msk [tilespmem:v7+s3+$0x0], $0xffff;
	[tilespmem:s19+$0xE0] =	vst v8;
	v8 =	vadd.s32 v26, v45  }
0x75: {  	v18 =	vadd.s32 v26, v46;
	[tilespmem:s26+$0xFFFFFF10] =	vst v13;
	v1 =	vld.idx.msk [tilespmem:v1+s3+$0x0], $0xffff  }
0x76: {  	v19 =	vadd.s32 v23, v50;
	[tilespmem:s26+$0xA0] =	vst v3;
	v11 =	vld.idx.msk [tilespmem:v11+s3+$0x0], $0xffff  }
0x77: {  	[tilespmem:s26+$0xFFFFFFA0] =	vst v6;
	v6 =	vld.idx.msk [tilespmem:v15+s3+$0x0], $0xffff;
	v15 =	vadd.s32 v26, v44  }
0x78: {  	v3 =	vld.idx.msk [tilespmem:v16+s3+$0x0], $0xffff;
	v13 =	vadd.s32 v30, v52  }
0x79: {  	v9 =	vadd.s32 v30, v53;
	v4 =	vld.idx.msk [tilespmem:v8+s3+$0x0], $0xffff;
	[tilespmem:s26+$0x20] =	vst v17  }
0x7a: {  	v8 =	vadd.s32 v27, v48;
	v7 =	vld.idx.msk [tilespmem:v18+s3+$0x0], $0xffff;
	[tilespmem:s19+$0xF0] =	vst v1  }
0x7b: {  	s30 =	simm.s32 $0xB;
	s29 =	simm.s32 $0x6500;
	s1 =	simm.s32 $0xC;
	v1 =	vld.idx.msk [tilespmem:v19+s3+$0x0], $0xffff;
	[tilespmem:s26+$0xFFFFFF20] =	vst v11;
	v11 =	vadd.s32 v27, v45  }
.LBB2_2:
0x7c: {  	p0 =	slt.u32 s1, $0xC4;
	v16 =	vmov s30;
	v15 =	vld.idx.msk [tilespmem:v15+s3+$0x0], $0xffff;
	v17 =	vadd.s32 v27, v46;
	[tilespmem:s29+$0xFFFFFFE0] =	vst v2  }
0x7d: {  	s0 =	sadd.s32 $0x2, s28;
	s28 =	smov.u32 s1;
	v2 =	vand.u32 $0xFF, v16;
	v16 =	vadd.s32 v30, v49;
	v13 =	vld.idx.msk [tilespmem:v13+s3+$0x0], $0xffff;
	[tilespmem:s29+$0x60] =	vst v5;
	v49 =	vmovc v44;
	v44 =	vmov v47  }
0x7e: {  	v5 =	vmov s0;
	v18 =	vadd.s32 v23, v2;
	[tilespmem:s26+$0xB0] =	vst v6;
	v6 =	vld.idx.msk [tilespmem:v9+s3+$0x0], $0xffff  }
0x7f: {  	v19 =	vand.u32 $0xFE, v5;
	v5 =	vadd.s32 v27, v49;
	[tilespmem:s26+$0xFFFFFFB0] =	vst v4;
	v4 =	vld.idx.msk [tilespmem:v8+s3+$0x0], $0xffff  }
0x80: {  	v8 =	vadd.s32 v23, v19;
	v9 =	vld.idx.msk [tilespmem:v11+s3+$0x0], $0xffff;
	[tilespmem:s26+$0x30] =	vst v7  }
0x81: {  	v11 =	vadd.s32 v28, v48;
	v7 =	vld.idx.msk [tilespmem:v17+s3+$0x0], $0xffff;
	[tilespmem:s29+$0xFFFFFF60] =	vst v3  }
0x82: {  	v3 =	vmov s1;
	[tilespmem:s26+$0xFFFFFF30] =	vst v15;
	v15 =	vadd.s32 v28, v45;
	v16 =	vld.idx.msk [tilespmem:v16+s3+$0x0], $0xffff  }
0x83: {  	v17 =	vadd.s32 v28, v46;
	v47 =	vand.u32 $0xFC, v3;
	v3 =	vld.idx.msk [tilespmem:v18+s3+$0x0], $0xffff;
	[tilespmem:s29+$0xFFFFFFF0] =	vst v13  }
0x84: {  	v13 =	vadd.s32 v23, v47;
	v5 =	vld.idx.msk [tilespmem:v5+s3+$0x0], $0xffff;
	[tilespmem:s29+$0x70] =	vst v6  }
0x85: {  	v6 =	vld.idx.msk [tilespmem:v8+s3+$0x0], $0xffff;
	v8 =	vadd.s32 v24, v2;
	[tilespmem:s26+$0xC0] =	vst v4  }
0x86: {  	v4 =	vadd.s32 v24, v50;
	[tilespmem:s26+$0xFFFFFFC0] =	vst v9;
	v9 =	vld.idx.msk [tilespmem:v11+s3+$0x0], $0xffff  }
0x87: {  	v11 =	vadd.s32 v24, v19;
	v15 =	vld.idx.msk [tilespmem:v15+s3+$0x0], $0xffff;
	[tilespmem:s26+$0x40] =	vst v7  }
0x88: {  	v7 =	vld.idx.msk [tilespmem:v17+s3+$0x0], $0xffff;
	v17 =	vadd.s32 v29, v48;
	[tilespmem:s29+$0xFFFFFF70] =	vst v16;
	s29 =	smov.u32 s26;
	s26 =	sadd.s32 $0x200, s26  }
0x89: {  	v16 =	vadd.s32 v24, v44;
	v13 =	vld.idx.msk [tilespmem:v13+s3+$0x0], $0xffff;
	[tilespmem:s26+$0x80] =	vst v3  }
0x8a: {  	v3 =	vadd.s32 v28, v49;
	[tilespmem:s26+$0xFFFFFF80] =	vst v1;
	v1 =	vld.idx.msk [tilespmem:v8+s3+$0x0], $0xffff  }
0x8b: {  	v4 =	vld.idx.msk [tilespmem:v4+s3+$0x0], $0xffff;
	[tilespmem:s26+$0x0] =	vst v6;
	v6 =	vadd.s32 v29, v45  }
0x8c: {  	v8 =	vld.idx.msk [tilespmem:v11+s3+$0x0], $0xffff;
	v11 =	vadd.s32 v25, v2;
	[tilespmem:s29+$0xD0] =	vst v9  }
0x8d: {  	v9 =	vadd.s32 v25, v50;
	[tilespmem:s26+$0xFFFFFF00] =	vst v51;
	v17 =	vld.idx.msk [tilespmem:v17+s3+$0x0], $0xffff  }
0x8e: {  	v18 =	vadd.s32 v25, v19;
	v16 =	vld.idx.msk [tilespmem:v16+s3+$0x0], $0xffff;
	[tilespmem:s29+$0xFFFFFF40] =	vst v5  }
0x8f: {  	v5 =	vadd.s32 v30, v48;
	v48 =	vmov v2;
	v51 =	vmov v13;
	v3 =	vld.idx.msk [tilespmem:v3+s3+$0x0], $0xffff;
	[tilespmem:s29+$0xFFFFFFD0] =	vst v15  }
0x90: {  	v13 =	vadd.s32 v25, v44;
	[tilespmem:s26+$0x90] =	vst v1;
	v2 =	vld.idx.msk [tilespmem:v6+s3+$0x0], $0xffff  }
0x91: {  	[tilespmem:s26+$0xFFFFFF90] =	vst v4;
	v1 =	vld.idx.msk [tilespmem:v11+s3+$0x0], $0xffff;
	v4 =	vadd.s32 v29, v46  }
0x92: {  	v6 =	vld.idx.msk [tilespmem:v9+s3+$0x0], $0xffff;
	[tilespmem:s26+$0x10] =	vst v8;
	v8 =	vadd.s32 v29, v49  }
0x93: {  	s0 =	sadd.s32 $0x1, s1;
	v11 =	vadd.s32 v26, v48;
	v9 =	vld.idx.msk [tilespmem:v18+s3+$0x0], $0xffff;
	[tilespmem:s29+$0xE0] =	vst v17  }
0x94: {  	v15 =	vmov s0;
	[tilespmem:s26+$0xFFFFFF10] =	vst v16;
	v16 =	vadd.s32 v26, v50;
	v17 =	vld.idx.msk [tilespmem:v5+s3+$0x0], $0xffff  }
0x95: {  	v21 =	vadd.s32 v26, v19;
	v18 =	vand.u32 $0xFD, v15;
	v20 =	vld.idx.msk [tilespmem:v13+s3+$0x0], $0xffff;
	[tilespmem:s29+$0x50] =	vst v7  }
0x96: {  	v22 =	vadd.s32 v23, v18;
	[tilespmem:s29+$0xFFFFFF50] =	vst v3;
	v5 =	vld.idx.msk [tilespmem:v4+s3+$0x0], $0xffff  }
.Ltmp2:
0x97: {  	v15 =	vadd.s32 v26, v44;
	[tilespmem:s26+$0xA0] =	vst v1;
	v3 =	vld.idx.msk [tilespmem:v8+s3+$0x0], $0xffff;
	(pc) =	sbr.rel @p0 .LBB2_2-.Ltmp2, $4  }
0x98: {  	v13 =	vadd.s32 v30, v45;
	v45 =	vmov v50;
	v50 =	vmov v18;
	[tilespmem:s26+$0xFFFFFFA0] =	vst v6;
	v6 =	vld.idx.msk [tilespmem:v11+s3+$0x0], $0xffff  }
0x99: {  	v4 =	vld.idx.msk [tilespmem:v16+s3+$0x0], $0xffff;
	[tilespmem:s26+$0x20] =	vst v9;
	v9 =	vadd.s32 v30, v46;
	v46 =	vmov v19  }
0x9a: {  	v8 =	vadd.s32 v27, v48;
	v7 =	vld.idx.msk [tilespmem:v21+s3+$0x0], $0xffff;
	[tilespmem:s29+$0xF0] =	vst v17  }
0x9b: {  	s30 =	sadd.s32 $0x3, s28;
	s1 =	sadd.s32 $0x4, s1;
	v11 =	vadd.s32 v27, v45;
	v1 =	vld.idx.msk [tilespmem:v22+s3+$0x0], $0xffff;
	[tilespmem:s26+$0xFFFFFF20] =	vst v20  }
0x9c: {  	_ =	sdelay $0x2  }
0x9d: {  	v16 =	vmov s30;
	[tilespmem:s29+$0xFFFFFFE0] =	vst v2  }
0x9e: {  	v2 =	vld.idx.msk [tilespmem:v15+s3+$0x0], $0xffff;
	v15 =	vadd.s32 v27, v46;
	s0 =	sadd.s32 $0x2, s28;
	[tilespmem:s29+$0x60] =	vst v5;
	v16 =	vand.u32 $0xFF, v16  }
0x9f: {  	[tilespmem:s29+$0xFFFFFF60] =	vst v3;
	v5 =	vld.idx.msk [tilespmem:v13+s3+$0x0], $0xffff;
	v13 =	vmov s0;
	v17 =	vadd.s32 v23, v16  }
0xa0: {  	[tilespmem:s26+$0xB0] =	vst v6;
	v6 =	vld.idx.msk [tilespmem:v9+s3+$0x0], $0xffff;
	v9 =	vand.u32 $0xFE, v13  }
0xa1: {  	[tilespmem:s26+$0xFFFFFFB0] =	vst v4;
	v4 =	vld.idx.msk [tilespmem:v8+s3+$0x0], $0xffff;
	v8 =	vadd.s32 v23, v9  }
0xa2: {  	[tilespmem:s26+$0x30] =	vst v7;
	v7 =	vld.idx.msk [tilespmem:v11+s3+$0x0], $0xffff  }
0xa3: {  	v3 =	vadd.s32 v30, v49;
	v11 =	vld.idx.msk [tilespmem:v15+s3+$0x0], $0xffff;
	[tilespmem:s26+$0xFFFFFF30] =	vst v2  }
0xa4: {  	v2 =	vadd.s32 v28, v48;
	[tilespmem:s29+$0xFFFFFFF0] =	vst v5;
	v13 =	vld.idx.msk [tilespmem:v17+s3+$0x0], $0xffff  }
0xa5: {  	[tilespmem:s29+$0x70] =	vst v6;
	v5 =	vadd.s32 v24, v16  }
0xa6: {  	[tilespmem:s26+$0xC0] =	vst v4;
	v4 =	vadd.s32 v24, v50;
	v6 =	vld.idx.msk [tilespmem:v8+s3+$0x0], $0xffff  }
0xa7: {  	[tilespmem:s26+$0xFFFFFFC0] =	vst v7;
	v7 =	vadd.s32 v24, v9  }
0xa8: {  	s1 =	sadd.s32 $0x200, s26;
	v3 =	vld.idx.msk [tilespmem:v3+s3+$0x0], $0xffff;
	v8 =	vadd.s32 v24, v47;
	[tilespmem:s26+$0x40] =	vst v11  }
0xa9: {  	v11 =	vadd.s32 v27, v44;
	v2 =	vld.idx.msk [tilespmem:v2+s3+$0x0], $0xffff;
	[tilespmem:s1+$0x80] =	vst v13  }
0xaa: {  	[tilespmem:s1+$0xFFFFFF80] =	vst v1;
	v13 =	vadd.s32 v28, v45;
	v1 =	vld.idx.msk [tilespmem:v5+s3+$0x0], $0xffff  }
0xab: {  	v4 =	vld.idx.msk [tilespmem:v4+s3+$0x0], $0xffff;
	[tilespmem:s1+$0x0] =	vst v6;
	v5 =	vadd.s32 v25, v16  }
0xac: {  	[tilespmem:s1+$0xFFFFFF00] =	vst v51;
	v6 =	vld.idx.msk [tilespmem:v7+s3+$0x0], $0xffff;
	v7 =	vadd.s32 v25, v50  }
0xad: {  	[tilespmem:s29+$0xFFFFFF70] =	vst v3;
	v3 =	vld.idx.msk [tilespmem:v8+s3+$0x0], $0xffff;
	v8 =	vadd.s32 v25, v9  }
0xae: {  	v11 =	vld.idx.msk [tilespmem:v11+s3+$0x0], $0xffff;
	[tilespmem:s26+$0xD0] =	vst v2;
	v2 =	vadd.s32 v25, v47  }
0xaf: {  	v15 =	vadd.s32 v29, v48;
	v13 =	vld.idx.msk [tilespmem:v13+s3+$0x0], $0xffff;
	[tilespmem:s1+$0x90] =	vst v1  }
0xb0: {  	[tilespmem:s1+$0xFFFFFF90] =	vst v4;
	v1 =	vadd.s32 v28, v46;
	v4 =	vld.idx.msk [tilespmem:v5+s3+$0x0], $0xffff  }
0xb1: {  	v5 =	vld.idx.msk [tilespmem:v7+s3+$0x0], $0xffff;
	[tilespmem:s1+$0x10] =	vst v6;
	v6 =	vadd.s32 v26, v16  }
0xb2: {  	[tilespmem:s1+$0xFFFFFF10] =	vst v3;
	v3 =	vadd.s32 v26, v50;
	v7 =	vld.idx.msk [tilespmem:v8+s3+$0x0], $0xffff  }
0xb3: {  	[tilespmem:s26+$0xFFFFFF40] =	vst v11;
	v2 =	vld.idx.msk [tilespmem:v2+s3+$0x0], $0xffff;
	v8 =	vadd.s32 v26, v9  }
0xb4: {  	v11 =	vld.idx.msk [tilespmem:v15+s3+$0x0], $0xffff;
	[tilespmem:s26+$0xFFFFFFD0] =	vst v13;
	v13 =	vadd.s32 v26, v47  }
0xb5: {  	v15 =	vadd.s32 v28, v44;
	v1 =	vld.idx.msk [tilespmem:v1+s3+$0x0], $0xffff;
	[tilespmem:s1+$0xA0] =	vst v4  }
0xb6: {  	v4 =	vadd.s32 v30, v48;
	[tilespmem:s1+$0xFFFFFFA0] =	vst v5;
	v5 =	vld.idx.msk [tilespmem:v6+s3+$0x0], $0xffff  }
0xb7: {  	v3 =	vld.idx.msk [tilespmem:v3+s3+$0x0], $0xffff;
	[tilespmem:s1+$0x20] =	vst v7;
	v6 =	vadd.s32 v27, v16  }
0xb8: {  	[tilespmem:s1+$0xFFFFFF20] =	vst v2;
	v2 =	vadd.s32 v27, v50;
	v7 =	vld.idx.msk [tilespmem:v8+s3+$0x0], $0xffff  }
0xb9: {  	[tilespmem:s26+$0xE0] =	vst v11;
	v11 =	vadd.s32 v27, v9;
	v8 =	vld.idx.msk [tilespmem:v13+s3+$0x0], $0xffff  }
0xba: {  	v13 =	vld.idx.msk [tilespmem:v15+s3+$0x0], $0xffff;
	[tilespmem:s26+$0x50] =	vst v1;
	v1 =	vadd.s32 v27, v47  }
0xbb: {  	v15 =	vadd.s32 v29, v45;
	v4 =	vld.idx.msk [tilespmem:v4+s3+$0x0], $0xffff;
	[tilespmem:s1+$0xB0] =	vst v5  }
0xbc: {  	v5 =	vadd.s32 v29, v46;
	[tilespmem:s1+$0xFFFFFFB0] =	vst v3;
	v3 =	vld.idx.msk [tilespmem:v6+s3+$0x0], $0xffff  }
0xbd: {  	v2 =	vld.idx.msk [tilespmem:v2+s3+$0x0], $0xffff;
	[tilespmem:s1+$0x30] =	vst v7;
	v6 =	vadd.s32 v28, v16  }
0xbe: {  	v7 =	vld.idx.msk [tilespmem:v11+s3+$0x0], $0xffff;
	[tilespmem:s1+$0xFFFFFF30] =	vst v8;
	v8 =	vadd.s32 v28, v50  }
0xbf: {  	[tilespmem:s26+$0xFFFFFF50] =	vst v13;
	v11 =	vadd.s32 v28, v9;
	v1 =	vld.idx.msk [tilespmem:v1+s3+$0x0], $0xffff  }
0xc0: {  	v13 =	vld.idx.msk [tilespmem:v15+s3+$0x0], $0xffff;
	[tilespmem:s26+$0xF0] =	vst v4;
	v4 =	vadd.s32 v28, v47  }
0xc1: {  	v15 =	vadd.s32 v29, v44;
	v5 =	vld.idx.msk [tilespmem:v5+s3+$0x0], $0xffff;
	[tilespmem:s1+$0xC0] =	vst v3  }
0xc2: {  	v3 =	vadd.s32 v30, v45;
	[tilespmem:s1+$0xFFFFFFC0] =	vst v2;
	v2 =	vld.idx.msk [tilespmem:v6+s3+$0x0], $0xffff  }
0xc3: {  	v6 =	vld.idx.msk [tilespmem:v8+s3+$0x0], $0xffff;
	[tilespmem:s1+$0x40] =	vst v7;
	v7 =	vadd.s32 v29, v16  }
0xc4: {  	v8 =	vld.idx.msk [tilespmem:v11+s3+$0x0], $0xffff;
	v11 =	vadd.s32 v29, v50;
	[tilespmem:s1+$0xFFFFFF40] =	vst v1  }
0xc5: {  	[tilespmem:s26+$0xFFFFFFE0] =	vst v13;
	v1 =	vld.idx.msk [tilespmem:v4+s3+$0x0], $0xffff;
	v4 =	vadd.s32 v29, v9  }
0xc6: {  	v13 =	vld.idx.msk [tilespmem:v15+s3+$0x0], $0xffff;
	[tilespmem:s26+$0x60] =	vst v5;
	v5 =	vadd.s32 v29, v47  }
0xc7: {  	v15 =	vadd.s32 v30, v46;
	v3 =	vld.idx.msk [tilespmem:v3+s3+$0x0], $0xffff;
	[tilespmem:s1+$0xD0] =	vst v2  }
0xc8: {  	v2 =	vadd.s32 v30, v44;
	[tilespmem:s1+$0xFFFFFFD0] =	vst v6;
	v7 =	vld.idx.msk [tilespmem:v7+s3+$0x0], $0xffff  }
0xc9: {  	v6 =	vadd.s32 v30, v16;
	v11 =	vld.idx.msk [tilespmem:v11+s3+$0x0], $0xffff;
	[tilespmem:s1+$0x50] =	vst v8  }
0xca: {  	[tilespmem:s1+$0xFFFFFF50] =	vst v1;
	v1 =	vld.idx.msk [tilespmem:v4+s3+$0x0], $0xffff;
	v4 =	vadd.s32 v30, v50  }
0xcb: {  	[tilespmem:s26+$0xFFFFFF60] =	vst v13;
	v8 =	vadd.s32 v30, v9;
	v5 =	vld.idx.msk [tilespmem:v5+s3+$0x0], $0xffff  }
0xcc: {  	v9 =	vld.idx.msk [tilespmem:v15+s3+$0x0], $0xffff;
	[tilespmem:s26+$0xFFFFFFF0] =	vst v3;
	v3 =	vadd.s32 v30, v47  }
0xcd: {  	v2 =	vld.idx.msk [tilespmem:v2+s3+$0x0], $0xffff;
	[tilespmem:s1+$0xE0] =	vst v7  }
0xce: {  	[tilespmem:s1+$0xFFFFFFE0] =	vst v11;
	v6 =	vld.idx.msk [tilespmem:v6+s3+$0x0], $0xffff  }
0xcf: {  	v4 =	vld.idx.msk [tilespmem:v4+s3+$0x0], $0xffff;
	[tilespmem:s1+$0x60] =	vst v1  }
0xd0: {  	v1 =	vld.idx.msk [tilespmem:v8+s3+$0x0], $0xffff;
	[tilespmem:s1+$0xFFFFFF60] =	vst v5  }
0xd1: {  	[tilespmem:s26+$0x70] =	vst v9;
	v3 =	vld.idx.msk [tilespmem:v3+s3+$0x0], $0xffff  }
0xd2: {  	[tilespmem:s26+$0xFFFFFF70] =	vst v2  }
0xd3: {  	[tilespmem:s1+$0xF0] =	vst v6  }
0xd4: {  	[tilespmem:s1+$0xFFFFFFF0] =	vst v4  }
0xd5: {  	s22 =	simm.s32 $0x2;
	[tilespmem:s1+$0x70] =	vst v1  }
0xd6: {  	s31 =	simm.s32 $0x4;
	s15 =	simm.s32 $0x1;
	s28 =	simm.s32 $0x6400;
	v6 =	vmov s22;
	[tilespmem:s1+$0xFFFFFF70] =	vst v3  }
0xd7: {  	v1 =	vmov s31;
	v8 =	vshll.u32 v6, $0x7;
	v3 =	vmov s15;
	[tilespmem:s14], [sflag:$0x1] =	stream.indirect.gather [hbm4b:s4+s12], $0x80, s28, s12, $0xb8;
	[tilespmem:$0x18C00] =	vst v63  }
0xd8: {  	s30 =	simm.s32 $0x3;
	s31 =	simm.s32 $0x6480;
	v11 =	vshll.u32 v3, $0x7;
	v13 =	vand.u32 $0x78, v3;
	v3 =	vor.u32 v40, v8  }
0xd9: {  	v7 =	vor.u32 v40, v11;
	[tilespmem:s16], [sflag:$0x2] =	stream.indirect.gather [hbm4b:s4+s12], $0x80, s31, s12, $0xb8;
	[tilespmem:$0x18C00] =	vst v63  }
0xda: {  	v17 =	vmov s30;
	_ =	swait.ge [sflag:s17], $0x4000  }
0xdb: {  	v58 =	vshll.u32 v17, $0x7;
	[sflag:s17] =	ssyncset.done $0x0  }
0xdc: {  	v19 =	vor.u32 v40, v58;
	v60 =	vand.u32 $0x78, v6;
	[sflag:s17] =	ssyncadd.s32 $0xFFFFC000  }
0xdd: {  	s29 =	simm.s32 $0x7;
	v16 =	vshll.u32 v1, $0x7;
	v61 =	vand.u32 $0x78, v1;
	v1 =	vadd.s32 v35, v60;
	v3 =	vld.idx.msk [tilespmem:v3+s14+$0x0], $0xffff  }
0xde: {  	v62 =	vand.u32 $0x78, v17;
	v15 =	vmov s29;
	v17 =	vadd.s32 v32, v13;
	v7 =	vld.idx.msk [tilespmem:v7+s14+$0x0], $0xffff  }
0xdf: {  	s6 =	simm.s32 $0x6;
	v18 =	vshll.u32 v15, $0x7  }
0xe0: {  	v0 =	vor.u32 v14, v18;
	v5 =	vmov s6  }
0xe1: {  	v26 =	vand.u32 $0x78, v5;
	v5 =	vshll.u32 v5, $0x7;
	v19 =	vld.idx.msk [tilespmem:v19+s14+$0x0], $0xffff;
	[tilespmem:$0x1FD70] =	vst v0  }
0xe2: {  	s26 =	simm.s32 $0x0;
	v20 =	vor.u32 v40, v5;
	[tilespmem:v1+s18+$0x0] =	vst.idx.msk $0xffff, v3  }
0xe3: {  	s13 =	simm.s32 $0x5;
	v2 =	vmov s26;
	v45 =	vor.u32 v40, v16;
	[tilespmem:v17+s18+$0x0] =	vst.idx.msk $0xffff, v7  }
0xe4: {  	v21 =	vor.u32 v40, v18;
	v4 =	vmov s13;
	v2 =	vshll.u32 v2, $0x7;
	v0 =	vld [tilespmem:$0x1FF20]  }
0xe5: {  	v27 =	vand.u32 $0x78, v15;
	v15 =	vshll.u32 v4, $0x7;
	v44 =	vor.u32 v40, v2  }
0xe6: {  	v6 =	vor.u32 v40, v15;
	v40 =	vadd.s32 v55, v62  }
0xe7: {  	v20 =	vld.idx.msk [tilespmem:v20+s14+$0x0], $0xffff  }
0xe8: {  	v23 =	vand.u32 $0x78, v4;
	v45 =	vld.idx.msk [tilespmem:v45+s14+$0x0], $0xffff  }
0xe9: {  	v3 =	vld.idx.msk [tilespmem:v21+s14+$0x0], $0xffff;
	v17 =	vadd.s32 v0, v23;
	v0 =	vor.u32 v14, v15  }
0xea: {  	v7 =	vld.idx.msk [tilespmem:v44+s14+$0x0], $0xffff;
	[tilespmem:$0x1FD80] =	vst v0  }
0xeb: {  	v52 =	vadd.s32 v42, v26;
	[tilespmem:v40+s18+$0x0] =	vst.idx.msk $0xffff, v19  }
0xec: {  	v0 =	vld [tilespmem:$0x1FE30];
	_ =	sdelay $0x1  }
0xed: {  	v53 =	vadd.s32 v33, v61  }
0xee: {  	v57 =	vadd.s32 v63, v27  }
0xef: {  	v4 =	vadd.s32 s26, v37;
	v9 =	vor.u32 v10, v8;
	[tilespmem:v52+s18+$0x0] =	vst.idx.msk $0xffff, v20  }
0xf0: {  	v19 =	vadd.s32 v0, v60;
	v0 =	vld [tilespmem:$0x1FE50];
	_ =	sdelay $0x1  }
0xf1: {  	v51 =	vor.u32 v10, v11;
	[tilespmem:v53+s18+$0x0] =	vst.idx.msk $0xffff, v45  }
0xf2: {  	v55 =	vor.u32 v10, v58;
	[tilespmem:v57+s18+$0x0] =	vst.idx.msk $0xffff, v3  }
0xf3: {  	v40 =	vld.idx.msk [tilespmem:v9+s14+$0x0], $0xffff;
	[tilespmem:v4+s18+$0x0] =	vst.idx.msk $0xffff, v7  }
0xf4: {  	v1 =	vor.u32 v10, v5;
	v20 =	vadd.s32 v0, v13;
	v0 =	vld [tilespmem:$0x1FEF0];
	_ =	sdelay $0x1  }
0xf5: {  	v51 =	vld.idx.msk [tilespmem:v51+s14+$0x0], $0xffff  }
0xf6: {  	v45 =	vadd.s32 v59, v62;
	v53 =	vld.idx.msk [tilespmem:v55+s14+$0x0], $0xffff;
	_ =	sdelay $0x1  }
0xf7: {  	v1 =	vld.idx.msk [tilespmem:v1+s14+$0x0], $0xffff;
	[tilespmem:v19+s18+$0x0] =	vst.idx.msk $0xffff, v40;
	v63 =	vadd.s32 v0, v61;
	v0 =	vor.u32 v14, v5  }
0xf8: {  	v55 =	vld.idx.msk [tilespmem:v6+s14+$0x0], $0xffff;
	[tilespmem:$0x1FD90] =	vst v0  }
0xf9: {  	[tilespmem:v20+s18+$0x0] =	vst.idx.msk $0xffff, v51  }
0xfa: {  	v52 =	vadd.s32 v43, v26;
	[tilespmem:v45+s18+$0x0] =	vst.idx.msk $0xffff, v53  }
0xfb: {  	v0 =	vld [tilespmem:$0x1FF30];
	_ =	sdelay $0x3  }
0xfc: {  	[tilespmem:v52+s18+$0x0] =	vst.idx.msk $0xffff, v1  }
0xfd: {  	v3 =	vadd.s32 v0, v23;
	v0 =	vld [tilespmem:$0x1FE80];
	_ =	sdelay $0x4  }
0xfe: {  	v7 =	vadd.s32 v0, v60;
	v0 =	vld [tilespmem:$0x1FF00];
	_ =	sdelay $0x4  }
0xff: {  	v57 =	vadd.s32 v0, v61;
	v0 =	vld [tilespmem:$0x1FE60];
	_ =	sdelay $0x2  }
0x100: {  	v21 =	vor.u32 v10, v16  }
0x101: {  	v22 =	vor.u32 v10, v18;
	[tilespmem:v17+s18+$0x0] =	vst.idx.msk $0xffff, v55  }
0x102: {  	v44 =	vadd.s32 v0, v13;
	v0 =	vld [tilespmem:$0x1FE40]  }
0x103: {  	v56 =	vor.u32 v10, v2  }
0x104: {  	v46 =	vor.u32 v12, v8  }
0x105: {  	v9 =	vor.u32 v12, v5;
	v21 =	vld.idx.msk [tilespmem:v21+s14+$0x0], $0xffff  }
0x106: {  	v28 =	vadd.s32 v41, v27;
	v50 =	vor.u32 v12, v2;
	v24 =	vor.u32 v14, v2;
	v2 =	vld.idx.msk [tilespmem:v22+s14+$0x0], $0xffff  }
0x107: {  	v0 =	vadd.s32 s26, v0  }
0x108: {  	v19 =	vld.idx.msk [tilespmem:v56+s14+$0x0], $0xffff;
	[tilespmem:$0x1FDA0] =	vst v0  }
0x109: {  	v5 =	vld.idx.msk [tilespmem:v46+s14+$0x0], $0xffff  }
0x10a: {  	[tilespmem:v63+s18+$0x0] =	vst.idx.msk $0xffff, v21;
	v17 =	vld.idx.msk [tilespmem:v9+s14+$0x0], $0xffff  }
0x10b: {  	v40 =	vmov v41;
	v41 =	vld [tilespmem:$0x1FFD0];
	[tilespmem:v28+s18+$0x0] =	vst.idx.msk $0xffff, v2  }
0x10c: {  	v25 =	vadd.s32 v39, v26;
	v4 =	vor.u32 v12, v16;
	v20 =	vor.u32 v12, v58;
	v28 =	vld [tilespmem:$0x1FEC0]  }
0x10d: {  	v45 =	vor.u32 v10, v15;
	v51 =	vor.u32 v14, v16;
	v16 =	vadd.s32 v31, v26;
	v26 =	vld [tilespmem:$0x1FE90]  }
0x10e: {  	v29 =	vor.u32 v12, v11;
	v46 =	vmov v23;
	v9 =	vadd.s32 v54, v23;
	v23 =	vld [tilespmem:$0x1FED0]  }
0x10f: {  	v2 =	vld [tilespmem:$0x1FFC0]  }
0x110: {  	v48 =	vadd.s32 s26, v38;
	v8 =	vor.u32 v14, v8  }
0x111: {  	v30 =	vadd.s32 v34, v13;
	v6 =	vor.u32 v12, v18;
	v53 =	vor.u32 v14, v11;
	v20 =	vld.idx.msk [tilespmem:v20+s14+$0x0], $0xffff  }
0x112: {  	v15 =	vor.u32 v12, v15;
	v52 =	vadd.s32 s26, v36;
	v45 =	vld.idx.msk [tilespmem:v45+s14+$0x0], $0xffff;
	v63 =	vor.u32 v14, v58  }
0x113: {  	v1 =	vld.idx.msk [tilespmem:v29+s14+$0x0], $0xffff;
	v29 =	vlaneseq.u32;
	v59 =	vadd.s32 v41, v27;
	v21 =	vadd.s32 v28, v62  }
0x114: {  	v43 =	vmovc v42;
	s26 =	simm.s32 $0x8;
	v11 =	vadd.s32 v26, v60;
	v13 =	vadd.s32 v23, v62;
	v18 =	vadd.s32 v2, v27;
	v27 =	vld [tilespmem:$0x1FF10]  }
.LBB2_4:
0x115: {  	_ =	sdelay $0x2  }
0x116: {  	s1 =	sadd.s32 $0x5, s26;
	v4 =	vld.idx.msk [tilespmem:v4+s14+$0x0], $0xffff  }
0x117: {  	v47 =	vmov s1;
	[tilespmem:v48+s18+$0x0] =	vst.idx.msk $0xffff, v19  }
0x118: {  	v0 =	vmov v30;
	v54 =	vld.idx.msk [tilespmem:v50+s14+$0x0], $0xffff;
	v50 =	vshll.u32 v47, $0x7  }
0x119: {  	v55 =	vld.idx.msk [tilespmem:v6+s14+$0x0], $0xffff;
	[tilespmem:$0x1FD00] =	vst v0;
	v0 =	vor.u32 v29, v50  }
0x11a: {  	[tilespmem:$0x1FD20] =	vst v0;
	v0 =	vld [tilespmem:$0x1FD90]  }
0x11b: {  	[tilespmem:v57+s18+$0x0] =	vst.idx.msk $0xffff, v4  }
0x11c: {  	v4 =	vld.idx.msk [tilespmem:v51+s14+$0x0], $0xffff  }
0x11d: {  	[tilespmem:v3+s18+$0x0] =	vst.idx.msk $0xffff, v45;
	v51 =	vld [tilespmem:$0x1FF20]  }
0x11e: {  	v15 =	vld.idx.msk [tilespmem:v15+s14+$0x0], $0xffff  }
0x11f: {  	[tilespmem:v18+s18+$0x0] =	vst.idx.msk $0xffff, v55;
	v57 =	vld [tilespmem:$0x1FD80]  }
0x120: {  	v55 =	vld [tilespmem:$0x1FEA0];
	[tilespmem:v52+s18+$0x0] =	vst.idx.msk $0xffff, v54  }
0x121: {  	v30 =	vand.u32 $0x78, v47;
	[tilespmem:v16+s18+$0x0] =	vst.idx.msk $0xffff, v17;
	v54 =	vld.idx.msk [tilespmem:v24+s14+$0x0], $0xffff  }
0x122: {  	s29 =	sadd.s32 $0x1, s26;
	v24 =	vadd.s32 v51, v30;
	v52 =	vld.idx.msk [tilespmem:v0+s14+$0x0], $0xffff  }
0x123: {  	v2 =	vmov s26;
	s28 =	smov.u32 s26;
	v60 =	vmov s29;
	[tilespmem:$0x1FD50] =	vst v24;
	v24 =	vld [tilespmem:$0x1FFA0]  }
0x124: {  	s22 =	sadd.s32 $0x7, s26;
	s31 =	sadd.s32 $0x3, s28;
	v62 =	vshll.u32 v60, $0x7;
	[tilespmem:v21+s18+$0x0] =	vst.idx.msk $0xffff, v20;
	v20 =	vshll.u32 v2, $0x7  }
0x125: {  	v2 =	vmov s22;
	[tilespmem:v7+s18+$0x0] =	vst.idx.msk $0xffff, v5;
	v5 =	vand.u32 $0x78, v60;
	v3 =	vmov s31  }
0x126: {  	v45 =	vshll.u32 v2, $0x7;
	v60 =	vand.u32 $0x78, v2;
	v2 =	vand.u32 $0x78, v3;
	[tilespmem:v9+s18+$0x0] =	vst.idx.msk $0xffff, v15  }
0x127: {  	[tilespmem:v25+s18+$0x0] =	vst.idx.msk $0xffff, v52;
	v52 =	vadd.s32 v55, v2;
	v55 =	vld.idx.msk [tilespmem:v57+s14+$0x0], $0xffff  }
0x128: {  	v57 =	vadd.s32 v24, v60;
	v24 =	vld [tilespmem:$0x1FDA0];
	_ =	sdelay $0x1  }
0x129: {  	[tilespmem:v44+s18+$0x0] =	vst.idx.msk $0xffff, v1;
	v1 =	vshll.u32 v3, $0x7;
	v3 =	vld [tilespmem:$0x1FD70];
	_ =	sdelay $0x1  }
0x12a: {  	v21 =	vor.u32 v29, v62;
	v7 =	vld.idx.msk [tilespmem:v63+s14+$0x0], $0xffff  }
0x12b: {  	v8 =	vld.idx.msk [tilespmem:v8+s14+$0x0], $0xffff  }
0x12c: {  	v22 =	vadd.s32 v27, v61  }
0x12d: {  	s30 =	sadd.s32 $0x2, s26;
	[tilespmem:$0x1FD10] =	vst v22  }
0x12e: {  	v49 =	vmov s30;
	[tilespmem:v24+s18+$0x0] =	vst.idx.msk $0xffff, v54;
	v24 =	vld [tilespmem:$0x1FD00]  }
0x12f: {  	v6 =	vshll.u32 v49, $0x7;
	[tilespmem:v13+s18+$0x0] =	vst.idx.msk $0xffff, v7;
	v7 =	vld.idx.msk [tilespmem:v21+s14+$0x0], $0xffff  }
0x130: {  	v22 =	vor.u32 v29, v6;
	[tilespmem:v11+s18+$0x0] =	vst.idx.msk $0xffff, v8;
	v8 =	vld.idx.msk [tilespmem:v3+s14+$0x0], $0xffff  }
0x131: {  	v18 =	vor.u32 v29, v1;
	v21 =	vld.idx.msk [tilespmem:v53+s14+$0x0], $0xffff  }
0x132: {  	s0 =	sadd.s32 $0x4, s26;
	v13 =	vadd.s32 v32, v5  }
0x133: {  	v39 =	vmov s0  }
0x134: {  	v49 =	vand.u32 $0x78, v49;
	v19 =	vld [tilespmem:$0x1FF50];
	v63 =	vshll.u32 v39, $0x7  }
0x135: {  	v17 =	vor.u32 v29, v63;
	v15 =	vadd.s32 v35, v49;
	v22 =	vld.idx.msk [tilespmem:v22+s14+$0x0], $0xffff;
	[tilespmem:v59+s18+$0x0] =	vst.idx.msk $0xffff, v8  }
0x136: {  	v8 =	vld.idx.msk [tilespmem:v18+s14+$0x0], $0xffff;
	[tilespmem:v24+s18+$0x0] =	vst.idx.msk $0xffff, v21  }
0x137: {  	v53 =	vor.u32 v10, v6;
	[tilespmem:v13+s18+$0x0] =	vst.idx.msk $0xffff, v7;
	v7 =	vld [tilespmem:$0x1FD20]  }
0x138: {  	v0 =	vadd.s32 s28, v37  }
0x139: {  	v16 =	vor.u32 v29, v20;
	[tilespmem:$0x1FD40] =	vst v0  }
0x13a: {  	s13 =	sadd.s32 $0x6, s26;
	v17 =	vld.idx.msk [tilespmem:v17+s14+$0x0], $0xffff;
	[tilespmem:v15+s18+$0x0] =	vst.idx.msk $0xffff, v22  }
0x13b: {  	v42 =	vmov s13;
	v19 =	vadd.s32 v19, v46;
	[tilespmem:v52+s18+$0x0] =	vst.idx.msk $0xffff, v8;
	v8 =	vld [tilespmem:$0x1FD40]  }
0x13c: {  	v48 =	vshll.u32 v42, $0x7;
	[tilespmem:$0x1FD30] =	vst v19;
	v19 =	vor.u32 v29, v45;
	v53 =	vld.idx.msk [tilespmem:v53+s14+$0x0], $0xffff  }
0x13d: {  	v44 =	vor.u32 v29, v48;
	v24 =	vld [tilespmem:$0x1FD10]  }
0x13e: {  	v16 =	vld.idx.msk [tilespmem:v16+s14+$0x0], $0xffff  }
0x13f: {  	v18 =	vor.u32 v10, v1;
	v47 =	vld.idx.msk [tilespmem:v7+s14+$0x0], $0xffff  }
0x140: {  	v7 =	vld [tilespmem:$0x1FEB0]  }
0x141: {  	v3 =	vor.u32 v14, v45;
	v19 =	vld.idx.msk [tilespmem:v19+s14+$0x0], $0xffff  }
0x142: {  	v56 =	vor.u32 v10, v62;
	[tilespmem:$0x1FD70] =	vst v3;
	v15 =	vor.u32 v12, v6;
	v44 =	vld.idx.msk [tilespmem:v44+s14+$0x0], $0xffff  }
0x143: {  	v61 =	vand.u32 $0x78, v39;
	v59 =	vor.u32 v14, v50;
	[tilespmem:v8+s18+$0x0] =	vst.idx.msk $0xffff, v16;
	v8 =	vor.u32 v14, v6;
	v6 =	vld [tilespmem:$0x1FF00]  }
0x144: {  	v9 =	vor.u32 v10, v63;
	v3 =	vadd.s32 v33, v61;
	[tilespmem:$0x1FD80] =	vst v59;
	v18 =	vld.idx.msk [tilespmem:v18+s14+$0x0], $0xffff  }
0x145: {  	[tilespmem:v24+s18+$0x0] =	vst.idx.msk $0xffff, v4;
	v4 =	vld [tilespmem:$0x1FEF0];
	v59 =	vadd.s32 v7, v2;
	v7 =	vor.u32 v14, v48  }
0x146: {  	v21 =	vor.u32 v12, v62;
	[tilespmem:$0x1FD90] =	vst v7;
	v7 =	vld [tilespmem:$0x1FD30]  }
0x147: {  	v58 =	vand.u32 $0x78, v42;
	v31 =	vor.u32 v12, v20;
	[tilespmem:$0x1FD60] =	vst v21;
	v21 =	vld [tilespmem:$0x1FE30]  }
0x148: {  	v51 =	vor.u32 v10, v45;
	v54 =	vadd.s32 v43, v58;
	v25 =	vadd.s32 v6, v61;
	v6 =	vld [tilespmem:$0x1FE60]  }
0x149: {  	v11 =	vor.u32 v10, v20;
	v24 =	vor.u32 v14, v20;
	v20 =	vld.idx.msk [tilespmem:v56+s14+$0x0], $0xffff;
	[tilespmem:v3+s18+$0x0] =	vst.idx.msk $0xffff, v17  }
0x14a: {  	v46 =	vor.u32 v10, v48;
	v56 =	vld.idx.msk [tilespmem:v9+s14+$0x0], $0xffff  }
0x14b: {  	v22 =	vadd.s32 v4, v61;
	v4 =	vld [tilespmem:$0x1FE50]  }
0x14c: {  	[tilespmem:v57+s18+$0x0] =	vst.idx.msk $0xffff, v19;
	v9 =	vld [tilespmem:$0x1FF80]  }
0x14d: {  	v57 =	vld.idx.msk [tilespmem:v51+s14+$0x0], $0xffff;
	[tilespmem:v54+s18+$0x0] =	vst.idx.msk $0xffff, v44  }
0x14e: {  	v52 =	vadd.s32 v40, v60;
	[tilespmem:v7+s18+$0x0] =	vst.idx.msk $0xffff, v55;
	v7 =	vld [tilespmem:$0x1FF70]  }
0x14f: {  	v21 =	vadd.s32 v21, v49;
	v17 =	vld.idx.msk [tilespmem:v46+s14+$0x0], $0xffff  }
0x150: {  	v42 =	vadd.s32 v34, v5;
	v44 =	vadd.s32 v6, v5;
	v13 =	vadd.s32 v4, v5;
	v5 =	vld [tilespmem:$0x1FE40]  }
0x151: {  	v51 =	vor.u32 v14, v63;
	v16 =	vadd.s32 v9, v58;
	v9 =	vld [tilespmem:$0x1FD50]  }
0x152: {  	v46 =	vor.u32 v12, v1;
	v4 =	vor.u32 v12, v63;
	v63 =	vor.u32 v14, v1;
	v1 =	vld [tilespmem:$0x1FD60]  }
0x153: {  	[tilespmem:v52+s18+$0x0] =	vst.idx.msk $0xffff, v57;
	v19 =	vld.idx.msk [tilespmem:v11+s14+$0x0], $0xffff;
	v54 =	vadd.s32 v7, v58  }
0x154: {  	v3 =	vld [tilespmem:$0x1FF30];
	[tilespmem:v21+s18+$0x0] =	vst.idx.msk $0xffff, v53  }
0x155: {  	v21 =	vadd.s32 v28, v2;
	v5 =	vadd.s32 s28, v5;
	[tilespmem:v13+s18+$0x0] =	vst.idx.msk $0xffff, v20;
	v13 =	vadd.s32 v23, v2;
	v2 =	vld [tilespmem:$0x1FFC0]  }
0x156: {  	v55 =	vor.u32 v10, v50;
	[tilespmem:$0x1FDA0] =	vst v5;
	v5 =	vld [tilespmem:$0x1FF90]  }
0x157: {  	v0 =	vadd.s32 s28, v36;
	[tilespmem:v59+s18+$0x0] =	vst.idx.msk $0xffff, v18;
	v7 =	vld [tilespmem:$0x1FE80]  }
0x158: {  	p0 =	slt.u32 s26, $0x78;
	v39 =	vadd.s32 s28, v38;
	v52 =	vmov v0;
	v48 =	vor.u32 v12, v48;
	[tilespmem:v54+s18+$0x0] =	vst.idx.msk $0xffff, v17;
	v54 =	vld [tilespmem:$0x1FF40]  }
.Ltmp3:
0x159: {  	v11 =	vadd.s32 v26, v49;
	v6 =	vor.u32 v12, v45;
	[tilespmem:v22+s18+$0x0] =	vst.idx.msk $0xffff, v56;
	v20 =	vld.idx.msk [tilespmem:v46+s14+$0x0], $0xffff;
	(pc) =	sbr.rel @p0 .LBB2_4-.Ltmp3, $4  }
0x15a: {  	v53 =	vor.u32 v14, v62;
	v3 =	vadd.s32 v3, v30;
	[tilespmem:v9+s18+$0x0] =	vst.idx.msk $0xffff, v47;
	v1 =	vld.idx.msk [tilespmem:v1+s14+$0x0], $0xffff  }
0x15b: {  	v57 =	vmovc v25;
	v59 =	vadd.s32 v41, v60;
	v46 =	vmov v30;
	v45 =	vld.idx.msk [tilespmem:v55+s14+$0x0], $0xffff;
	v18 =	vadd.s32 v2, v60  }
0x15c: {  	v30 =	vmovc v42;
	v62 =	vadd.s32 v5, v58;
	v5 =	vld.idx.msk [tilespmem:v15+s14+$0x0], $0xffff;
	v15 =	vor.u32 v12, v50;
	v50 =	vmov v31  }
0x15d: {  	s26 =	sadd.s32 $0x8, s26;
	v25 =	vmovc v62;
	v7 =	vadd.s32 v7, v49;
	v17 =	vld.idx.msk [tilespmem:v48+s14+$0x0], $0xffff;
	v48 =	vmov v39;
	v9 =	vadd.s32 v54, v46  }
0x15e: {  	_ =	sdelay $0x3  }
0x15f: {  	[tilespmem:v48+s18+$0x0] =	vst.idx.msk $0xffff, v19  }
0x160: {  	[tilespmem:v21+s18+$0x0] =	vst.idx.msk $0xffff, v20;
	v2 =	vld.idx.msk [tilespmem:v50+s14+$0x0], $0xffff  }
0x161: {  	[tilespmem:v44+s18+$0x0] =	vst.idx.msk $0xffff, v1  }
0x162: {  	[tilespmem:v3+s18+$0x0] =	vst.idx.msk $0xffff, v45  }
0x163: {  	v6 =	vld.idx.msk [tilespmem:v6+s14+$0x0], $0xffff;
	[tilespmem:v7+s18+$0x0] =	vst.idx.msk $0xffff, v5  }
0x164: {  	v5 =	vld.idx.msk [tilespmem:v8+s14+$0x0], $0xffff;
	[tilespmem:v16+s18+$0x0] =	vst.idx.msk $0xffff, v17  }
0x165: {  	[tilespmem:v52+s18+$0x0] =	vst.idx.msk $0xffff, v2  }
0x166: {  	v0 =	vld [tilespmem:$0x1FD90];
	_ =	sdelay $0x1  }
0x167: {  	[tilespmem:v18+s18+$0x0] =	vst.idx.msk $0xffff, v6  }
0x168: {  	[tilespmem:v11+s18+$0x0] =	vst.idx.msk $0xffff, v5  }
0x169: {  	v49 =	vld [tilespmem:$0x1FD70]  }
0x16a: {  	v43 =	vld.idx.msk [tilespmem:v63+s14+$0x0], $0xffff  }
0x16b: {  	v45 =	vld.idx.msk [tilespmem:v4+s14+$0x0], $0xffff  }
0x16c: {  	v47 =	vld.idx.msk [tilespmem:v15+s14+$0x0], $0xffff  }
0x16d: {  	v48 =	vld.idx.msk [tilespmem:v0+s14+$0x0], $0xffff;
	_ =	sdelay $0x1  }
0x16e: {  	[tilespmem:v13+s18+$0x0] =	vst.idx.msk $0xffff, v43  }
0x16f: {  	[tilespmem:v57+s18+$0x0] =	vst.idx.msk $0xffff, v45  }
0x170: {  	[tilespmem:v9+s18+$0x0] =	vst.idx.msk $0xffff, v47;
	v50 =	vld.idx.msk [tilespmem:v49+s14+$0x0], $0xffff  }
0x171: {  	v58 =	vld [tilespmem:$0x1FF50];
	[tilespmem:v25+s18+$0x0] =	vst.idx.msk $0xffff, v48  }
0x172: {  	v56 =	vadd.s32 v27, v61;
	v61 =	vld [tilespmem:$0x1FD80];
	_ =	sdelay $0x2  }
0x173: {  	[tilespmem:v59+s18+$0x0] =	vst.idx.msk $0xffff, v50  }
0x174: {  	v63 =	vld [tilespmem:$0x1FDA0]  }
0x175: {  	v55 =	vld.idx.msk [tilespmem:v53+s14+$0x0], $0xffff  }
0x176: {  	v57 =	vld.idx.msk [tilespmem:v51+s14+$0x0], $0xffff  }
0x177: {  	v52 =	vld.idx.msk [tilespmem:v24+s14+$0x0], $0xffff  }
0x178: {  	v60 =	vadd.s32 v58, v46;
	v62 =	vld.idx.msk [tilespmem:v61+s14+$0x0], $0xffff;
	_ =	sdelay $0x1  }
0x179: {  	[tilespmem:v30+s18+$0x0] =	vst.idx.msk $0xffff, v55  }
0x17a: {  	[tilespmem:v56+s18+$0x0] =	vst.idx.msk $0xffff, v57  }
0x17b: {  	[tilespmem:v63+s18+$0x0] =	vst.idx.msk $0xffff, v52  }
0x17c: {  	s0 =	simm.s32 $0x14800;
	[tilespmem:v60+s18+$0x0] =	vst.idx.msk $0xffff, v62  }
0x17d: {  	[hbm4b:s5+s3] =	stream.linear.scatter [tilespmem:s0], [sflag:$0x3], $0x80, $0x38;
	[tilespmem:$0x18C00] =	vst v63  }
0x17e: {  	s26 =	simm.s32 $0x14888;
	s1 =	sadd.s32 $0x10, s5  }
0x17f: {  	[hbm4b:s1+s3] =	stream.linear.scatter [tilespmem:s26], [sflag:$0x3], $0x80, $0x38;
	[tilespmem:$0x18C00] =	vst v63  }
0x180: {  	s30 =	simm.s32 $0x14910;
	s31 =	sadd.s32 $0x20, s5;
	s6 =	sadd.s32 $0x30, s5  }
0x181: {  	[hbm4b:s31+s3] =	stream.linear.scatter [tilespmem:s30], [sflag:$0x3], $0x80, $0x38;
	[tilespmem:$0x18C00] =	vst v63  }
0x182: {  	s13 =	simm.s32 $0x14A20;
	s15 =	sadd.s32 $0x40, s5;
	s1 =	simm.s32 $0x14998  }
0x183: {  	[hbm4b:s6+s3] =	stream.linear.scatter [tilespmem:s1], [sflag:$0x3], $0x80, $0x38;
	[tilespmem:$0x18C00] =	vst v63  }
0x184: {  	s22 =	simm.s32 $0x14AA8;
	s29 =	simm.s32 $0x14BB8;
	s28 =	sadd.s32 $0x1000, s5  }
0x185: {  	[hbm4b:s15+s3] =	stream.linear.scatter [tilespmem:s13], [sflag:$0x3], $0x80, $0x38;
	[tilespmem:$0x18C00] =	vst v63  }
0x186: {  	s0 =	sadd.s32 $0x70, s5;
	s26 =	sadd.s32 $0x50, s5;
	s30 =	simm.s32 $0x14B30  }
0x187: {  	[hbm4b:s26+s3] =	stream.linear.scatter [tilespmem:s22], [sflag:$0x3], $0x80, $0x38;
	[tilespmem:$0x18C00] =	vst v63  }
0x188: {  	s31 =	sadd.s32 $0x60, s5;
	s1 =	simm.s32 $0x2200;
	s26 =	simm.s32 $0x440  }
0x189: {  	[hbm4b:s31+s3] =	stream.linear.scatter [tilespmem:s30], [sflag:$0x3], $0x80, $0x38;
	[tilespmem:$0x18C00] =	vst v63  }
.LBB2_6:
0x18a: {  	[hbm4b:s0+s3] =	stream.linear.scatter [tilespmem:s29], [sflag:$0x3], $0x80, $0x38;
	[tilespmem:$0x18C00] =	vst v63  }
0x18b: {  	s0 =	smov.u32 s26;
	s13 =	smov.u32 s1  }
0x18c: {  	s26 =	sshra.s32 s13, $0x2;
	s13 =	sadd.s32 $0x1100, s1;
	s29 =	sadd.s32 $0x14800, s0  }
0x18d: {  	[hbm4b:s28+s3] =	stream.linear.scatter [tilespmem:s29], [sflag:$0x3], $0x80, $0x38;
	[tilespmem:$0x18C00] =	vst v63  }
0x18e: {  	p0 =	sne.s32 s1, $0x7700;
	s1 =	sadd.s32 $0x14888, s0;
	s29 =	sadd.s32 $0x10, s28  }
0x18f: {  	[hbm4b:s29+s3] =	stream.linear.scatter [tilespmem:s1], [sflag:$0x3], $0x80, $0x38;
	[tilespmem:$0x18C00] =	vst v63  }
0x190: {  	s1 =	sadd.s32 $0x14910, s0;
	s29 =	sadd.s32 $0x20, s28  }
0x191: {  	[hbm4b:s29+s3] =	stream.linear.scatter [tilespmem:s1], [sflag:$0x3], $0x80, $0x38;
	[tilespmem:$0x18C00] =	vst v63  }
0x192: {  	s1 =	sadd.s32 $0x14998, s0;
	s29 =	sadd.s32 $0x30, s28  }
0x193: {  	[hbm4b:s29+s3] =	stream.linear.scatter [tilespmem:s1], [sflag:$0x3], $0x80, $0x38;
	[tilespmem:$0x18C00] =	vst v63  }
0x194: {  	s1 =	sadd.s32 $0x14A20, s0;
	s29 =	sadd.s32 $0x40, s28  }
0x195: {  	[hbm4b:s29+s3] =	stream.linear.scatter [tilespmem:s1], [sflag:$0x3], $0x80, $0x38;
	[tilespmem:$0x18C00] =	vst v63  }
0x196: {  	s1 =	sadd.s32 $0x14AA8, s0;
	s29 =	sadd.s32 $0x50, s28  }
0x197: {  	[hbm4b:s29+s3] =	stream.linear.scatter [tilespmem:s1], [sflag:$0x3], $0x80, $0x38;
	[tilespmem:$0x18C00] =	vst v63  }
.Ltmp4:
0x198: {  	_ = 	snop;
	(pc) =	sbr.rel @p0 .LBB2_6-.Ltmp4, $4  }
0x199: {  	s1 =	sadd.s32 $0x14B30, s0;
	s29 =	sadd.s32 $0x60, s28  }
0x19a: {  	[hbm4b:s29+s3] =	stream.linear.scatter [tilespmem:s1], [sflag:$0x3], $0x80, $0x38;
	[tilespmem:$0x18C00] =	vst v63  }
0x19b: {  	s29 =	sadd.s32 $0x14BB8, s0  }
0x19c: {  	s0 =	sadd.s32 $0x70, s28;
	s28 =	sadd.s32 $0x1000, s28;
	s1 =	smov.u32 s13  }
0x19d: {  	[hbm4b:s0+s3] =	stream.linear.scatter [tilespmem:s29], [sflag:$0x3], $0x80, $0x38;
	[tilespmem:$0x18C00] =	vst v63  }
0x19e: {  	s13 =	sadd.s32 $0x14800, s26  }
0x19f: {  	[hbm4b:s28+s3] =	stream.linear.scatter [tilespmem:s13], [sflag:$0x3], $0x80, $0x38;
	[tilespmem:$0x18C00] =	vst v63  }
0x1a0: {  	s15 =	sadd.s32 $0x14888, s26;
	s1 =	sadd.s32 $0x10, s28  }
0x1a1: {  	[hbm4b:s1+s3] =	stream.linear.scatter [tilespmem:s15], [sflag:$0x3], $0x80, $0x38;
	[tilespmem:$0x18C00] =	vst v63  }
0x1a2: {  	s22 =	sadd.s32 $0x14910, s26;
	s29 =	sadd.s32 $0x20, s28  }
0x1a3: {  	[hbm4b:s29+s3] =	stream.linear.scatter [tilespmem:s22], [sflag:$0x3], $0x80, $0x38;
	[tilespmem:$0x18C00] =	vst v63  }
0x1a4: {  	s30 =	sadd.s32 $0x14998, s26;
	s31 =	sadd.s32 $0x30, s28  }
0x1a5: {  	[hbm4b:s31+s3] =	stream.linear.scatter [tilespmem:s30], [sflag:$0x3], $0x80, $0x38;
	[tilespmem:$0x18C00] =	vst v63  }
0x1a6: {  	s6 =	sadd.s32 $0x40, s28;
	s1 =	sadd.s32 $0x14A20, s26  }
0x1a7: {  	[hbm4b:s6+s3] =	stream.linear.scatter [tilespmem:s1], [sflag:$0x3], $0x80, $0x38;
	[tilespmem:$0x18C00] =	vst v63  }
0x1a8: {  	s13 =	sadd.s32 $0x14AA8, s26;
	s15 =	sadd.s32 $0x50, s28;
	s22 =	sadd.s32 $0x14B30, s26  }
0x1a9: {  	[hbm4b:s15+s3] =	stream.linear.scatter [tilespmem:s13], [sflag:$0x3], $0x80, $0x38;
	[tilespmem:$0x18C00] =	vst v63  }
0x1aa: {  	s29 =	sadd.s32 $0x60, s28;
	s31 =	simm.s32 $0x6;
	s6 =	simm.s32 $0x1  }
0x1ab: {  	[hbm4b:s29+s3] =	stream.linear.scatter [tilespmem:s22], [sflag:$0x3], $0x80, $0x38;
	[tilespmem:$0x18C00] =	vst v63  }
0x1ac: {  	s15 =	simm.s32 $0x2;
	s22 =	sadd.s32 $0x14BB8, s26;
	s29 =	sadd.s32 $0x70, s28  }
0x1ad: {  	v29 =	vlaneseq.u32;
	v6 =	vmov s15;
	[hbm4b:s29+s3] =	stream.linear.scatter [tilespmem:s22], [sflag:$0x3], $0x80, $0x38;
	[tilespmem:$0x18C00] =	vst v63  }
0x1ae: {  	v4 =	vmov s31;
	s31 =	simm.s32 $0x3;
	v5 =	vmov s6;
	v8 =	vshll.u32 v6, $0x7  }
0x1af: {  	v17 =	vmov s31;
	v11 =	vshll.u32 v5, $0x7;
	v13 =	vor.u32 v29, v8;
	[tilespmem:s14], [sflag:$0x1] =	stream.indirect.gather [hbm4b:s4+s12], $0x80, s19, s12, $0xb8;
	[tilespmem:$0x18C00] =	vst v63  }
0x1b0: {  	v58 =	vshll.u32 v17, $0x7;
	v7 =	vor.u32 v29, v11;
	_ =	swait.ge [sflag:s20], $0x4000  }
0x1b1: {  	v42 =	vand.u32 $0x78, v4;
	v18 =	vshll.u32 v4, $0x7;
	v4 =	vor.u32 v29, v58;
	v0 =	vld [tilespmem:$0x1FEA0]  }
0x1b2: {  	s30 =	simm.s32 $0x4;
	[sflag:s20] =	ssyncset.done $0x0  }
0x1b3: {  	v2 =	vmov s30;
	s30 =	simm.s32 $0x7;
	[sflag:s20] =	ssyncadd.s32 $0xFFFFC000  }
0x1b4: {  	v15 =	vmov s30;
	v13 =	vld.idx.msk [tilespmem:v13+s16+$0x0], $0xffff  }
0x1b5: {  	v20 =	vshll.u32 v15, $0x7;
	v62 =	vand.u32 $0x78, v17;
	v7 =	vld.idx.msk [tilespmem:v7+s16+$0x0], $0xffff  }
0x1b6: {  	v4 =	vld.idx.msk [tilespmem:v4+s16+$0x0], $0xffff;
	v50 =	vadd.s32 v0, v62;
	v0 =	vor.u32 v14, v20  }
0x1b7: {  	[tilespmem:$0x1FCB0] =	vst v0;
	v0 =	vld [tilespmem:$0x1FF60];
	_ =	sdelay $0x4  }
0x1b8: {  	v52 =	vadd.s32 v0, v42;
	v0 =	vld [tilespmem:$0x1FEE0];
	_ =	sdelay $0x1  }
0x1b9: {  	v16 =	vshll.u32 v2, $0x7;
	v60 =	vand.u32 $0x78, v6  }
0x1ba: {  	v61 =	vand.u32 $0x78, v2;
	v5 =	vand.u32 $0x78, v5;
	v2 =	vadd.s32 v35, v60  }
0x1bb: {  	v17 =	vadd.s32 v32, v5  }
0x1bc: {  	v53 =	vadd.s32 v0, v61;
	v0 =	vld [tilespmem:$0x1FFA0];
	_ =	sdelay $0x2  }
0x1bd: {  	s1 =	simm.s32 $0x0;
	v19 =	vor.u32 v29, v18;
	[tilespmem:v2+s21+$0x0] =	vst.idx.msk $0xffff, v13  }
0x1be: {  	v1 =	vmov s1;
	v48 =	vand.u32 $0x78, v15;
	v45 =	vor.u32 v29, v16;
	[tilespmem:v17+s21+$0x0] =	vst.idx.msk $0xffff, v7  }
0x1bf: {  	v1 =	vshll.u32 v1, $0x7;
	v21 =	vor.u32 v29, v20;
	v57 =	vadd.s32 v0, v48;
	v0 =	vld [tilespmem:$0x1FF20]  }
0x1c0: {  	v44 =	vor.u32 v29, v1  }
0x1c1: {  	s13 =	simm.s32 $0x5  }
0x1c2: {  	v3 =	vmov s13;
	v19 =	vld.idx.msk [tilespmem:v19+s16+$0x0], $0xffff  }
0x1c3: {  	v15 =	vshll.u32 v3, $0x7;
	v47 =	vand.u32 $0x78, v3;
	v45 =	vld.idx.msk [tilespmem:v45+s16+$0x0], $0xffff  }
0x1c4: {  	v13 =	vld.idx.msk [tilespmem:v21+s16+$0x0], $0xffff;
	v17 =	vadd.s32 v0, v47;
	v0 =	vor.u32 v14, v15  }
0x1c5: {  	v7 =	vld.idx.msk [tilespmem:v44+s16+$0x0], $0xffff;
	[tilespmem:$0x1FCC0] =	vst v0  }
0x1c6: {  	[tilespmem:v50+s21+$0x0] =	vst.idx.msk $0xffff, v4  }
0x1c7: {  	v0 =	vld [tilespmem:$0x1FE30];
	_ =	sdelay $0x3  }
0x1c8: {  	[tilespmem:v52+s21+$0x0] =	vst.idx.msk $0xffff, v19  }
0x1c9: {  	v39 =	vadd.s32 v0, v60;
	v0 =	vld [tilespmem:$0x1FE50];
	_ =	sdelay $0x3  }
0x1ca: {  	[tilespmem:v53+s21+$0x0] =	vst.idx.msk $0xffff, v45  }
0x1cb: {  	v19 =	vadd.s32 v0, v5;
	v0 =	vld [tilespmem:$0x1FEB0];
	_ =	sdelay $0x3  }
0x1cc: {  	v3 =	vadd.s32 s1, v37;
	v9 =	vor.u32 v10, v8;
	[tilespmem:v57+s21+$0x0] =	vst.idx.msk $0xffff, v13  }
0x1cd: {  	v45 =	vadd.s32 v0, v62;
	v0 =	vld [tilespmem:$0x1FF70];
	_ =	sdelay $0x1  }
0x1ce: {  	v51 =	vor.u32 v10, v11  }
0x1cf: {  	v6 =	vor.u32 v29, v15  }
0x1d0: {  	v2 =	vor.u32 v10, v18;
	v9 =	vld.idx.msk [tilespmem:v9+s16+$0x0], $0xffff;
	[tilespmem:v3+s21+$0x0] =	vst.idx.msk $0xffff, v7  }
0x1d1: {  	v55 =	vor.u32 v10, v58;
	v13 =	vadd.s32 v0, v42;
	v0 =	vld [tilespmem:$0x1FEF0];
	_ =	sdelay $0x1  }
0x1d2: {  	v51 =	vld.idx.msk [tilespmem:v51+s16+$0x0], $0xffff  }
0x1d3: {  	v63 =	vld.idx.msk [tilespmem:v6+s16+$0x0], $0xffff  }
0x1d4: {  	v2 =	vld.idx.msk [tilespmem:v2+s16+$0x0], $0xffff  }
0x1d5: {  	v53 =	vld.idx.msk [tilespmem:v55+s16+$0x0], $0xffff;
	[tilespmem:v39+s21+$0x0] =	vst.idx.msk $0xffff, v9;
	v22 =	vadd.s32 v0, v61;
	v0 =	vor.u32 v14, v1  }
0x1d6: {  	[tilespmem:$0x1FCD0] =	vst v0;
	v0 =	vld [tilespmem:$0x1FFB0];
	_ =	sdelay $0x2  }
0x1d7: {  	[tilespmem:v19+s21+$0x0] =	vst.idx.msk $0xffff, v51  }
0x1d8: {  	[tilespmem:v45+s21+$0x0] =	vst.idx.msk $0xffff, v53  }
0x1d9: {  	v50 =	vadd.s32 v0, v48;
	v0 =	vld [tilespmem:$0x1FF30];
	_ =	sdelay $0x3  }
0x1da: {  	[tilespmem:v13+s21+$0x0] =	vst.idx.msk $0xffff, v2  }
0x1db: {  	v3 =	vadd.s32 v0, v47;
	v0 =	vld [tilespmem:$0x1FE80];
	_ =	sdelay $0x4  }
0x1dc: {  	v21 =	vor.u32 v10, v16;
	v7 =	vadd.s32 v0, v60;
	v0 =	vld [tilespmem:$0x1FF00]  }
0x1dd: {  	v46 =	vor.u32 v10, v20;
	_ =	sdelay $0x3  }
0x1de: {  	v21 =	vld.idx.msk [tilespmem:v21+s16+$0x0], $0xffff;
	v0 =	vadd.s32 v0, v61  }
0x1df: {  	v9 =	vld.idx.msk [tilespmem:v46+s16+$0x0], $0xffff;
	[tilespmem:$0x1FCE0] =	vst v0  }
0x1e0: {  	v30 =	vld [tilespmem:$0x1FE60];
	[tilespmem:v17+s21+$0x0] =	vst.idx.msk $0xffff, v63  }
0x1e1: {  	v24 =	vld [tilespmem:$0x1FE40]  }
0x1e2: {  	v56 =	vor.u32 v10, v1  }
0x1e3: {  	v33 =	vor.u32 v12, v8;
	_ =	sdelay $0x2  }
0x1e4: {  	v0 =	vadd.s32 s1, v24  }
0x1e5: {  	v19 =	vld.idx.msk [tilespmem:v56+s16+$0x0], $0xffff;
	[tilespmem:$0x1FCF0] =	vst v0  }
0x1e6: {  	v25 =	vadd.s32 v34, v5;
	v44 =	vadd.s32 v30, v5;
	v5 =	vld.idx.msk [tilespmem:v33+s16+$0x0], $0xffff;
	[tilespmem:v22+s21+$0x0] =	vst.idx.msk $0xffff, v21  }
0x1e7: {  	v43 =	vor.u32 v12, v1;
	v1 =	vor.u32 v12, v58;
	v0 =	vld [tilespmem:$0x1FF90]  }
0x1e8: {  	v31 =	vor.u32 v14, v18;
	v18 =	vor.u32 v12, v18;
	v41 =	vld [tilespmem:$0x1FFD0]  }
0x1e9: {  	v45 =	vor.u32 v10, v15;
	v33 =	vld [tilespmem:$0x1FF80];
	[tilespmem:v50+s21+$0x0] =	vst.idx.msk $0xffff, v9  }
0x1ea: {  	v40 =	vadd.s32 s1, v36;
	v49 =	vor.u32 v12, v11;
	v8 =	vor.u32 v14, v8;
	v2 =	vld [tilespmem:$0x1FFC0]  }
0x1eb: {  	v4 =	vor.u32 v12, v16;
	v6 =	vor.u32 v12, v20;
	v39 =	vadd.s32 s1, v38  }
0x1ec: {  	v53 =	vor.u32 v14, v11;
	v15 =	vor.u32 v12, v15;
	v51 =	vor.u32 v14, v16;
	v20 =	vld.idx.msk [tilespmem:v1+s16+$0x0], $0xffff  }
0x1ed: {  	v11 =	vadd.s32 v26, v60;
	v13 =	vadd.s32 v23, v62;
	v63 =	vor.u32 v14, v58;
	v17 =	vld.idx.msk [tilespmem:v18+s16+$0x0], $0xffff  }
0x1ee: {  	v21 =	vadd.s32 v28, v62;
	v45 =	vld.idx.msk [tilespmem:v45+s16+$0x0], $0xffff;
	v9 =	vadd.s32 v54, v47;
	v56 =	vadd.s32 v0, v42  }
0x1ef: {  	s26 =	simm.s32 $0x8;
	v1 =	vld.idx.msk [tilespmem:v49+s16+$0x0], $0xffff;
	v59 =	vadd.s32 v41, v48;
	v16 =	vadd.s32 v33, v42;
	v18 =	vadd.s32 v2, v48  }
.LBB2_8:
0x1f0: {  	_ =	sdelay $0x2  }
0x1f1: {  	s29 =	sadd.s32 $0x1, s26;
	[tilespmem:v39+s21+$0x0] =	vst.idx.msk $0xffff, v19  }
0x1f2: {  	v2 =	vmov s26;
	s1 =	sadd.s32 $0x5, s26;
	s28 =	smov.u32 s26;
	v60 =	vmov s29;
	[tilespmem:v21+s21+$0x0] =	vst.idx.msk $0xffff, v20  }
0x1f3: {  	s22 =	sadd.s32 $0x7, s26;
	s31 =	sadd.s32 $0x3, s28;
	v62 =	vshll.u32 v60, $0x7;
	v39 =	vmov s1;
	v20 =	vshll.u32 v2, $0x7;
	[tilespmem:v7+s21+$0x0] =	vst.idx.msk $0xffff, v5  }
0x1f4: {  	v5 =	vand.u32 $0x78, v60;
	v2 =	vmov s22;
	[tilespmem:v3+s21+$0x0] =	vst.idx.msk $0xffff, v45;
	v3 =	vmov s31  }
0x1f5: {  	v45 =	vshll.u32 v2, $0x7;
	v60 =	vand.u32 $0x78, v2;
	v50 =	vshll.u32 v39, $0x7  }
0x1f6: {  	[tilespmem:v44+s21+$0x0] =	vst.idx.msk $0xffff, v1;
	v1 =	vshll.u32 v3, $0x7;
	v2 =	vand.u32 $0x78, v3;
	v3 =	vor.u32 v29, v50  }
0x1f7: {  	[tilespmem:$0x1FC60] =	vst v3;
	v3 =	vld [tilespmem:$0x1FCB0];
	_ =	sdelay $0x1  }
0x1f8: {  	v55 =	vld.idx.msk [tilespmem:v6+s16+$0x0], $0xffff  }
0x1f9: {  	v8 =	vld.idx.msk [tilespmem:v8+s16+$0x0], $0xffff;
	_ =	sdelay $0x1  }
0x1fa: {  	v19 =	vadd.s32 v27, v61  }
0x1fb: {  	[tilespmem:$0x1FC50] =	vst v19;
	v19 =	vld [tilespmem:$0x1FF50]  }
0x1fc: {  	[tilespmem:v18+s21+$0x0] =	vst.idx.msk $0xffff, v55;
	v55 =	vld [tilespmem:$0x1FF20]  }
0x1fd: {  	[tilespmem:v11+s21+$0x0] =	vst.idx.msk $0xffff, v8;
	v8 =	vld.idx.msk [tilespmem:v3+s16+$0x0], $0xffff;
	v3 =	vadd.s32 s28, v37  }
0x1fe: {  	[tilespmem:$0x1FC80] =	vst v3;
	v3 =	vld [tilespmem:$0x1FCD0];
	_ =	sdelay $0x1  }
0x1ff: {  	v54 =	vld.idx.msk [tilespmem:v43+s16+$0x0], $0xffff  }
0x200: {  	v22 =	vadd.s32 v19, v47;
	v47 =	vand.u32 $0x78, v39  }
0x201: {  	v19 =	vmov v25;
	v25 =	vadd.s32 v55, v47  }
0x202: {  	[tilespmem:$0x1FC90] =	vst v25;
	v25 =	vld [tilespmem:$0x1FCF0];
	_ =	sdelay $0x1  }
0x203: {  	[tilespmem:v40+s21+$0x0] =	vst.idx.msk $0xffff, v54  }
0x204: {  	v54 =	vld.idx.msk [tilespmem:v3+s16+$0x0], $0xffff  }
0x205: {  	v21 =	vor.u32 v29, v62;
	v7 =	vld.idx.msk [tilespmem:v63+s16+$0x0], $0xffff  }
0x206: {  	[tilespmem:v16+s21+$0x0] =	vst.idx.msk $0xffff, v17  }
0x207: {  	v52 =	vld.idx.msk [tilespmem:v31+s16+$0x0], $0xffff  }
0x208: {  	v43 =	vld [tilespmem:$0x1FCC0];
	[tilespmem:$0x1FC40] =	vst v19  }
0x209: {  	[tilespmem:v25+s21+$0x0] =	vst.idx.msk $0xffff, v54;
	v25 =	vld [tilespmem:$0x1FC40]  }
0x20a: {  	[tilespmem:v13+s21+$0x0] =	vst.idx.msk $0xffff, v7;
	v7 =	vld.idx.msk [tilespmem:v21+s16+$0x0], $0xffff  }
0x20b: {  	s13 =	sadd.s32 $0x6, s26;
	v21 =	vld.idx.msk [tilespmem:v53+s16+$0x0], $0xffff;
	v3 =	vor.u32 v14, v45  }
0x20c: {  	v48 =	vmov s13;
	[tilespmem:$0x1FCB0] =	vst v3;
	v3 =	vld [tilespmem:$0x1FCE0]  }
0x20d: {  	v58 =	vand.u32 $0x78, v48;
	v48 =	vshll.u32 v48, $0x7;
	v13 =	vadd.s32 v32, v5  }
0x20e: {  	s30 =	sadd.s32 $0x2, s26;
	v44 =	vor.u32 v29, v48;
	v15 =	vld.idx.msk [tilespmem:v15+s16+$0x0], $0xffff  }
0x20f: {  	v4 =	vld.idx.msk [tilespmem:v4+s16+$0x0], $0xffff;
	v49 =	vmov s30;
	[tilespmem:v56+s21+$0x0] =	vst.idx.msk $0xffff, v52  }
0x210: {  	v57 =	vld [tilespmem:$0x1FEA0];
	v6 =	vshll.u32 v49, $0x7;
	[tilespmem:$0x1FC70] =	vst v22  }
0x211: {  	s0 =	sadd.s32 $0x4, s26;
	v22 =	vor.u32 v29, v6;
	[tilespmem:v25+s21+$0x0] =	vst.idx.msk $0xffff, v21;
	v25 =	vld [tilespmem:$0x1FC50]  }
0x212: {  	v46 =	vmov s0;
	v18 =	vor.u32 v29, v1;
	[tilespmem:v13+s21+$0x0] =	vst.idx.msk $0xffff, v7;
	v7 =	vld [tilespmem:$0x1FC60]  }
0x213: {  	v63 =	vshll.u32 v46, $0x7;
	[tilespmem:v9+s21+$0x0] =	vst.idx.msk $0xffff, v15;
	v44 =	vld.idx.msk [tilespmem:v44+s16+$0x0], $0xffff  }
0x214: {  	v17 =	vor.u32 v29, v63;
	v55 =	vld.idx.msk [tilespmem:v43+s16+$0x0], $0xffff;
	[tilespmem:v3+s21+$0x0] =	vst.idx.msk $0xffff, v4  }
0x215: {  	v4 =	vld.idx.msk [tilespmem:v51+s16+$0x0], $0xffff  }
0x216: {  	v22 =	vld.idx.msk [tilespmem:v22+s16+$0x0], $0xffff  }
0x217: {  	v52 =	vadd.s32 v57, v2;
	[tilespmem:v59+s21+$0x0] =	vst.idx.msk $0xffff, v8;
	v8 =	vld.idx.msk [tilespmem:v18+s16+$0x0], $0xffff  }
0x218: {  	v59 =	vld [tilespmem:$0x1FF60]  }
0x219: {  	v19 =	vor.u32 v29, v45;
	v17 =	vld.idx.msk [tilespmem:v17+s16+$0x0], $0xffff  }
0x21a: {  	v16 =	vor.u32 v29, v20;
	[tilespmem:v25+s21+$0x0] =	vst.idx.msk $0xffff, v4;
	v25 =	vld.idx.msk [tilespmem:v7+s16+$0x0], $0xffff  }
0x21b: {  	v7 =	vld [tilespmem:$0x1FEB0]  }
0x21c: {  	v49 =	vand.u32 $0x78, v49;
	[tilespmem:v52+s21+$0x0] =	vst.idx.msk $0xffff, v8;
	v8 =	vld [tilespmem:$0x1FC80]  }
0x21d: {  	v15 =	vadd.s32 v35, v49;
	v3 =	vld [tilespmem:$0x1FEE0]  }
0x21e: {  	v53 =	vor.u32 v10, v6;
	v19 =	vld.idx.msk [tilespmem:v19+s16+$0x0], $0xffff  }
0x21f: {  	v18 =	vor.u32 v10, v1;
	v54 =	vor.u32 v14, v50;
	v16 =	vld.idx.msk [tilespmem:v16+s16+$0x0], $0xffff  }
0x220: {  	[tilespmem:$0x1FCC0] =	vst v54;
	v54 =	vadd.s32 v59, v58;
	v59 =	vadd.s32 v7, v2;
	v7 =	vld [tilespmem:$0x1FC70]  }
0x221: {  	v61 =	vand.u32 $0x78, v46;
	v51 =	vld [tilespmem:$0x1FFA0]  }
0x222: {  	[tilespmem:v15+s21+$0x0] =	vst.idx.msk $0xffff, v22;
	v3 =	vadd.s32 v3, v61;
	v4 =	vld [tilespmem:$0x1FEF0]  }
0x223: {  	v56 =	vor.u32 v10, v62;
	v53 =	vld.idx.msk [tilespmem:v53+s16+$0x0], $0xffff  }
0x224: {  	v9 =	vor.u32 v10, v63;
	v15 =	vor.u32 v12, v6;
	v18 =	vld.idx.msk [tilespmem:v18+s16+$0x0], $0xffff  }
0x225: {  	[tilespmem:v8+s21+$0x0] =	vst.idx.msk $0xffff, v16;
	v8 =	vor.u32 v14, v6;
	v6 =	vld [tilespmem:$0x1FF00];
	v21 =	vor.u32 v12, v62  }
0x226: {  	v46 =	vor.u32 v10, v48;
	v11 =	vor.u32 v10, v20;
	[tilespmem:$0x1FCA0] =	vst v21;
	v21 =	vld [tilespmem:$0x1FE30];
	v57 =	vadd.s32 v51, v60  }
0x227: {  	v51 =	vor.u32 v10, v45;
	[tilespmem:v3+s21+$0x0] =	vst.idx.msk $0xffff, v17;
	v22 =	vadd.s32 v4, v61;
	v4 =	vld [tilespmem:$0x1FE50]  }
0x228: {  	v43 =	vor.u32 v12, v20;
	[tilespmem:v7+s21+$0x0] =	vst.idx.msk $0xffff, v55;
	v7 =	vor.u32 v14, v20;
	v20 =	vld.idx.msk [tilespmem:v56+s16+$0x0], $0xffff  }
0x229: {  	[tilespmem:$0x1FCD0] =	vst v7;
	v7 =	vld [tilespmem:$0x1FFB0]  }
0x22a: {  	v56 =	vld.idx.msk [tilespmem:v9+s16+$0x0], $0xffff  }
0x22b: {  	v21 =	vadd.s32 v21, v49;
	[tilespmem:v57+s21+$0x0] =	vst.idx.msk $0xffff, v19;
	v9 =	vld [tilespmem:$0x1FC90]  }
0x22c: {  	[tilespmem:v54+s21+$0x0] =	vst.idx.msk $0xffff, v44;
	v57 =	vld.idx.msk [tilespmem:v51+s16+$0x0], $0xffff;
	v13 =	vadd.s32 v4, v5  }
0x22d: {  	v17 =	vld.idx.msk [tilespmem:v46+s16+$0x0], $0xffff  }
0x22e: {  	v6 =	vadd.s32 v6, v61;
	v51 =	vor.u32 v14, v63;
	v52 =	vadd.s32 v7, v60;
	v7 =	vld [tilespmem:$0x1FF70]  }
0x22f: {  	[tilespmem:$0x1FCE0] =	vst v6;
	v46 =	vor.u32 v12, v1;
	v4 =	vor.u32 v12, v63;
	v63 =	vor.u32 v14, v1;
	v1 =	vld [tilespmem:$0x1FCA0]  }
0x230: {  	v39 =	vadd.s32 v34, v5;
	v19 =	vld.idx.msk [tilespmem:v11+s16+$0x0], $0xffff;
	[tilespmem:v21+s21+$0x0] =	vst.idx.msk $0xffff, v53  }
0x231: {  	v44 =	vadd.s32 v30, v5;
	v3 =	vld [tilespmem:$0x1FF30];
	[tilespmem:v13+s21+$0x0] =	vst.idx.msk $0xffff, v20;
	v13 =	vadd.s32 v0, v58  }
0x232: {  	v21 =	vadd.s32 v28, v2;
	[tilespmem:v22+s21+$0x0] =	vst.idx.msk $0xffff, v56;
	v56 =	vmov v13;
	v13 =	vadd.s32 v23, v2;
	v2 =	vld [tilespmem:$0x1FFC0]  }
0x233: {  	v5 =	vadd.s32 s28, v24;
	v55 =	vor.u32 v10, v50;
	[tilespmem:v9+s21+$0x0] =	vst.idx.msk $0xffff, v25;
	v9 =	vld [tilespmem:$0x1FF40];
	v54 =	vadd.s32 v7, v58  }
0x234: {  	p0 =	slt.u32 s26, $0x78;
	v31 =	vor.u32 v14, v48;
	v48 =	vor.u32 v12, v48;
	[tilespmem:$0x1FCF0] =	vst v5;
	v7 =	vld [tilespmem:$0x1FE80]  }
.Ltmp5:
0x235: {  	v42 =	vadd.s32 s28, v38;
	v40 =	vadd.s32 s28, v36;
	v16 =	vadd.s32 v33, v58;
	v5 =	vld.idx.msk [tilespmem:v15+s16+$0x0], $0xffff;
	[tilespmem:v59+s21+$0x0] =	vst.idx.msk $0xffff, v18;
	(pc) =	sbr.rel @p0 .LBB2_8-.Ltmp5, $4  }
0x236: {  	v6 =	vor.u32 v12, v45;
	v11 =	vadd.s32 v26, v49;
	v53 =	vor.u32 v14, v62;
	v20 =	vld.idx.msk [tilespmem:v46+s16+$0x0], $0xffff  }
0x237: {  	v3 =	vadd.s32 v3, v47;
	v15 =	vor.u32 v12, v50;
	v1 =	vld.idx.msk [tilespmem:v1+s16+$0x0], $0xffff;
	[tilespmem:v52+s21+$0x0] =	vst.idx.msk $0xffff, v57  }
0x238: {  	v59 =	vadd.s32 v41, v60;
	v25 =	vmov v39;
	v39 =	vmov v42;
	v45 =	vld.idx.msk [tilespmem:v55+s16+$0x0], $0xffff;
	[tilespmem:v54+s21+$0x0] =	vst.idx.msk $0xffff, v17  }
0x239: {  	s26 =	sadd.s32 $0x8, s26;
	v18 =	vadd.s32 v2, v60;
	v9 =	vadd.s32 v9, v47;
	v7 =	vadd.s32 v7, v49;
	v17 =	vld.idx.msk [tilespmem:v48+s16+$0x0], $0xffff  }
0x23a: {  	_ =	sdelay $0x3  }
0x23b: {  	[tilespmem:v39+s21+$0x0] =	vst.idx.msk $0xffff, v19  }
0x23c: {  	v6 =	vld.idx.msk [tilespmem:v6+s16+$0x0], $0xffff;
	[tilespmem:v7+s21+$0x0] =	vst.idx.msk $0xffff, v5  }
0x23d: {  	v2 =	vld.idx.msk [tilespmem:v43+s16+$0x0], $0xffff;
	[tilespmem:v21+s21+$0x0] =	vst.idx.msk $0xffff, v20  }
0x23e: {  	v5 =	vld.idx.msk [tilespmem:v8+s16+$0x0], $0xffff;
	[tilespmem:v44+s21+$0x0] =	vst.idx.msk $0xffff, v1  }
0x23f: {  	[tilespmem:v3+s21+$0x0] =	vst.idx.msk $0xffff, v45  }
0x240: {  	v43 =	vld.idx.msk [tilespmem:v63+s16+$0x0], $0xffff;
	[tilespmem:v16+s21+$0x0] =	vst.idx.msk $0xffff, v17  }
0x241: {  	[tilespmem:v18+s21+$0x0] =	vst.idx.msk $0xffff, v6  }
0x242: {  	[tilespmem:v40+s21+$0x0] =	vst.idx.msk $0xffff, v2  }
0x243: {  	[tilespmem:v11+s21+$0x0] =	vst.idx.msk $0xffff, v5  }
0x244: {  	v0 =	vld [tilespmem:$0x1FCB0]  }
0x245: {  	v50 =	vld [tilespmem:$0x1FCD0];
	[tilespmem:v13+s21+$0x0] =	vst.idx.msk $0xffff, v43  }
0x246: {  	v55 =	vld [tilespmem:$0x1FCE0];
	_ =	sdelay $0x1  }
0x247: {  	v46 =	vld.idx.msk [tilespmem:v15+s16+$0x0], $0xffff  }
0x248: {  	v45 =	vld.idx.msk [tilespmem:v4+s16+$0x0], $0xffff  }
0x249: {  	v48 =	vld.idx.msk [tilespmem:v31+s16+$0x0], $0xffff;
	_ =	sdelay $0x2  }
0x24a: {  	[tilespmem:v9+s21+$0x0] =	vst.idx.msk $0xffff, v46  }
0x24b: {  	v49 =	vld.idx.msk [tilespmem:v0+s16+$0x0], $0xffff;
	[tilespmem:v55+s21+$0x0] =	vst.idx.msk $0xffff, v45  }
0x24c: {  	v0 =	vld [tilespmem:$0x1FF50];
	[tilespmem:v56+s21+$0x0] =	vst.idx.msk $0xffff, v48  }
0x24d: {  	v57 =	vadd.s32 v27, v61;
	v61 =	vld [tilespmem:$0x1FCC0];
	_ =	sdelay $0x2  }
0x24e: {  	[tilespmem:v59+s21+$0x0] =	vst.idx.msk $0xffff, v49  }
0x24f: {  	v63 =	vld [tilespmem:$0x1FCF0]  }
0x250: {  	v54 =	vld.idx.msk [tilespmem:v53+s16+$0x0], $0xffff  }
0x251: {  	v58 =	vld.idx.msk [tilespmem:v51+s16+$0x0], $0xffff  }
0x252: {  	v52 =	vld.idx.msk [tilespmem:v50+s16+$0x0], $0xffff  }
0x253: {  	v60 =	vadd.s32 v0, v47;
	v62 =	vld.idx.msk [tilespmem:v61+s16+$0x0], $0xffff;
	_ =	sdelay $0x1  }
0x254: {  	[tilespmem:v25+s21+$0x0] =	vst.idx.msk $0xffff, v54  }
0x255: {  	[tilespmem:v57+s21+$0x0] =	vst.idx.msk $0xffff, v58  }
0x256: {  	[tilespmem:v63+s21+$0x0] =	vst.idx.msk $0xffff, v52  }
0x257: {  	s0 =	simm.s32 $0x16A00;
	[tilespmem:v60+s21+$0x0] =	vst.idx.msk $0xffff, v62  }
0x258: {  	[hbm4b:s7+s3] =	stream.linear.scatter [tilespmem:s0], [sflag:$0x4], $0x80, $0x38;
	[tilespmem:$0x18C00] =	vst v63  }
0x259: {  	s26 =	simm.s32 $0x16A88;
	s1 =	sadd.s32 $0x10, s7  }
0x25a: {  	[hbm4b:s1+s3] =	stream.linear.scatter [tilespmem:s26], [sflag:$0x4], $0x80, $0x38;
	[tilespmem:$0x18C00] =	vst v63  }
0x25b: {  	s30 =	simm.s32 $0x16B10;
	s31 =	sadd.s32 $0x20, s7;
	s6 =	sadd.s32 $0x30, s7  }
0x25c: {  	[hbm4b:s31+s3] =	stream.linear.scatter [tilespmem:s30], [sflag:$0x4], $0x80, $0x38;
	[tilespmem:$0x18C00] =	vst v63  }
0x25d: {  	s13 =	simm.s32 $0x16C20;
	s15 =	sadd.s32 $0x40, s7;
	s1 =	simm.s32 $0x16B98  }
0x25e: {  	[hbm4b:s6+s3] =	stream.linear.scatter [tilespmem:s1], [sflag:$0x4], $0x80, $0x38;
	[tilespmem:$0x18C00] =	vst v63  }
0x25f: {  	s22 =	simm.s32 $0x16CA8;
	s28 =	simm.s32 $0x2200;
	s29 =	simm.s32 $0x16DB8  }
0x260: {  	[hbm4b:s15+s3] =	stream.linear.scatter [tilespmem:s13], [sflag:$0x4], $0x80, $0x38;
	[tilespmem:$0x18C00] =	vst v63  }
0x261: {  	s0 =	sadd.s32 $0x70, s7;
	s26 =	sadd.s32 $0x50, s7;
	s30 =	simm.s32 $0x16D30  }
0x262: {  	[hbm4b:s26+s3] =	stream.linear.scatter [tilespmem:s22], [sflag:$0x4], $0x80, $0x38;
	[tilespmem:$0x18C00] =	vst v63  }
0x263: {  	s31 =	sadd.s32 $0x60, s7;
	s1 =	simm.s32 $0x440;
	s26 =	sadd.s32 $0x1000, s7  }
0x264: {  	[hbm4b:s31+s3] =	stream.linear.scatter [tilespmem:s30], [sflag:$0x4], $0x80, $0x38;
	[tilespmem:$0x18C00] =	vst v63  }
.LBB2_10:
0x265: {  	[hbm4b:s0+s3] =	stream.linear.scatter [tilespmem:s29], [sflag:$0x4], $0x80, $0x38;
	[tilespmem:$0x18C00] =	vst v63  }
0x266: {  	s0 =	smov.u32 s1;
	s1 =	smov.u32 s28  }
0x267: {  	s13 =	sadd.s32 $0x1100, s28;
	s1 =	sshra.s32 s1, $0x2;
	s29 =	sadd.s32 $0x16A00, s0  }
0x268: {  	[hbm4b:s26+s3] =	stream.linear.scatter [tilespmem:s29], [sflag:$0x4], $0x80, $0x38;
	[tilespmem:$0x18C00] =	vst v63  }
0x269: {  	p0 =	sne.s32 s28, $0x7700;
	s28 =	sadd.s32 $0x16A88, s0;
	s29 =	sadd.s32 $0x10, s26  }
0x26a: {  	[hbm4b:s29+s3] =	stream.linear.scatter [tilespmem:s28], [sflag:$0x4], $0x80, $0x38;
	[tilespmem:$0x18C00] =	vst v63  }
0x26b: {  	s28 =	sadd.s32 $0x16B10, s0;
	s29 =	sadd.s32 $0x20, s26  }
0x26c: {  	[hbm4b:s29+s3] =	stream.linear.scatter [tilespmem:s28], [sflag:$0x4], $0x80, $0x38;
	[tilespmem:$0x18C00] =	vst v63  }
0x26d: {  	s28 =	sadd.s32 $0x16B98, s0;
	s29 =	sadd.s32 $0x30, s26  }
0x26e: {  	[hbm4b:s29+s3] =	stream.linear.scatter [tilespmem:s28], [sflag:$0x4], $0x80, $0x38;
	[tilespmem:$0x18C00] =	vst v63  }
0x26f: {  	s28 =	sadd.s32 $0x16C20, s0;
	s29 =	sadd.s32 $0x40, s26  }
0x270: {  	[hbm4b:s29+s3] =	stream.linear.scatter [tilespmem:s28], [sflag:$0x4], $0x80, $0x38;
	[tilespmem:$0x18C00] =	vst v63  }
0x271: {  	s28 =	sadd.s32 $0x16CA8, s0;
	s29 =	sadd.s32 $0x50, s26  }
0x272: {  	[hbm4b:s29+s3] =	stream.linear.scatter [tilespmem:s28], [sflag:$0x4], $0x80, $0x38;
	[tilespmem:$0x18C00] =	vst v63  }
.Ltmp6:
0x273: {  	_ = 	snop;
	(pc) =	sbr.rel @p0 .LBB2_10-.Ltmp6, $4  }
0x274: {  	s28 =	sadd.s32 $0x16D30, s0;
	s29 =	sadd.s32 $0x60, s26  }
0x275: {  	[hbm4b:s29+s3] =	stream.linear.scatter [tilespmem:s28], [sflag:$0x4], $0x80, $0x38;
	[tilespmem:$0x18C00] =	vst v63  }
0x276: {  	s29 =	sadd.s32 $0x16DB8, s0  }
0x277: {  	s0 =	sadd.s32 $0x70, s26;
	s26 =	sadd.s32 $0x1000, s26;
	s28 =	smov.u32 s13  }
0x278: {  	[hbm4b:s0+s3] =	stream.linear.scatter [tilespmem:s29], [sflag:$0x4], $0x80, $0x38;
	[tilespmem:$0x18C00] =	vst v63  }
0x279: {  	s29 =	sadd.s32 $0x16A00, s1  }
0x27a: {  	[hbm4b:s26+s3] =	stream.linear.scatter [tilespmem:s29], [sflag:$0x4], $0x80, $0x38;
	[tilespmem:$0x18C00] =	vst v63  }
0x27b: {  	s30 =	sadd.s32 $0x16A88, s1;
	s13 =	sadd.s32 $0x10, s26  }
0x27c: {  	[hbm4b:s13+s3] =	stream.linear.scatter [tilespmem:s30], [sflag:$0x4], $0x80, $0x38;
	[tilespmem:$0x18C00] =	vst v63  }
0x27d: {  	s31 =	sadd.s32 $0x16B10, s1;
	s6 =	sadd.s32 $0x20, s26;
	v39 =	vld [tilespmem:$0x1FF60]  }
0x27e: {  	v43 =	vld [tilespmem:$0x1FF70];
	[hbm4b:s6+s3] =	stream.linear.scatter [tilespmem:s31], [sflag:$0x4], $0x80, $0x38  }
0x27f: {  	s15 =	sadd.s32 $0x16B98, s1;
	s22 =	sadd.s32 $0x30, s26;
	v63 =	vld [tilespmem:$0x1FFA0]  }
0x280: {  	v24 =	vld [tilespmem:$0x1FFB0];
	[hbm4b:s22+s3] =	stream.linear.scatter [tilespmem:s15], [sflag:$0x4], $0x80, $0x38  }
0x281: {  	v25 =	vld [tilespmem:$0x1FE40];
	s29 =	sadd.s32 $0x16C20, s1;
	s30 =	sadd.s32 $0x40, s26  }
0x282: {  	v29 =	vld [tilespmem:$0x1FE50];
	[hbm4b:s30+s3] =	stream.linear.scatter [tilespmem:s29], [sflag:$0x4], $0x80, $0x38  }
0x283: {  	v30 =	vld [tilespmem:$0x1FE60];
	s31 =	sadd.s32 $0x16CA8, s1;
	s6 =	sadd.s32 $0x50, s26  }
0x284: {  	v42 =	vld [tilespmem:$0x1FE80];
	[hbm4b:s6+s3] =	stream.linear.scatter [tilespmem:s31], [sflag:$0x4], $0x80, $0x38  }
0x285: {  	v41 =	vld [tilespmem:$0x1FE30];
	s15 =	sadd.s32 $0x16D30, s1;
	s22 =	sadd.s32 $0x60, s26  }
0x286: {  	v55 =	vld [tilespmem:$0x1FEA0];
	[hbm4b:s22+s3] =	stream.linear.scatter [tilespmem:s15], [sflag:$0x4], $0x80, $0x38  }
0x287: {  	v9 =	vld [tilespmem:$0x1FEB0];
	s29 =	sadd.s32 $0x16DB8, s1;
	s30 =	sadd.s32 $0x70, s26  }
0x288: {  	v33 =	vld [tilespmem:$0x1FEE0];
	[hbm4b:s30+s3] =	stream.linear.scatter [tilespmem:s29], [sflag:$0x4], $0x80, $0x38  }
0x289: {  	s28 =	simm.s32 $0x0;
	v0 =	vld [tilespmem:$0x1FF20];
	s26 =	simm.s32 $0x0;
	s31 =	simm.s32 $0x6580  }
0x28a: {  	v40 =	vlaneseq.u32;
	v31 =	vld [tilespmem:$0x1FF30];
	[tilespmem:s16], [sflag:$0x2] =	stream.indirect.gather [hbm4b:s4+s12], $0x80, s31, s12, $0xb8  }
.LBB2_12:
0x28b: {  	s0 =	simm.s32 $0x4  }
0x28c: {  	v1 =	vmov s26;
	s13 =	simm.s32 $0x6;
	s29 =	simm.s32 $0x1;
	s30 =	simm.s32 $0x2;
	v2 =	vmov s0  }
0x28d: {  	s31 =	simm.s32 $0x3;
	v4 =	vmov s13;
	v5 =	vmov s29;
	v6 =	vmov s30  }
0x28e: {  	_ =	swait.ge [sflag:s17], $0x4000;
	v1 =	vshll.u32 v1, $0x7;
	v17 =	vmov s31;
	v7 =	vshll.u32 v6, $0x7  }
0x28f: {  	[sflag:s17] =	ssyncset.done $0x0;
	v54 =	vand.u32 $0x78, v4;
	v15 =	vshll.u32 v5, $0x7;
	v11 =	vor.u32 v40, v7  }
0x290: {  	s30 =	simm.s32 $0x7;
	v61 =	vshll.u32 v2, $0x7;
	[sflag:s17] =	ssyncadd.s32 $0xFFFFC000;
	v20 =	vshll.u32 v17, $0x7;
	v8 =	vor.u32 v40, v15  }
0x291: {  	v13 =	vmov s30;
	v18 =	vshll.u32 v4, $0x7;
	_ =	swait.ge [sflag:s23], $0x2000;
	v4 =	vor.u32 v40, v20  }
0x292: {  	v19 =	vshll.u32 v13, $0x7;
	v58 =	vand.u32 $0x78, v13;
	v13 =	vor.u32 v40, v18;
	[sflag:s23] =	ssyncset.done $0x0  }
0x293: {  	v5 =	vand.u32 $0x78, v5;
	v60 =	vand.u32 $0x78, v6;
	v49 =	vor.u32 v40, v61;
	[sflag:s23] =	ssyncadd.s32 $0xFFFFE000  }
0x294: {  	v46 =	vand.u32 $0x78, v2;
	v2 =	vadd.s32 v35, v60;
	v22 =	vor.u32 v40, v19;
	v11 =	vld.idx.msk [tilespmem:v11+s14+$0x0], $0xffff  }
0x295: {  	v45 =	vor.u32 v40, v1;
	v16 =	vand.u32 $0x78, v17;
	v17 =	vadd.s32 v32, v5;
	v8 =	vld.idx.msk [tilespmem:v8+s14+$0x0], $0xffff  }
0x296: {  	s1 =	simm.s32 $0x5;
	v51 =	vadd.s32 v55, v16;
	v4 =	vld.idx.msk [tilespmem:v4+s14+$0x0], $0xffff  }
0x297: {  	v3 =	vmov s1;
	v50 =	vor.u32 v10, v7;
	v53 =	vadd.s32 v39, v54;
	v13 =	vld.idx.msk [tilespmem:v13+s14+$0x0], $0xffff  }
0x298: {  	v21 =	vshll.u32 v3, $0x7;
	v52 =	vor.u32 v10, v15;
	v33 =	vadd.s32 v33, v46;
	v49 =	vld.idx.msk [tilespmem:v49+s14+$0x0], $0xffff  }
0x299: {  	v57 =	vor.u32 v10, v20;
	v59 =	vadd.s32 v63, v58;
	[tilespmem:v2+s18+$0x0] =	vst.idx.msk $0xffff, v11;
	v11 =	vld.idx.msk [tilespmem:v22+s14+$0x0], $0xffff  }
0x29a: {  	v47 =	vand.u32 $0x78, v3;
	v3 =	vadd.s32 s26, v37;
	v2 =	vor.u32 v10, v18;
	[tilespmem:v17+s18+$0x0] =	vst.idx.msk $0xffff, v8;
	v8 =	vld.idx.msk [tilespmem:v45+s14+$0x0], $0xffff  }
0x29b: {  	[tilespmem:v51+s18+$0x0] =	vst.idx.msk $0xffff, v4  }
0x29c: {  	[tilespmem:v53+s18+$0x0] =	vst.idx.msk $0xffff, v13;
	v50 =	vld.idx.msk [tilespmem:v50+s14+$0x0], $0xffff  }
0x29d: {  	v51 =	vadd.s32 v41, v60;
	[tilespmem:v33+s18+$0x0] =	vst.idx.msk $0xffff, v49;
	v53 =	vld.idx.msk [tilespmem:v52+s14+$0x0], $0xffff  }
0x29e: {  	v6 =	vor.u32 v40, v21;
	v13 =	vadd.s32 v29, v5;
	v57 =	vld.idx.msk [tilespmem:v57+s14+$0x0], $0xffff;
	[tilespmem:v59+s18+$0x0] =	vst.idx.msk $0xffff, v11  }
0x29f: {  	v39 =	vmov v54;
	v33 =	vadd.s32 v9, v16;
	v2 =	vld.idx.msk [tilespmem:v2+s14+$0x0], $0xffff;
	[tilespmem:v3+s18+$0x0] =	vst.idx.msk $0xffff, v8  }
0x2a0: {  	v56 =	vadd.s32 v0, v47;
	v22 =	vor.u32 v10, v61;
	v11 =	vadd.s32 v43, v39;
	v0 =	vld [tilespmem:$0x1FEF0];
	_ =	sdelay $0x1  }
0x2a1: {  	[tilespmem:v51+s18+$0x0] =	vst.idx.msk $0xffff, v50  }
0x2a2: {  	[tilespmem:v13+s18+$0x0] =	vst.idx.msk $0xffff, v53  }
0x2a3: {  	v41 =	vld.idx.msk [tilespmem:v6+s14+$0x0], $0xffff;
	[tilespmem:v33+s18+$0x0] =	vst.idx.msk $0xffff, v57  }
0x2a4: {  	v62 =	vor.u32 v10, v19;
	v22 =	vld.idx.msk [tilespmem:v22+s14+$0x0], $0xffff;
	[tilespmem:v11+s18+$0x0] =	vst.idx.msk $0xffff, v2;
	v17 =	vadd.s32 v0, v46  }
0x2a5: {  	v0 =	vld [tilespmem:$0x1FF00];
	_ =	sdelay $0x1  }
0x2a6: {  	v54 =	vor.u32 v12, v1;
	v40 =	vor.u32 v10, v1  }
0x2a7: {  	v9 =	vor.u32 v12, v18;
	v52 =	vor.u32 v14, v18;
	[tilespmem:v56+s18+$0x0] =	vst.idx.msk $0xffff, v41  }
0x2a8: {  	v18 =	vor.u32 v12, v20;
	v50 =	vor.u32 v14, v1;
	v1 =	vld.idx.msk [tilespmem:v62+s14+$0x0], $0xffff;
	[tilespmem:v17+s18+$0x0] =	vst.idx.msk $0xffff, v22  }
0x2a9: {  	v24 =	vadd.s32 v24, v58;
	v53 =	vadd.s32 v0, v46;
	v0 =	vld [tilespmem:$0x1FF90];
	_ =	sdelay $0x1  }
0x2aa: {  	v2 =	vld [tilespmem:$0x1FF80]  }
0x2ab: {  	v48 =	vadd.s32 v34, v5  }
0x2ac: {  	v44 =	vor.u32 v14, v19;
	v63 =	vor.u32 v12, v7;
	v45 =	vor.u32 v14, v21;
	v62 =	vld.idx.msk [tilespmem:v18+s14+$0x0], $0xffff  }
0x2ad: {  	v55 =	vadd.s32 s26, v38;
	v29 =	vor.u32 v12, v15;
	v56 =	vadd.s32 v0, v39;
	v0 =	vld [tilespmem:$0x1FFD0];
	[tilespmem:v24+s18+$0x0] =	vst.idx.msk $0xffff, v1  }
0x2ae: {  	v4 =	vor.u32 v12, v61;
	v6 =	vor.u32 v12, v19;
	v43 =	vor.u32 v10, v21;
	v1 =	vld [tilespmem:$0x1FF40]  }
0x2af: {  	v49 =	vadd.s32 s26, v36;
	v61 =	vor.u32 v14, v61;
	v18 =	vadd.s32 v2, v39;
	v2 =	vld [tilespmem:$0x1FFC0]  }
0x2b0: {  	v3 =	vadd.s32 v31, v47;
	v59 =	vor.u32 v14, v15;
	v15 =	vadd.s32 v26, v60;
	v8 =	vld.idx.msk [tilespmem:v40+s14+$0x0], $0xffff  }
0x2b1: {  	v13 =	vor.u32 v14, v7;
	v7 =	vadd.s32 v30, v5;
	v51 =	vadd.s32 s26, v25;
	v5 =	vld.idx.msk [tilespmem:v63+s14+$0x0], $0xffff  }
0x2b2: {  	v63 =	vadd.s32 v28, v16;
	v16 =	vadd.s32 v23, v16;
	v11 =	vadd.s32 v42, v60;
	v19 =	vld.idx.msk [tilespmem:v9+s14+$0x0], $0xffff  }
0x2b3: {  	v17 =	vor.u32 v12, v21;
	v21 =	vld.idx.msk [tilespmem:v43+s14+$0x0], $0xffff;
	v22 =	vor.u32 v14, v20;
	v57 =	vadd.s32 v0, v58  }
0x2b4: {  	s29 =	simm.s32 $0x8;
	v0 =	vlaneseq.u32;
	v9 =	vadd.s32 v1, v47;
	v1 =	vld.idx.msk [tilespmem:v29+s14+$0x0], $0xffff;
	v20 =	vadd.s32 v2, v58  }
.LBB2_13:
0x2b5: {  	v4 =	vld.idx.msk [tilespmem:v4+s14+$0x0], $0xffff  }
0x2b6: {  	[tilespmem:v55+s18+$0x0] =	vst.idx.msk $0xffff, v8;
	v8 =	vld [tilespmem:$0x1FF50]  }
0x2b7: {  	v43 =	vld.idx.msk [tilespmem:v6+s14+$0x0], $0xffff;
	[tilespmem:v11+s18+$0x0] =	vst.idx.msk $0xffff, v5  }
0x2b8: {  	v54 =	vld.idx.msk [tilespmem:v54+s14+$0x0], $0xffff;
	[tilespmem:v63+s18+$0x0] =	vst.idx.msk $0xffff, v62  }
0x2b9: {  	s15 =	sadd.s32 $0x2, s29;
	v13 =	vld.idx.msk [tilespmem:v13+s14+$0x0], $0xffff;
	[tilespmem:v3+s18+$0x0] =	vst.idx.msk $0xffff, v21  }
0x2ba: {  	v25 =	vmov s15;
	[tilespmem:v7+s18+$0x0] =	vst.idx.msk $0xffff, v1;
	v11 =	vld.idx.msk [tilespmem:v22+s14+$0x0], $0xffff  }
0x2bb: {  	s31 =	sadd.s32 $0x1, s29;
	v6 =	vshll.u32 v25, $0x7;
	[tilespmem:v18+s18+$0x0] =	vst.idx.msk $0xffff, v19;
	v7 =	vld.idx.msk [tilespmem:v17+s14+$0x0], $0xffff  }
0x2bc: {  	v60 =	vmov s31;
	v23 =	vadd.s32 v27, v46;
	v27 =	vor.u32 v0, v6;
	v52 =	vld.idx.msk [tilespmem:v52+s14+$0x0], $0xffff;
	[tilespmem:v20+s18+$0x0] =	vst.idx.msk $0xffff, v43  }
0x2bd: {  	v62 =	vshll.u32 v60, $0x7;
	[tilespmem:v53+s18+$0x0] =	vst.idx.msk $0xffff, v4;
	v4 =	vld [tilespmem:$0x1FEE0]  }
0x2be: {  	s0 =	sadd.s32 $0x4, s29;
	s30 =	smov.u32 s29;
	v22 =	vor.u32 v0, v62;
	[tilespmem:v15+s18+$0x0] =	vst.idx.msk $0xffff, v13;
	v13 =	vld.idx.msk [tilespmem:v44+s14+$0x0], $0xffff  }
0x2bf: {  	v40 =	vmov s0;
	s31 =	sadd.s32 $0x3, s30;
	[tilespmem:v49+s18+$0x0] =	vst.idx.msk $0xffff, v54;
	v54 =	vld [tilespmem:$0x1FF60]  }
0x2c0: {  	v63 =	vshll.u32 v40, $0x7;
	v3 =	vmov s31;
	v50 =	vld.idx.msk [tilespmem:v50+s14+$0x0], $0xffff  }
0x2c1: {  	v2 =	vmov s29;
	s1 =	sadd.s32 $0x5, s29;
	v1 =	vshll.u32 v3, $0x7;
	v19 =	vor.u32 v0, v63;
	v27 =	vld.idx.msk [tilespmem:v27+s14+$0x0], $0xffff  }
0x2c2: {  	s22 =	sadd.s32 $0x7, s29;
	v41 =	vmov s1;
	v26 =	vshll.u32 v2, $0x7;
	v20 =	vor.u32 v0, v1;
	[tilespmem:v56+s18+$0x0] =	vst.idx.msk $0xffff, v52;
	v52 =	vld [tilespmem:$0x1FEA0]  }
0x2c3: {  	v2 =	vmov s22;
	v5 =	vand.u32 $0x78, v60;
	v25 =	vand.u32 $0x78, v25;
	[tilespmem:v16+s18+$0x0] =	vst.idx.msk $0xffff, v11;
	v11 =	vld.idx.msk [tilespmem:v22+s14+$0x0], $0xffff  }
0x2c4: {  	v21 =	vshll.u32 v2, $0x7;
	v18 =	vor.u32 v0, v26;
	v46 =	vand.u32 $0x78, v40;
	v22 =	vld.idx.msk [tilespmem:v59+s14+$0x0], $0xffff  }
0x2c5: {  	v60 =	vand.u32 $0x78, v2;
	v30 =	vor.u32 v0, v21;
	v59 =	vadd.s32 v4, v46;
	v4 =	vld.idx.msk [tilespmem:v61+s14+$0x0], $0xffff  }
0x2c6: {  	v17 =	vshll.u32 v41, $0x7;
	v2 =	vand.u32 $0x78, v3;
	[tilespmem:v9+s18+$0x0] =	vst.idx.msk $0xffff, v7;
	v9 =	vadd.s32 v35, v25;
	v19 =	vld.idx.msk [tilespmem:v19+s14+$0x0], $0xffff  }
0x2c7: {  	v16 =	vadd.s32 v32, v5;
	[tilespmem:v57+s18+$0x0] =	vst.idx.msk $0xffff, v13;
	v13 =	vld.idx.msk [tilespmem:v20+s14+$0x0], $0xffff;
	v32 =	vadd.s32 v52, v2  }
0x2c8: {  	v3 =	vor.u32 v0, v17;
	v33 =	vld.idx.msk [tilespmem:v45+s14+$0x0], $0xffff;
	[tilespmem:v51+s18+$0x0] =	vst.idx.msk $0xffff, v50  }
0x2c9: {  	v53 =	vor.u32 v10, v6;
	v18 =	vld.idx.msk [tilespmem:v18+s14+$0x0], $0xffff  }
0x2ca: {  	v8 =	vadd.s32 v8, v47;
	[tilespmem:v23+s18+$0x0] =	vst.idx.msk $0xffff, v4;
	v4 =	vld [tilespmem:$0x1FEF0]  }
0x2cb: {  	s13 =	sadd.s32 $0x6, s29;
	[tilespmem:v9+s18+$0x0] =	vst.idx.msk $0xffff, v27;
	v27 =	vld.idx.msk [tilespmem:v30+s14+$0x0], $0xffff  }
0x2cc: {  	v42 =	vmov s13;
	v9 =	vor.u32 v12, v6;
	[tilespmem:v32+s18+$0x0] =	vst.idx.msk $0xffff, v13;
	v13 =	vor.u32 v14, v6;
	v6 =	vld [tilespmem:$0x1FF00]  }
0x2cd: {  	v28 =	vshll.u32 v42, $0x7;
	v30 =	vld.idx.msk [tilespmem:v3+s14+$0x0], $0xffff  }
0x2ce: {  	v24 =	vmovc v48;
	v29 =	vor.u32 v0, v28;
	v47 =	vand.u32 $0x78, v41;
	v41 =	vmovc v36;
	v49 =	vadd.s32 s30, v36;
	v36 =	vld.idx.msk [tilespmem:v53+s14+$0x0], $0xffff  }
0x2cf: {  	v15 =	vadd.s32 s30, v37;
	[tilespmem:v8+s18+$0x0] =	vst.idx.msk $0xffff, v33;
	v8 =	vld [tilespmem:$0x1FE80]  }
0x2d0: {  	v7 =	vor.u32 v10, v26;
	v23 =	vadd.s32 v4, v46;
	v4 =	vld [tilespmem:$0x1FE50]  }
0x2d1: {  	v53 =	vadd.s32 v6, v46;
	v6 =	vld [tilespmem:$0x1FE60];
	_ =	sdelay $0x1  }
0x2d2: {  	v29 =	vld.idx.msk [tilespmem:v29+s14+$0x0], $0xffff;
	[tilespmem:v24+s18+$0x0] =	vst.idx.msk $0xffff, v22  }
0x2d3: {  	v58 =	vand.u32 $0x78, v42;
	v22 =	vld [tilespmem:$0x1FE30];
	[tilespmem:v15+s18+$0x0] =	vst.idx.msk $0xffff, v18  }
0x2d4: {  	v48 =	vadd.s32 v34, v5;
	[tilespmem:v16+s18+$0x0] =	vst.idx.msk $0xffff, v11;
	v11 =	vadd.s32 v8, v25;
	v8 =	vld.idx.msk [tilespmem:v7+s14+$0x0], $0xffff  }
0x2d5: {  	v51 =	vadd.s32 v54, v58;
	v16 =	vadd.s32 v4, v5;
	v7 =	vadd.s32 v6, v5;
	v5 =	vld [tilespmem:$0x1FE40];
	_ =	sdelay $0x3  }
0x2d6: {  	v56 =	vor.u32 v10, v62;
	v22 =	vadd.s32 v22, v25  }
0x2d7: {  	[tilespmem:v51+s18+$0x0] =	vst.idx.msk $0xffff, v29;
	v51 =	vadd.s32 s30, v5;
	v5 =	vld [tilespmem:$0x1FF90]  }
0x2d8: {  	v39 =	vld [tilespmem:$0x1FFA0];
	_ =	sdelay $0x1  }
0x2d9: {  	v61 =	vor.u32 v10, v63;
	v3 =	vld [tilespmem:$0x1FEB0]  }
0x2da: {  	v54 =	vor.u32 v12, v26;
	v50 =	vor.u32 v14, v26;
	v26 =	vld.idx.msk [tilespmem:v56+s14+$0x0], $0xffff;
	[tilespmem:v22+s18+$0x0] =	vst.idx.msk $0xffff, v36  }
0x2db: {  	v20 =	vor.u32 v10, v1;
	v56 =	vadd.s32 v5, v58;
	v5 =	vld.idx.msk [tilespmem:v9+s14+$0x0], $0xffff  }
0x2dc: {  	v57 =	vadd.s32 v39, v60;
	v9 =	vld [tilespmem:$0x1FFD0]  }
0x2dd: {  	v31 =	vld [tilespmem:$0x1FF20];
	v43 =	vmov v35;
	v35 =	vor.u32 v10, v28;
	[tilespmem:v59+s18+$0x0] =	vst.idx.msk $0xffff, v19  }
0x2de: {  	v55 =	vadd.s32 s30, v38;
	v40 =	vmov v38;
	v38 =	vld.idx.msk [tilespmem:v61+s14+$0x0], $0xffff  }
0x2df: {  	v39 =	vmov v37;
	v37 =	vadd.s32 v3, v2;
	v3 =	vld [tilespmem:$0x1FFB0]  }
0x2e0: {  	v42 =	vmov v34;
	v34 =	vor.u32 v10, v21;
	v20 =	vld.idx.msk [tilespmem:v20+s14+$0x0], $0xffff  }
0x2e1: {  	[tilespmem:v57+s18+$0x0] =	vst.idx.msk $0xffff, v27;
	v57 =	vadd.s32 v9, v60;
	v9 =	vld [tilespmem:$0x1FF80]  }
0x2e2: {  	v19 =	vld.idx.msk [tilespmem:v35+s14+$0x0], $0xffff  }
0x2e3: {  	v35 =	vor.u32 v12, v1;
	v15 =	vld [tilespmem:$0x1FE90]  }
0x2e4: {  	v31 =	vadd.s32 v31, v47;
	v32 =	vadd.s32 v3, v60;
	v3 =	vld [tilespmem:$0x1FF70]  }
0x2e5: {  	v33 =	vor.u32 v10, v17;
	v27 =	vld.idx.msk [tilespmem:v34+s14+$0x0], $0xffff  }
0x2e6: {  	[tilespmem:v37+s18+$0x0] =	vst.idx.msk $0xffff, v20;
	v18 =	vadd.s32 v9, v58;
	v9 =	vld [tilespmem:$0x1FEC0]  }
0x2e7: {  	[tilespmem:v16+s18+$0x0] =	vst.idx.msk $0xffff, v26;
	v16 =	vld [tilespmem:$0x1FED0]  }
0x2e8: {  	v24 =	vor.u32 v12, v62;
	v59 =	vor.u32 v14, v62;
	v62 =	vld.idx.msk [tilespmem:v35+s14+$0x0], $0xffff  }
0x2e9: {  	v44 =	vor.u32 v14, v21;
	[tilespmem:v31+s18+$0x0] =	vst.idx.msk $0xffff, v30;
	v29 =	vadd.s32 v3, v58;
	v3 =	vld [tilespmem:$0x1FF30]  }
0x2ea: {  	v52 =	vor.u32 v14, v28;
	v28 =	vor.u32 v12, v28;
	v6 =	vor.u32 v12, v21;
	v21 =	vld.idx.msk [tilespmem:v33+s14+$0x0], $0xffff  }
0x2eb: {  	v61 =	vor.u32 v14, v63;
	v4 =	vor.u32 v12, v63;
	v63 =	vadd.s32 v9, v2;
	v9 =	vld [tilespmem:$0x1FF40]  }
0x2ec: {  	p0 =	slt.u32 s29, $0x78;
	v16 =	vadd.s32 v16, v2;
	v2 =	vld [tilespmem:$0x1FFC0]  }
.Ltmp7:
0x2ed: {  	[tilespmem:v32+s18+$0x0] =	vst.idx.msk $0xffff, v27;
	v27 =	vld [tilespmem:$0x1FF10];
	(pc) =	sbr.rel @p0 .LBB2_13-.Ltmp7, $4  }
0x2ee: {  	v45 =	vor.u32 v14, v17;
	v17 =	vor.u32 v12, v17;
	v32 =	vld [tilespmem:$0x1FE70]  }
0x2ef: {  	v15 =	vadd.s32 v15, v25;
	v22 =	vor.u32 v14, v1;
	v1 =	vld.idx.msk [tilespmem:v24+s14+$0x0], $0xffff;
	[tilespmem:v29+s18+$0x0] =	vst.idx.msk $0xffff, v19  }
0x2f0: {  	v34 =	vmovc v42;
	v36 =	vmov v41;
	[tilespmem:v23+s18+$0x0] =	vst.idx.msk $0xffff, v38;
	v38 =	vmov v40;
	v37 =	vmov v39;
	v19 =	vld.idx.msk [tilespmem:v28+s14+$0x0], $0xffff  }
0x2f1: {  	s29 =	sadd.s32 $0x8, s29;
	v35 =	vmovc v43;
	v3 =	vadd.s32 v3, v47;
	v9 =	vadd.s32 v9, v47;
	v20 =	vadd.s32 v2, v60;
	v60 =	vld [tilespmem:$0x1FFC0]  }
0x2f2: {  	_ =	sdelay $0x3  }
0x2f3: {  	[tilespmem:v55+s18+$0x0] =	vst.idx.msk $0xffff, v8  }
0x2f4: {  	[tilespmem:v63+s18+$0x0] =	vst.idx.msk $0xffff, v62;
	v6 =	vld.idx.msk [tilespmem:v6+s14+$0x0], $0xffff  }
0x2f5: {  	[tilespmem:v11+s18+$0x0] =	vst.idx.msk $0xffff, v5;
	v31 =	vld.idx.msk [tilespmem:v4+s14+$0x0], $0xffff  }
0x2f6: {  	[tilespmem:v3+s18+$0x0] =	vst.idx.msk $0xffff, v21;
	v2 =	vld.idx.msk [tilespmem:v54+s14+$0x0], $0xffff  }
0x2f7: {  	v5 =	vld.idx.msk [tilespmem:v13+s14+$0x0], $0xffff;
	[tilespmem:v7+s18+$0x0] =	vst.idx.msk $0xffff, v1  }
0x2f8: {  	v30 =	vld.idx.msk [tilespmem:v22+s14+$0x0], $0xffff;
	[tilespmem:v18+s18+$0x0] =	vst.idx.msk $0xffff, v19  }
0x2f9: {  	v33 =	vld.idx.msk [tilespmem:v17+s14+$0x0], $0xffff;
	[tilespmem:v20+s18+$0x0] =	vst.idx.msk $0xffff, v6  }
0x2fa: {  	[tilespmem:v53+s18+$0x0] =	vst.idx.msk $0xffff, v31  }
0x2fb: {  	[tilespmem:v49+s18+$0x0] =	vst.idx.msk $0xffff, v2  }
0x2fc: {  	[tilespmem:v15+s18+$0x0] =	vst.idx.msk $0xffff, v5  }
0x2fd: {  	[tilespmem:v16+s18+$0x0] =	vst.idx.msk $0xffff, v30  }
0x2fe: {  	v54 =	vld.idx.msk [tilespmem:v59+s14+$0x0], $0xffff;
	[tilespmem:v9+s18+$0x0] =	vst.idx.msk $0xffff, v33  }
0x2ff: {  	v58 =	vld [tilespmem:$0x1FF50]  }
0x300: {  	v36 =	vld.idx.msk [tilespmem:v52+s14+$0x0], $0xffff  }
0x301: {  	v49 =	vld.idx.msk [tilespmem:v44+s14+$0x0], $0xffff  }
0x302: {  	v55 =	vadd.s32 v27, v46;
	v61 =	vld.idx.msk [tilespmem:v61+s14+$0x0], $0xffff  }
0x303: {  	v52 =	vld.idx.msk [tilespmem:v50+s14+$0x0], $0xffff  }
0x304: {  	v63 =	vld.idx.msk [tilespmem:v45+s14+$0x0], $0xffff;
	[tilespmem:v48+s18+$0x0] =	vst.idx.msk $0xffff, v54;
	v62 =	vadd.s32 v58, v47  }
0x305: {  	[tilespmem:v56+s18+$0x0] =	vst.idx.msk $0xffff, v36  }
0x306: {  	s30 =	sshll.u32 s28, $0x13;
	[tilespmem:v57+s18+$0x0] =	vst.idx.msk $0xffff, v49  }
0x307: {  	s0 =	sadd.s32 s8, s30;
	[tilespmem:v55+s18+$0x0] =	vst.idx.msk $0xffff, v61  }
0x308: {  	s0 =	sshrl.u32 s0, $0x3;
	[tilespmem:v51+s18+$0x0] =	vst.idx.msk $0xffff, v52  }
0x309: {  	s1 =	simm.s32 $0x14800;
	s15 =	sadd.s32 s2, s0;
	[tilespmem:v62+s18+$0x0] =	vst.idx.msk $0xffff, v63  }
0x30a: {  	[hbm4b:s15+s3] =	stream.linear.scatter [tilespmem:s1], [sflag:$0x3], $0x80, $0x38;
	[tilespmem:$0x18C00] =	vst v63  }
0x30b: {  	s6 =	simm.s32 $0x14888;
	s1 =	sadd.s32 $0x10, s15  }
0x30c: {  	[hbm4b:s1+s3] =	stream.linear.scatter [tilespmem:s6], [sflag:$0x3], $0x80, $0x38;
	[tilespmem:$0x18C00] =	vst v63  }
0x30d: {  	s13 =	simm.s32 $0x14910;
	s22 =	sadd.s32 $0x20, s15  }
0x30e: {  	[hbm4b:s22+s3] =	stream.linear.scatter [tilespmem:s13], [sflag:$0x3], $0x80, $0x38;
	[tilespmem:$0x18C00] =	vst v63  }
0x30f: {  	s1 =	simm.s32 $0x14998;
	s6 =	sadd.s32 $0x30, s15  }
0x310: {  	[hbm4b:s6+s3] =	stream.linear.scatter [tilespmem:s1], [sflag:$0x3], $0x80, $0x38;
	[tilespmem:$0x18C00] =	vst v63  }
0x311: {  	s13 =	simm.s32 $0x14A20;
	s22 =	sadd.s32 $0x40, s15  }
0x312: {  	[hbm4b:s22+s3] =	stream.linear.scatter [tilespmem:s13], [sflag:$0x3], $0x80, $0x38;
	[tilespmem:$0x18C00] =	vst v63  }
0x313: {  	s31 =	simm.s32 $0x2200;
	s1 =	simm.s32 $0x14AA8;
	s6 =	sadd.s32 $0x50, s15  }
0x314: {  	[hbm4b:s6+s3] =	stream.linear.scatter [tilespmem:s1], [sflag:$0x3], $0x80, $0x38;
	[tilespmem:$0x18C00] =	vst v63  }
0x315: {  	s0 =	simm.s32 $0x14BB8;
	s13 =	simm.s32 $0x14B30;
	s22 =	sadd.s32 $0x60, s15  }
0x316: {  	[hbm4b:s22+s3] =	stream.linear.scatter [tilespmem:s13], [sflag:$0x3], $0x80, $0x38;
	[tilespmem:$0x18C00] =	vst v63  }
0x317: {  	s29 =	sadd.s32 $0x1000, s15;
	s1 =	simm.s32 $0x440;
	s13 =	sadd.s32 $0x70, s15  }
.LBB2_15:
0x318: {  	[hbm4b:s13+s3] =	stream.linear.scatter [tilespmem:s0], [sflag:$0x3], $0x80, $0x38;
	[tilespmem:$0x18C00] =	vst v63  }
0x319: {  	s0 =	smov.u32 s1;
	s1 =	smov.u32 s31  }
0x31a: {  	s15 =	sadd.s32 $0x1100, s31;
	s1 =	sshra.s32 s1, $0x2;
	s13 =	sadd.s32 $0x14800, s0  }
0x31b: {  	[hbm4b:s29+s3] =	stream.linear.scatter [tilespmem:s13], [sflag:$0x3], $0x80, $0x38;
	[tilespmem:$0x18C00] =	vst v63  }
0x31c: {  	p0 =	sne.s32 s31, $0x7700;
	s31 =	sadd.s32 $0x10, s29;
	s13 =	sadd.s32 $0x14888, s0  }
0x31d: {  	[hbm4b:s31+s3] =	stream.linear.scatter [tilespmem:s13], [sflag:$0x3], $0x80, $0x38;
	[tilespmem:$0x18C00] =	vst v63  }
0x31e: {  	s13 =	sadd.s32 $0x14910, s0;
	s31 =	sadd.s32 $0x20, s29  }
0x31f: {  	[hbm4b:s31+s3] =	stream.linear.scatter [tilespmem:s13], [sflag:$0x3], $0x80, $0x38;
	[tilespmem:$0x18C00] =	vst v63  }
0x320: {  	s13 =	sadd.s32 $0x14998, s0;
	s31 =	sadd.s32 $0x30, s29  }
0x321: {  	[hbm4b:s31+s3] =	stream.linear.scatter [tilespmem:s13], [sflag:$0x3], $0x80, $0x38;
	[tilespmem:$0x18C00] =	vst v63  }
0x322: {  	s13 =	sadd.s32 $0x14A20, s0;
	s31 =	sadd.s32 $0x40, s29  }
0x323: {  	[hbm4b:s31+s3] =	stream.linear.scatter [tilespmem:s13], [sflag:$0x3], $0x80, $0x38;
	[tilespmem:$0x18C00] =	vst v63  }
.Ltmp8:
0x324: {  	s13 =	sadd.s32 $0x14AA8, s0;
	s31 =	sadd.s32 $0x50, s29;
	(pc) =	sbr.rel @p0 .LBB2_15-.Ltmp8, $4  }
0x325: {  	[hbm4b:s31+s3] =	stream.linear.scatter [tilespmem:s13], [sflag:$0x3], $0x80, $0x38;
	[tilespmem:$0x18C00] =	vst v63  }
0x326: {  	s13 =	sadd.s32 $0x14B30, s0;
	s31 =	sadd.s32 $0x60, s29;
	s0 =	sadd.s32 $0x14BB8, s0  }
0x327: {  	[hbm4b:s31+s3] =	stream.linear.scatter [tilespmem:s13], [sflag:$0x3], $0x80, $0x38;
	[tilespmem:$0x18C00] =	vst v63  }
0x328: {  	s13 =	sadd.s32 $0x70, s29;
	s29 =	sadd.s32 $0x1000, s29;
	s31 =	smov.u32 s15  }
0x329: {  	[hbm4b:s13+s3] =	stream.linear.scatter [tilespmem:s0], [sflag:$0x3], $0x80, $0x38;
	[tilespmem:$0x18C00] =	vst v63  }
0x32a: {  	s6 =	sadd.s32 $0x14800, s1  }
0x32b: {  	[hbm4b:s29+s3] =	stream.linear.scatter [tilespmem:s6], [sflag:$0x3], $0x80, $0x38;
	[tilespmem:$0x18C00] =	vst v63  }
0x32c: {  	s13 =	sadd.s32 $0x14888, s1;
	s15 =	sadd.s32 $0x10, s29  }
0x32d: {  	[hbm4b:s15+s3] =	stream.linear.scatter [tilespmem:s13], [sflag:$0x3], $0x80, $0x38;
	[tilespmem:$0x18C00] =	vst v63  }
0x32e: {  	s22 =	sadd.s32 $0x14910, s1;
	s6 =	sadd.s32 $0x20, s29  }
0x32f: {  	[hbm4b:s6+s3] =	stream.linear.scatter [tilespmem:s22], [sflag:$0x3], $0x80, $0x38;
	[tilespmem:$0x18C00] =	vst v63  }
0x330: {  	s13 =	sadd.s32 $0x14998, s1;
	s15 =	sadd.s32 $0x30, s29  }
0x331: {  	[hbm4b:s15+s3] =	stream.linear.scatter [tilespmem:s13], [sflag:$0x3], $0x80, $0x38;
	[tilespmem:$0x18C00] =	vst v63  }
0x332: {  	s22 =	sadd.s32 $0x14A20, s1;
	s6 =	sadd.s32 $0x40, s29  }
0x333: {  	[hbm4b:s6+s3] =	stream.linear.scatter [tilespmem:s22], [sflag:$0x3], $0x80, $0x38;
	[tilespmem:$0x18C00] =	vst v63  }
0x334: {  	p0 =	seq.s32 s28, $0x62;
	s13 =	sadd.s32 $0x14AA8, s1;
	s15 =	sadd.s32 $0x50, s29  }
0x335: {  	[hbm4b:s15+s3] =	stream.linear.scatter [tilespmem:s13], [sflag:$0x3], $0x80, $0x38;
	[tilespmem:$0x18C00] =	vst v63  }
0x336: {  	s22 =	sadd.s32 $0x14B30, s1;
	s6 =	sadd.s32 $0x60, s29;
	s15 =	sadd.s32 $0x14BB8, s1  }
0x337: {  	[hbm4b:s6+s3] =	stream.linear.scatter [tilespmem:s22], [sflag:$0x3], $0x80, $0x38;
	[tilespmem:$0x18C00] =	vst v63  }
0x338: {  	s1 =	simm.s32 $0x0;
	s22 =	sadd.s32 $0x70, s29;
	s29 =	sshll.u32 s28, $0xA  }
0x339: {  	s13 =	simm.s32 $0x5;
	v1 =	vmov s1;
	s6 =	simm.s32 $0x4;
	s31 =	sshrl.u32 @!p0 s29, $0x2  }
0x33a: {  	v0 =	vlaneseq.u32;
	v3 =	vmov s13;
	v1 =	vshll.u32 v1, $0x7;
	[hbm4b:s22+s3] =	stream.linear.scatter [tilespmem:s15], [sflag:$0x3], $0x80, $0x38;
	[tilespmem:$0x18C00] =	vst v63  }
0x33b: {  	v21 =	vshll.u32 v3, $0x7;
	v2 =	vmov s6;
	s6 =	simm.s32 $0x2;
	v24 =	vor.u32 v0, v1;
	s15 =	simm.s32 $0x6;
	s22 =	simm.s32 $0x1  }
0x33c: {  	s13 =	sadd.s32 @!p0 $0x6600, s31;
	s31 =	simm.s32 @!p0 $0xC800;
	v6 =	vmov s6;
	v16 =	vshll.u32 v2, $0x7;
	v4 =	vmov s15;
	s15 =	simm.s32 @!p0 $0x80  }
0x33d: {  	v5 =	vmov s22;
	v7 =	vshll.u32 v6, $0x7;
	v25 =	vor.u32 v0, v16;
	[tilespmem:s31], [sflag:$0x1] =	stream.indirect.gather @!p0 [hbm4b:s4+s15], $0x80, s13, s15, $0xb8;
	[tilespmem:$0x18C00] =	vst v63  }
0x33e: {  	s22 =	simm.s32 $0x3;
	v26 =	vand.u32 $0x78, v6;
	v6 =	vor.u32 v0, v21;
	v9 =	vand.u32 $0x78, v4;
	_ =	swait.ge [sflag:s20], $0x4000  }
0x33f: {  	v15 =	vshll.u32 v5, $0x7;
	s15 =	simm.s32 $0x7;
	v11 =	vor.u32 v0, v7;
	v17 =	vmov s22;
	[sflag:s20] =	ssyncset.done $0x0  }
0x340: {  	v8 =	vor.u32 v0, v15;
	v13 =	vmov s15;
	v20 =	vshll.u32 v17, $0x7;
	[sflag:s20] =	ssyncadd.s32 $0xFFFFC000  }
0x341: {  	v18 =	vshll.u32 v4, $0x7;
	v19 =	vshll.u32 v13, $0x7;
	v4 =	vor.u32 v0, v20;
	_ =	swait.ge [sflag:s24], $0x2000  }
0x342: {  	v23 =	vand.u32 $0x78, v13;
	v13 =	vor.u32 v0, v18;
	v22 =	vor.u32 v0, v19;
	[sflag:s24] =	ssyncset.done $0x0;
	v0 =	vld [tilespmem:$0x1FEA0]  }
0x343: {  	[sflag:s24] =	ssyncadd.s32 $0xFFFFE000  }
0x344: {  	v11 =	vld.idx.msk [tilespmem:v11+s16+$0x0], $0xffff  }
0x345: {  	v46 =	vand.u32 $0x78, v2;
	v5 =	vand.u32 $0x78, v5;
	v2 =	vadd.s32 v35, v26;
	v8 =	vld.idx.msk [tilespmem:v8+s16+$0x0], $0xffff  }
0x346: {  	v27 =	vand.u32 $0x78, v17;
	v17 =	vadd.s32 v32, v5;
	v4 =	vld.idx.msk [tilespmem:v4+s16+$0x0], $0xffff  }
0x347: {  	v29 =	vadd.s32 v0, v27;
	v0 =	vld [tilespmem:$0x1FF60];
	_ =	sdelay $0x1  }
0x348: {  	v33 =	vld [tilespmem:$0x1FEE0]  }
0x349: {  	v50 =	vld [tilespmem:$0x1FFA0];
	[tilespmem:v2+s21+$0x0] =	vst.idx.msk $0xffff, v11  }
0x34a: {  	v13 =	vld.idx.msk [tilespmem:v13+s16+$0x0], $0xffff;
	[tilespmem:v17+s21+$0x0] =	vst.idx.msk $0xffff, v8  }
0x34b: {  	v8 =	vld [tilespmem:$0x1FF20];
	v31 =	vadd.s32 v0, v9;
	[tilespmem:v29+s21+$0x0] =	vst.idx.msk $0xffff, v4  }
0x34c: {  	v4 =	vld [tilespmem:$0x1FE30];
	_ =	sdelay $0x3  }
0x34d: {  	v25 =	vld.idx.msk [tilespmem:v25+s16+$0x0], $0xffff;
	v33 =	vadd.s32 v33, v46;
	[tilespmem:v31+s21+$0x0] =	vst.idx.msk $0xffff, v13  }
0x34e: {  	v51 =	vadd.s32 v4, v26;
	v4 =	vld [tilespmem:$0x1FE50];
	_ =	sdelay $0x3  }
0x34f: {  	v35 =	vadd.s32 v50, v23;
	v11 =	vld.idx.msk [tilespmem:v22+s16+$0x0], $0xffff;
	[tilespmem:v33+s21+$0x0] =	vst.idx.msk $0xffff, v25  }
0x350: {  	v13 =	vadd.s32 v4, v5;
	v4 =	vld [tilespmem:$0x1FEB0]  }
0x351: {  	v28 =	vor.u32 v10, v7  }
0x352: {  	v30 =	vor.u32 v10, v15  }
0x353: {  	v47 =	vand.u32 $0x78, v3;
	v3 =	vadd.s32 s1, v37;
	v49 =	vor.u32 v10, v20  }
0x354: {  	v2 =	vor.u32 v10, v18;
	v17 =	vadd.s32 v8, v47;
	v8 =	vld.idx.msk [tilespmem:v24+s16+$0x0], $0xffff;
	[tilespmem:v35+s21+$0x0] =	vst.idx.msk $0xffff, v11  }
0x355: {  	v59 =	vadd.s32 v4, v27;
	v4 =	vld [tilespmem:$0x1FF70]  }
0x356: {  	v28 =	vld.idx.msk [tilespmem:v28+s16+$0x0], $0xffff  }
0x357: {  	v30 =	vld.idx.msk [tilespmem:v30+s16+$0x0], $0xffff  }
0x358: {  	v61 =	vld.idx.msk [tilespmem:v49+s16+$0x0], $0xffff  }
0x359: {  	v2 =	vld.idx.msk [tilespmem:v2+s16+$0x0], $0xffff;
	[tilespmem:v3+s21+$0x0] =	vst.idx.msk $0xffff, v8  }
0x35a: {  	v3 =	vld [tilespmem:$0x1FEF0];
	v11 =	vadd.s32 v4, v9;
	_ =	sdelay $0x1  }
0x35b: {  	v54 =	vor.u32 v12, v1;
	[tilespmem:v51+s21+$0x0] =	vst.idx.msk $0xffff, v28  }
0x35c: {  	v32 =	vor.u32 v10, v1;
	v50 =	vor.u32 v14, v1;
	v1 =	vld [tilespmem:$0x1FFB0];
	[tilespmem:v13+s21+$0x0] =	vst.idx.msk $0xffff, v30  }
0x35d: {  	[tilespmem:v59+s21+$0x0] =	vst.idx.msk $0xffff, v61  }
0x35e: {  	v63 =	vadd.s32 v3, v46;
	v3 =	vld [tilespmem:$0x1FF30];
	[tilespmem:v11+s21+$0x0] =	vst.idx.msk $0xffff, v2  }
0x35f: {  	v2 =	vld [tilespmem:$0x1FE80];
	_ =	sdelay $0x4  }
0x360: {  	v11 =	vadd.s32 v2, v26;
	v2 =	vld [tilespmem:$0x1FF00];
	_ =	sdelay $0x3  }
0x361: {  	v36 =	vld.idx.msk [tilespmem:v6+s16+$0x0], $0xffff;
	v22 =	vor.u32 v10, v16  }
0x362: {  	v53 =	vadd.s32 v2, v46;
	v2 =	vld [tilespmem:$0x1FE60];
	_ =	sdelay $0x3  }
0x363: {  	v22 =	vld.idx.msk [tilespmem:v22+s16+$0x0], $0xffff;
	[tilespmem:v17+s21+$0x0] =	vst.idx.msk $0xffff, v36  }
0x364: {  	v62 =	vor.u32 v12, v7;
	v13 =	vor.u32 v14, v7;
	v7 =	vadd.s32 v2, v5;
	v2 =	vld [tilespmem:$0x1FE40];
	_ =	sdelay $0x3  }
0x365: {  	v57 =	vor.u32 v10, v19;
	[tilespmem:v63+s21+$0x0] =	vst.idx.msk $0xffff, v22  }
0x366: {  	v51 =	vadd.s32 s1, v2;
	v2 =	vld [tilespmem:$0x1FF90];
	_ =	sdelay $0x3  }
0x367: {  	v28 =	vld.idx.msk [tilespmem:v57+s16+$0x0], $0xffff  }
0x368: {  	v1 =	vadd.s32 v1, v23;
	v56 =	vadd.s32 v2, v9;
	v2 =	vld [tilespmem:$0x1FFD0];
	_ =	sdelay $0x4  }
0x369: {  	v57 =	vadd.s32 v2, v23;
	v2 =	vld [tilespmem:$0x1FF80];
	[tilespmem:v1+s21+$0x0] =	vst.idx.msk $0xffff, v28  }
0x36a: {  	v1 =	vld [tilespmem:$0x1FEC0];
	_ =	sdelay $0x2  }
0x36b: {  	v52 =	vor.u32 v14, v18;
	v24 =	vor.u32 v12, v18;
	v18 =	vor.u32 v12, v20;
	_ =	sdelay $0x1  }
0x36c: {  	v22 =	vadd.s32 v1, v27;
	v1 =	vld [tilespmem:$0x1FF40];
	_ =	sdelay $0x1  }
0x36d: {  	v48 =	vadd.s32 v34, v5;
	v5 =	vld.idx.msk [tilespmem:v62+s16+$0x0], $0xffff  }
0x36e: {  	v62 =	vld.idx.msk [tilespmem:v18+s16+$0x0], $0xffff  }
0x36f: {  	v25 =	vor.u32 v10, v21;
	v18 =	vadd.s32 v2, v9;
	v2 =	vld [tilespmem:$0x1FED0]  }
0x370: {  	v33 =	vor.u32 v12, v15;
	v9 =	vadd.s32 v1, v47;
	v1 =	vld [tilespmem:$0x1FE90]  }
0x371: {  	v55 =	vadd.s32 s1, v38;
	v45 =	vor.u32 v14, v21;
	v44 =	vor.u32 v14, v19  }
0x372: {  	v6 =	vor.u32 v12, v19;
	v0 =	vlaneseq.u32;
	v8 =	vld.idx.msk [tilespmem:v32+s16+$0x0], $0xffff;
	v4 =	vor.u32 v12, v16  }
0x373: {  	v59 =	vor.u32 v14, v15;
	v61 =	vor.u32 v14, v16;
	v3 =	vadd.s32 v3, v47;
	v19 =	vld.idx.msk [tilespmem:v24+s16+$0x0], $0xffff  }
0x374: {  	v49 =	vadd.s32 s1, v41;
	v36 =	vmovc v41;
	v17 =	vor.u32 v12, v21;
	v21 =	vld.idx.msk [tilespmem:v25+s16+$0x0], $0xffff;
	v63 =	vor.u32 v14, v20  }
0x375: {  	s31 =	simm.s32 $0x8;
	v20 =	vadd.s32 v60, v23;
	v16 =	vadd.s32 v2, v27;
	v15 =	vadd.s32 v1, v26;
	v1 =	vld.idx.msk [tilespmem:v33+s16+$0x0], $0xffff  }
.LBB2_17:
0x376: {  	_ = 	snop  }
0x377: {  	v4 =	vld.idx.msk [tilespmem:v4+s16+$0x0], $0xffff  }
0x378: {  	[tilespmem:v55+s21+$0x0] =	vst.idx.msk $0xffff, v8;
	v8 =	vld [tilespmem:$0x1FF10]  }
0x379: {  	v28 =	vld.idx.msk [tilespmem:v6+s16+$0x0], $0xffff  }
0x37a: {  	s0 =	sadd.s32 $0x4, s31;
	s6 =	sadd.s32 $0x2, s31;
	[tilespmem:v11+s21+$0x0] =	vst.idx.msk $0xffff, v5;
	v31 =	vld.idx.msk [tilespmem:v54+s16+$0x0], $0xffff  }
0x37b: {  	s13 =	sadd.s32 $0x5, s31;
	s22 =	sadd.s32 $0x1, s31;
	v25 =	vmov s0;
	v30 =	vmov s6;
	v13 =	vld.idx.msk [tilespmem:v13+s16+$0x0], $0xffff;
	[tilespmem:v22+s21+$0x0] =	vst.idx.msk $0xffff, v62  }
0x37c: {  	v26 =	vmov s13;
	v29 =	vmov s22;
	v6 =	vshll.u32 v30, $0x7;
	[tilespmem:v3+s21+$0x0] =	vst.idx.msk $0xffff, v21;
	v11 =	vld.idx.msk [tilespmem:v63+s16+$0x0], $0xffff  }
0x37d: {  	v5 =	vand.u32 $0x78, v29;
	v62 =	vshll.u32 v29, $0x7;
	v29 =	vor.u32 v0, v6;
	[tilespmem:v7+s21+$0x0] =	vst.idx.msk $0xffff, v1;
	v7 =	vld.idx.msk [tilespmem:v17+s16+$0x0], $0xffff  }
0x37e: {  	v23 =	vadd.s32 v8, v46;
	v63 =	vshll.u32 v25, $0x7;
	v46 =	vand.u32 $0x78, v25;
	v25 =	vld [tilespmem:$0x1FFE0]  }
0x37f: {  	[tilespmem:v18+s21+$0x0] =	vst.idx.msk $0xffff, v19;
	v8 =	vadd.s32 v58, v47;
	v17 =	vshll.u32 v26, $0x7;
	v47 =	vand.u32 $0x78, v26;
	v26 =	vld.idx.msk [tilespmem:v59+s16+$0x0], $0xffff  }
0x380: {  	[tilespmem:v53+s21+$0x0] =	vst.idx.msk $0xffff, v4;
	v4 =	vld [tilespmem:$0x1FEE0]  }
0x381: {  	[tilespmem:v49+s21+$0x0] =	vst.idx.msk $0xffff, v31;
	v31 =	vld.idx.msk [tilespmem:v52+s16+$0x0], $0xffff  }
0x382: {  	s1 =	smov.u32 s31;
	v32 =	vor.u32 v0, v62;
	[tilespmem:v20+s21+$0x0] =	vst.idx.msk $0xffff, v28;
	v59 =	vld [tilespmem:$0x1FFA0]  }
0x383: {  	s22 =	sadd.s32 $0x3, s1;
	[tilespmem:v15+s21+$0x0] =	vst.idx.msk $0xffff, v13;
	v13 =	vld.idx.msk [tilespmem:v44+s16+$0x0], $0xffff  }
0x384: {  	v3 =	vmov s22;
	v29 =	vld.idx.msk [tilespmem:v29+s16+$0x0], $0xffff  }
0x385: {  	v1 =	vshll.u32 v3, $0x7;
	[tilespmem:v9+s21+$0x0] =	vst.idx.msk $0xffff, v7;
	v9 =	vld [tilespmem:$0x1FFF0]  }
0x386: {  	v2 =	vmov s31;
	s15 =	sadd.s32 $0x6, s31;
	v20 =	vor.u32 v0, v1;
	[tilespmem:v56+s21+$0x0] =	vst.idx.msk $0xffff, v31;
	v56 =	vld [tilespmem:$0x1FEA0]  }
0x387: {  	v27 =	vmov s15;
	s15 =	sadd.s32 $0x7, s31;
	v30 =	vand.u32 $0x78, v30;
	v19 =	vor.u32 v0, v63;
	[tilespmem:v16+s21+$0x0] =	vst.idx.msk $0xffff, v11;
	v11 =	vld.idx.msk [tilespmem:v32+s16+$0x0], $0xffff  }
0x388: {  	v22 =	vshll.u32 v2, $0x7;
	v2 =	vmov s15;
	v32 =	vadd.s32 v4, v46;
	v4 =	vld.idx.msk [tilespmem:v61+s16+$0x0], $0xffff  }
0x389: {  	v24 =	vmovc v48;
	v21 =	vshll.u32 v2, $0x7;
	v60 =	vand.u32 $0x78, v2;
	v48 =	vadd.s32 v25, v5;
	v25 =	vld.idx.msk [tilespmem:v50+s16+$0x0], $0xffff  }
0x38a: {  	v2 =	vand.u32 $0x78, v3;
	v34 =	vor.u32 v0, v21;
	v16 =	vld [tilespmem:$0x1FE70];
	v9 =	vadd.s32 v9, v30  }
0x38b: {  	v15 =	vadd.s32 s1, v37;
	[tilespmem:v57+s21+$0x0] =	vst.idx.msk $0xffff, v13;
	v13 =	vld.idx.msk [tilespmem:v20+s16+$0x0], $0xffff;
	v37 =	vadd.s32 v56, v2  }
0x38c: {  	v18 =	vor.u32 v0, v22;
	v19 =	vld.idx.msk [tilespmem:v19+s16+$0x0], $0xffff  }
0x38d: {  	[tilespmem:v23+s21+$0x0] =	vst.idx.msk $0xffff, v4;
	v4 =	vld [tilespmem:$0x1FEF0]  }
0x38e: {  	v55 =	vadd.s32 s1, v38;
	v3 =	vor.u32 v0, v17;
	v38 =	vld.idx.msk [tilespmem:v45+s16+$0x0], $0xffff;
	[tilespmem:v51+s21+$0x0] =	vst.idx.msk $0xffff, v25  }
0x38f: {  	v28 =	vor.u32 v10, v6;
	v53 =	vadd.s32 v59, v60;
	[tilespmem:v9+s21+$0x0] =	vst.idx.msk $0xffff, v29;
	v29 =	vld.idx.msk [tilespmem:v34+s16+$0x0], $0xffff  }
0x390: {  	v9 =	vor.u32 v12, v6;
	[tilespmem:v37+s21+$0x0] =	vst.idx.msk $0xffff, v13;
	v13 =	vor.u32 v14, v6;
	v6 =	vld [tilespmem:$0x1FF00]  }
0x391: {  	v18 =	vld.idx.msk [tilespmem:v18+s16+$0x0], $0xffff  }
0x392: {  	v58 =	vand.u32 $0x78, v27;
	v27 =	vshll.u32 v27, $0x7;
	v23 =	vadd.s32 v4, v46;
	v4 =	vld [tilespmem:$0x1FE50]  }
0x393: {  	v33 =	vor.u32 v0, v27;
	v34 =	vld.idx.msk [tilespmem:v3+s16+$0x0], $0xffff  }
0x394: {  	v7 =	vor.u32 v10, v22;
	v16 =	vadd.s32 v16, v5;
	[tilespmem:v8+s21+$0x0] =	vst.idx.msk $0xffff, v38;
	v8 =	vld [tilespmem:$0x1FE80]  }
0x395: {  	[tilespmem:v53+s21+$0x0] =	vst.idx.msk $0xffff, v29;
	v53 =	vadd.s32 v6, v46;
	v6 =	vld [tilespmem:$0x1FE60]  }
0x396: {  	v54 =	vld [tilespmem:$0x1FF20]  }
0x397: {  	[tilespmem:v24+s21+$0x0] =	vst.idx.msk $0xffff, v26;
	v26 =	vld [tilespmem:$0x1FE30]  }
0x398: {  	v33 =	vld.idx.msk [tilespmem:v33+s16+$0x0], $0xffff;
	[tilespmem:v15+s21+$0x0] =	vst.idx.msk $0xffff, v18  }
0x399: {  	v51 =	vor.u32 v10, v21;
	[tilespmem:v16+s21+$0x0] =	vst.idx.msk $0xffff, v11;
	v11 =	vadd.s32 v8, v30;
	v8 =	vld.idx.msk [tilespmem:v7+s16+$0x0], $0xffff  }
0x39a: {  	v16 =	vadd.s32 v4, v5;
	v7 =	vadd.s32 v6, v5;
	v5 =	vld [tilespmem:$0x1FE40]  }
0x39b: {  	v35 =	vor.u32 v10, v63;
	v25 =	vld [tilespmem:$0x1FF60]  }
0x39c: {  	v31 =	vor.u32 v10, v62;
	v3 =	vld [tilespmem:$0x1FEB0]  }
0x39d: {  	v20 =	vor.u32 v10, v1;
	v28 =	vld.idx.msk [tilespmem:v28+s16+$0x0], $0xffff  }
0x39e: {  	v26 =	vadd.s32 v26, v30;
	v29 =	vld.idx.msk [tilespmem:v51+s16+$0x0], $0xffff  }
0x39f: {  	[tilespmem:v32+s21+$0x0] =	vst.idx.msk $0xffff, v19;
	v51 =	vadd.s32 s1, v5;
	v5 =	vld [tilespmem:$0x1FF90]  }
0x3a0: {  	v49 =	vadd.s32 s1, v36;
	v35 =	vld.idx.msk [tilespmem:v35+s16+$0x0], $0xffff  }
0x3a1: {  	v36 =	vadd.s32 v54, v47;
	v54 =	vor.u32 v12, v22;
	v50 =	vor.u32 v14, v22;
	v22 =	vld.idx.msk [tilespmem:v31+s16+$0x0], $0xffff  }
0x3a2: {  	v20 =	vld.idx.msk [tilespmem:v20+s16+$0x0], $0xffff  }
0x3a3: {  	v57 =	vadd.s32 v3, v2;
	v3 =	vld [tilespmem:$0x1FFB0];
	[tilespmem:v26+s21+$0x0] =	vst.idx.msk $0xffff, v28  }
0x3a4: {  	v25 =	vadd.s32 v25, v58;
	v56 =	vadd.s32 v5, v58;
	v5 =	vld.idx.msk [tilespmem:v9+s16+$0x0], $0xffff  }
0x3a5: {  	v9 =	vld [tilespmem:$0x1FFD0]  }
0x3a6: {  	v61 =	vor.u32 v10, v27;
	[tilespmem:v23+s21+$0x0] =	vst.idx.msk $0xffff, v35;
	v23 =	vld [tilespmem:$0x1FED0]  }
0x3a7: {  	v28 =	vld [tilespmem:$0x1FEC0]  }
0x3a8: {  	v31 =	vadd.s32 v3, v60;
	v3 =	vld [tilespmem:$0x1FF70]  }
0x3a9: {  	[tilespmem:v25+s21+$0x0] =	vst.idx.msk $0xffff, v33  }
0x3aa: {  	[tilespmem:v57+s21+$0x0] =	vst.idx.msk $0xffff, v20;
	v57 =	vadd.s32 v9, v60;
	v9 =	vld [tilespmem:$0x1FF80]  }
0x3ab: {  	v19 =	vld.idx.msk [tilespmem:v61+s16+$0x0], $0xffff;
	v61 =	vor.u32 v12, v1  }
0x3ac: {  	v24 =	vor.u32 v12, v62;
	v32 =	vor.u32 v10, v17;
	v26 =	vld [tilespmem:$0x1FE90];
	[tilespmem:v16+s21+$0x0] =	vst.idx.msk $0xffff, v22  }
0x3ad: {  	v16 =	vadd.s32 v23, v2;
	v22 =	vadd.s32 v28, v2;
	v2 =	vld [tilespmem:$0x1FFC0];
	v25 =	vadd.s32 v3, v58  }
0x3ae: {  	v52 =	vor.u32 v14, v27;
	v27 =	vor.u32 v12, v27;
	v3 =	vld [tilespmem:$0x1FF30]  }
0x3af: {  	p1 =	slt.u32 s31, $0x78;
	v44 =	vor.u32 v14, v21;
	v18 =	vadd.s32 v9, v58;
	v9 =	vld [tilespmem:$0x1FF40]  }
.Ltmp9:
0x3b0: {  	v59 =	vor.u32 v14, v62;
	v45 =	vor.u32 v14, v17;
	[tilespmem:v36+s21+$0x0] =	vst.idx.msk $0xffff, v34;
	v62 =	vld.idx.msk [tilespmem:v61+s16+$0x0], $0xffff;
	(pc) =	sbr.rel @p1 .LBB2_17-.Ltmp9, $4  }
0x3b1: {  	v17 =	vor.u32 v12, v17;
	v4 =	vor.u32 v12, v63;
	v6 =	vor.u32 v12, v21;
	v21 =	vld.idx.msk [tilespmem:v32+s16+$0x0], $0xffff  }
0x3b2: {  	v61 =	vor.u32 v14, v63;
	v63 =	vor.u32 v14, v1;
	v1 =	vld.idx.msk [tilespmem:v24+s16+$0x0], $0xffff;
	[tilespmem:v25+s21+$0x0] =	vst.idx.msk $0xffff, v19  }
0x3b3: {  	v38 =	vmov v40;
	v37 =	vmov v39;
	v15 =	vadd.s32 v26, v30;
	[tilespmem:v31+s21+$0x0] =	vst.idx.msk $0xffff, v29;
	v19 =	vld.idx.msk [tilespmem:v27+s16+$0x0], $0xffff  }
0x3b4: {  	s31 =	sadd.s32 $0x8, s31;
	v36 =	vmovc v41;
	v20 =	vadd.s32 v2, v60;
	v3 =	vadd.s32 v3, v47;
	v58 =	vld [tilespmem:$0x1FF50];
	v9 =	vadd.s32 v9, v47  }
0x3b5: {  	_ =	sdelay $0x3  }
0x3b6: {  	[tilespmem:v55+s21+$0x0] =	vst.idx.msk $0xffff, v8  }
0x3b7: {  	[tilespmem:v22+s21+$0x0] =	vst.idx.msk $0xffff, v62;
	v6 =	vld.idx.msk [tilespmem:v6+s16+$0x0], $0xffff  }
0x3b8: {  	[tilespmem:v11+s21+$0x0] =	vst.idx.msk $0xffff, v5;
	v40 =	vld.idx.msk [tilespmem:v4+s16+$0x0], $0xffff  }
0x3b9: {  	v2 =	vld.idx.msk [tilespmem:v54+s16+$0x0], $0xffff;
	[tilespmem:v3+s21+$0x0] =	vst.idx.msk $0xffff, v21  }
0x3ba: {  	v5 =	vld.idx.msk [tilespmem:v13+s16+$0x0], $0xffff;
	[tilespmem:v7+s21+$0x0] =	vst.idx.msk $0xffff, v1  }
0x3bb: {  	v39 =	vld.idx.msk [tilespmem:v63+s16+$0x0], $0xffff;
	[tilespmem:v18+s21+$0x0] =	vst.idx.msk $0xffff, v19  }
0x3bc: {  	[tilespmem:v20+s21+$0x0] =	vst.idx.msk $0xffff, v6  }
0x3bd: {  	[tilespmem:v53+s21+$0x0] =	vst.idx.msk $0xffff, v40  }
0x3be: {  	[tilespmem:v49+s21+$0x0] =	vst.idx.msk $0xffff, v2  }
0x3bf: {  	v41 =	vld.idx.msk [tilespmem:v17+s16+$0x0], $0xffff;
	[tilespmem:v15+s21+$0x0] =	vst.idx.msk $0xffff, v5  }
0x3c0: {  	v59 =	vld.idx.msk [tilespmem:v59+s16+$0x0], $0xffff;
	[tilespmem:v16+s21+$0x0] =	vst.idx.msk $0xffff, v39  }
0x3c1: {  	v27 =	vld [tilespmem:$0x1FF10]  }
0x3c2: {  	v52 =	vld.idx.msk [tilespmem:v52+s16+$0x0], $0xffff  }
0x3c3: {  	v54 =	vld.idx.msk [tilespmem:v44+s16+$0x0], $0xffff  }
0x3c4: {  	v55 =	vld.idx.msk [tilespmem:v50+s16+$0x0], $0xffff;
	[tilespmem:v9+s21+$0x0] =	vst.idx.msk $0xffff, v41  }
0x3c5: {  	v62 =	vadd.s32 v58, v47;
	v63 =	vld.idx.msk [tilespmem:v45+s16+$0x0], $0xffff  }
0x3c6: {  	v61 =	vld.idx.msk [tilespmem:v61+s16+$0x0], $0xffff;
	[tilespmem:v48+s21+$0x0] =	vst.idx.msk $0xffff, v59;
	v60 =	vadd.s32 v27, v46  }
0x3c7: {  	[tilespmem:v56+s21+$0x0] =	vst.idx.msk $0xffff, v52  }
0x3c8: {  	[tilespmem:v57+s21+$0x0] =	vst.idx.msk $0xffff, v54  }
0x3c9: {  	s0 =	sadd.s32 s9, s30;
	[tilespmem:v51+s21+$0x0] =	vst.idx.msk $0xffff, v55  }
0x3ca: {  	s0 =	sshrl.u32 s0, $0x3;
	[tilespmem:v62+s21+$0x0] =	vst.idx.msk $0xffff, v63  }
0x3cb: {  	s1 =	simm.s32 $0x16A00;
	s6 =	sadd.s32 s2, s0;
	[tilespmem:v60+s21+$0x0] =	vst.idx.msk $0xffff, v61  }
0x3cc: {  	[hbm4b:s6+s3] =	stream.linear.scatter [tilespmem:s1], [sflag:$0x4], $0x80, $0x38;
	[tilespmem:$0x18C00] =	vst v63  }
0x3cd: {  	s13 =	simm.s32 $0x16A88;
	s1 =	sadd.s32 $0x10, s6  }
0x3ce: {  	[hbm4b:s1+s3] =	stream.linear.scatter [tilespmem:s13], [sflag:$0x4], $0x80, $0x38;
	[tilespmem:$0x18C00] =	vst v63  }
0x3cf: {  	s15 =	simm.s32 $0x16B10;
	s31 =	simm.s32 $0x2200;
	s22 =	sadd.s32 $0x20, s6  }
0x3d0: {  	[hbm4b:s22+s3] =	stream.linear.scatter [tilespmem:s15], [sflag:$0x4], $0x80, $0x38;
	[tilespmem:$0x18C00] =	vst v63  }
0x3d1: {  	s0 =	simm.s32 $0x16DB8;
	s1 =	simm.s32 $0x16B98;
	s13 =	sadd.s32 $0x30, s6  }
0x3d2: {  	[hbm4b:s13+s3] =	stream.linear.scatter [tilespmem:s1], [sflag:$0x4], $0x80, $0x38;
	[tilespmem:$0x18C00] =	vst v63  }
0x3d3: {  	s30 =	sadd.s32 $0x1000, s6;
	s15 =	simm.s32 $0x16C20;
	s22 =	sadd.s32 $0x40, s6  }
0x3d4: {  	[hbm4b:s22+s3] =	stream.linear.scatter [tilespmem:s15], [sflag:$0x4], $0x80, $0x38;
	[tilespmem:$0x18C00] =	vst v63  }
0x3d5: {  	s1 =	simm.s32 $0x16CA8;
	s13 =	sadd.s32 $0x50, s6;
	s15 =	simm.s32 $0x16D30  }
0x3d6: {  	[hbm4b:s13+s3] =	stream.linear.scatter [tilespmem:s1], [sflag:$0x4], $0x80, $0x38;
	[tilespmem:$0x18C00] =	vst v63  }
0x3d7: {  	s22 =	sadd.s32 $0x60, s6;
	s1 =	simm.s32 $0x440;
	s13 =	sadd.s32 $0x70, s6  }
0x3d8: {  	[hbm4b:s22+s3] =	stream.linear.scatter [tilespmem:s15], [sflag:$0x4], $0x80, $0x38;
	[tilespmem:$0x18C00] =	vst v63  }
.LBB2_19:
0x3d9: {  	[hbm4b:s13+s3] =	stream.linear.scatter [tilespmem:s0], [sflag:$0x4], $0x80, $0x38;
	[tilespmem:$0x18C00] =	vst v63  }
0x3da: {  	s0 =	smov.u32 s1;
	s1 =	smov.u32 s31  }
0x3db: {  	s6 =	sadd.s32 $0x1100, s31;
	s1 =	sshra.s32 s1, $0x2;
	s13 =	sadd.s32 $0x16A00, s0  }
0x3dc: {  	[hbm4b:s30+s3] =	stream.linear.scatter [tilespmem:s13], [sflag:$0x4], $0x80, $0x38;
	[tilespmem:$0x18C00] =	vst v63  }
0x3dd: {  	p1 =	sne.s32 s31, $0x7700;
	s15 =	sadd.s32 $0x10, s30;
	s13 =	sadd.s32 $0x16A88, s0  }
0x3de: {  	[hbm4b:s15+s3] =	stream.linear.scatter [tilespmem:s13], [sflag:$0x4], $0x80, $0x38;
	[tilespmem:$0x18C00] =	vst v63  }
0x3df: {  	s13 =	sadd.s32 $0x16B10, s0;
	s15 =	sadd.s32 $0x20, s30  }
0x3e0: {  	[hbm4b:s15+s3] =	stream.linear.scatter [tilespmem:s13], [sflag:$0x4], $0x80, $0x38;
	[tilespmem:$0x18C00] =	vst v63  }
0x3e1: {  	s13 =	sadd.s32 $0x16B98, s0;
	s15 =	sadd.s32 $0x30, s30  }
0x3e2: {  	[hbm4b:s15+s3] =	stream.linear.scatter [tilespmem:s13], [sflag:$0x4], $0x80, $0x38;
	[tilespmem:$0x18C00] =	vst v63  }
0x3e3: {  	s13 =	sadd.s32 $0x16C20, s0;
	s15 =	sadd.s32 $0x40, s30  }
0x3e4: {  	[hbm4b:s15+s3] =	stream.linear.scatter [tilespmem:s13], [sflag:$0x4], $0x80, $0x38;
	[tilespmem:$0x18C00] =	vst v63  }
.Ltmp10:
0x3e5: {  	s13 =	sadd.s32 $0x16CA8, s0;
	s15 =	sadd.s32 $0x50, s30;
	(pc) =	sbr.rel @p1 .LBB2_19-.Ltmp10, $4  }
0x3e6: {  	[hbm4b:s15+s3] =	stream.linear.scatter [tilespmem:s13], [sflag:$0x4], $0x80, $0x38;
	[tilespmem:$0x18C00] =	vst v63  }
0x3e7: {  	s31 =	smov.u32 s6;
	s13 =	sadd.s32 $0x16D30, s0;
	s15 =	sadd.s32 $0x60, s30  }
0x3e8: {  	[hbm4b:s15+s3] =	stream.linear.scatter [tilespmem:s13], [sflag:$0x4], $0x80, $0x38;
	[tilespmem:$0x18C00] =	vst v63  }
0x3e9: {  	s0 =	sadd.s32 $0x16DB8, s0;
	s13 =	sadd.s32 $0x70, s30;
	s30 =	sadd.s32 $0x1000, s30  }
0x3ea: {  	[hbm4b:s13+s3] =	stream.linear.scatter [tilespmem:s0], [sflag:$0x4], $0x80, $0x38;
	[tilespmem:$0x18C00] =	vst v63  }
0x3eb: {  	s22 =	sadd.s32 $0x16A00, s1  }
0x3ec: {  	[hbm4b:s30+s3] =	stream.linear.scatter [tilespmem:s22], [sflag:$0x4], $0x80, $0x38;
	[tilespmem:$0x18C00] =	vst v63  }
0x3ed: {  	s31 =	sadd.s32 $0x16A88, s1;
	s6 =	sadd.s32 $0x10, s30  }
0x3ee: {  	[hbm4b:s6+s3] =	stream.linear.scatter [tilespmem:s31], [sflag:$0x4], $0x80, $0x38;
	[tilespmem:$0x18C00] =	vst v63  }
0x3ef: {  	s13 =	sadd.s32 $0x16B10, s1;
	s15 =	sadd.s32 $0x20, s30  }
0x3f0: {  	v25 =	vld [tilespmem:$0x1FE40];
	[hbm4b:s15+s3] =	stream.linear.scatter [tilespmem:s13], [sflag:$0x4], $0x80, $0x38  }
0x3f1: {  	v32 =	vld [tilespmem:$0x1FE70];
	s22 =	sadd.s32 $0x16B98, s1;
	s31 =	sadd.s32 $0x30, s30  }
0x3f2: {  	v29 =	vld [tilespmem:$0x1FE50];
	[hbm4b:s31+s3] =	stream.linear.scatter [tilespmem:s22], [sflag:$0x4], $0x80, $0x38  }
0x3f3: {  	v30 =	vld [tilespmem:$0x1FE60];
	s13 =	sadd.s32 $0x16C20, s1;
	s15 =	sadd.s32 $0x40, s30  }
0x3f4: {  	v41 =	vld [tilespmem:$0x1FE30];
	[hbm4b:s15+s3] =	stream.linear.scatter [tilespmem:s13], [sflag:$0x4], $0x80, $0x38  }
0x3f5: {  	v34 =	vmov v42;
	v42 =	vld [tilespmem:$0x1FE80];
	s22 =	sadd.s32 $0x16CA8, s1;
	s31 =	sadd.s32 $0x50, s30  }
0x3f6: {  	v55 =	vld [tilespmem:$0x1FEA0];
	[hbm4b:s31+s3] =	stream.linear.scatter [tilespmem:s22], [sflag:$0x4], $0x80, $0x38  }
.Ltmp11:
0x3f7: {  	v0 =	vld [tilespmem:$0x1FF20];
	(pc) =	sbr.rel @p0 .LBB2_22-.Ltmp11, $4  }
0x3f8: {  	v31 =	vld [tilespmem:$0x1FF30];
	s13 =	sadd.s32 $0x16D30, s1;
	s15 =	sadd.s32 $0x60, s30  }
0x3f9: {  	v39 =	vld [tilespmem:$0x1FF90];
	[hbm4b:s15+s3] =	stream.linear.scatter [tilespmem:s13], [sflag:$0x4], $0x80, $0x38  }
0x3fa: {  	v63 =	vld [tilespmem:$0x1FFA0];
	s22 =	sadd.s32 $0x16DB8, s1;
	s31 =	sadd.s32 $0x70, s30  }
0x3fb: {  	v40 =	vlaneseq.u32;
	v35 =	vmov v43;
	v24 =	vld [tilespmem:$0x1FFB0];
	[hbm4b:s31+s3] =	stream.linear.scatter [tilespmem:s22], [sflag:$0x4], $0x80, $0x38  }
.Ltmp12:
0x3fc: {  	(pc) =	sbr.rel .LBB2_12-.Ltmp12, $4  }
0x3fd: {  	v9 =	vld [tilespmem:$0x1FEB0]  }
0x3fe: {  	s0 =	sshrl.u32 s29, $0x2;
	v33 =	vld [tilespmem:$0x1FEE0]  }
0x3ff: {  	s28 =	sadd.s32 $0x1, s28;
	v39 =	vld [tilespmem:$0x1FF60];
	s0 =	sadd.s32 $0x6680, s0  }
0x400: {  	v43 =	vld [tilespmem:$0x1FF70];
	[tilespmem:s16], [sflag:$0x2] =	stream.indirect.gather [hbm4b:s4+s12], $0x80, s0, s12, $0xb8  }
.LBB2_23:
0x401: {  	_ =	sfence.sel $0x180000  }
0x402: {  	[bflag:$0x0] =	sbarrier.arrive $0xFFFF  }
0x403: {  	_ =	strace $0x90000047  }
0x404: {  	s0 =	stileid.u32;
	[bflag:$0x2] =	sbarrier.arrive $0xFFFF  }
0x405: {  	p0 =	sne.s32 s0, $0x0;
	s0 =	rddreg [dreg:$0x2]  }
0x406: {  	s0 =	sadd.s32 @!p0 $0x100000, s0  }
0x407: {  	[sflag:s0] =	ssyncadd.tile.s32 @!p0 $0x1;
	_ =	shalt  }
.Lfunc_end2:
_tile_overlayer_lowered:
.L_overlay_start_2:
0x408: {  	(tag) =	ssettag $0x2  }
0x409: {  	s0 =	rddreg [dreg:$0x0];
	s2 =	stileid.u32  }
0x40a: {  	s1 =	rddreg [dreg:$0x1];
	p0 =	sne.s32 s2, $0x0  }
0x40b: {  	s3 =	rddreg [dreg:$0x2];
	[bflag:$0x3] =	sbarrier.arrive $0xFFFF;
	s2 =	simm.s32 @!p0 $0x1C05  }
0x40c: {  	[timem:s3], [sflag:s2] =	dma.local @!p0 [hbm:s0], s1  }
0x40d: {  	s0 =	simm.s32 @!p0 $0x5  }
0x40e: {  	_ =	swait.ge @!p0 [sflag:s0], s1  }
0x40f: {  	s1 =	ssub.s32 @!p0 $0x0, s1;
	[sflag:s0] =	ssyncset.done @!p0 $0x0  }
0x410: {  	[sflag:s0] =	ssyncadd.s32 @!p0 s1  }
0x411: {  	[bflag:$0x3] =	sbarrier.arrive $0xFFFF  }
0x412: {  	_ =	shalt  }

</sc_bundles>
